<compile_context>
chip_gen: v7x
topology: tpu7x:2x2x1
jax: 0.10.2.dev20260603
libtpu: 0.0.44.dev20260713+nightly
codegen_flags: <defaults>
</compile_context>

<pallas_src>
import functools

import jax
import jax.numpy as jnp
from jax import lax
from jax.experimental import pallas as pl
from jax.experimental.pallas import tpu as pltpu
from jax.experimental.pallas import tpu_sc as plsc

_N = 100000
_E = 6400000
_G = 64
_NP = 100352
_S = _NP // 16
_ROWS = _E // 128
_CH_ROWS = 8
_NCHUNK = _ROWS // _CH_ROWS
_NW = 32
_Q, _R = divmod(_NCHUNK, _NW)
_SC = 784

_mesh = plsc.VectorSubcoreMesh(core_axis_name="c", subcore_axis_name="s",
                               num_cores=2, num_subcores=16)


def _rsqrt16(d):
    i = plsc.bitcast(d, jnp.int32)
    i = jnp.int32(0x5F3759DF) - lax.shift_right_logical(i, 1)
    r = plsc.bitcast(i, jnp.float32)
    for _ in range(5):
        r = r * (1.5 - 0.5 * d * r * r)
    return r


def _worker_range(w):
    start = w * _Q + jnp.minimum(w, _R)
    cnt = _Q + (w < _R).astype(jnp.int32)
    return start, cnt



@functools.partial(
    pl.kernel,
    out_type=pltpu.HBM((2, _NP), jnp.float32),
    mesh=_mesh,
    compiler_params=pltpu.CompilerParams(needs_layout_passes=False, use_tc_tiling_on_sc=False),
    scratch_types=[
        pltpu.VMEM((_CH_ROWS, 128), jnp.int32),
        pltpu.VMEM((_CH_ROWS, 128), jnp.float32),
        pltpu.VMEM_SHARED((_NP,), jnp.float32),
        pltpu.SemaphoreType.DMA,
        pltpu.SemaphoreType.DMA,
    ],
)
def _deg_kernel(col2d, ew2d, z1, deg2, col_v, ew_v, deg_sh, sem, asem):
    c = lax.axis_index("c")
    s = lax.axis_index("s")
    base = s * _S
    pltpu.sync_copy(z1, deg_sh.at[pl.ds(base, _S)])
    plsc.subcore_barrier()

    w = c * 16 + s
    start, cnt = _worker_range(w)

    def chunk(t, carry):
        ci = start + t
        dc = pltpu.async_copy(col2d.at[pl.ds(ci * _CH_ROWS, _CH_ROWS), :],
                              col_v, sem)
        de = pltpu.async_copy(ew2d.at[pl.ds(ci * _CH_ROWS, _CH_ROWS), :],
                              ew_v, sem)
        dc.wait()
        de.wait()
        descs = [
            pltpu.async_copy(ew_v.at[j], deg_sh.at[col_v.at[j]], asem,
                             add=True)
            for j in range(_CH_ROWS)
        ]
        for d in descs:
            d.wait()
        return carry

    lax.fori_loop(0, cnt, chunk, 0)
    plsc.subcore_barrier()
    pltpu.sync_copy(deg_sh.at[pl.ds(base, _S)], deg2.at[c, pl.ds(base, _S)])



_DBLK = _NP // 16


def _prescale_body(deg_ref, x_ref, w_ref, y_ref):
    deg = deg_ref[0] + deg_ref[1] + 1.0
    dis = lax.rsqrt(deg)
    xwt = (w_ref[:, 0][:, None] * x_ref[:, 0][None, :]
           + w_ref[:, 1][:, None] * x_ref[:, 1][None, :])
    y_ref[...] = dis[None, :] * xwt


_prescale_call = pl.pallas_call(
    _prescale_body,
    grid=(16,),
    in_specs=[
        pl.BlockSpec((2, _DBLK), lambda i: (0, i)),
        pl.BlockSpec((_DBLK, 2), lambda i: (i, 0)),
        pl.BlockSpec((4, 2), lambda i: (0, 0)),
    ],
    out_specs=pl.BlockSpec((4, _DBLK), lambda i: (0, i)),
    out_shape=jax.ShapeDtypeStruct((4, _NP), jnp.float32),
)



@functools.partial(
    pl.kernel,
    out_type=pltpu.HBM((2, 4, _NP), jnp.float32),
    mesh=_mesh,
    compiler_params=pltpu.CompilerParams(needs_layout_passes=False, use_tc_tiling_on_sc=False),
    scratch_types=[
        pltpu.VMEM((_CH_ROWS, 128), jnp.int32),
        pltpu.VMEM((_CH_ROWS, 128), jnp.int32),
        pltpu.VMEM((_CH_ROWS * 128,), jnp.float32),
        pltpu.VMEM((4, 128), jnp.float32),
        pltpu.VMEM((4, 128), jnp.float32),
        pltpu.VMEM_SHARED((4, _NP), jnp.float32),
        pltpu.VMEM_SHARED((4, _NP), jnp.float32),
        pltpu.SemaphoreType.DMA,
        pltpu.SemaphoreType.DMA,
        pltpu.SemaphoreType.DMA,
    ],
)
def _msg_kernel(row2d, col2d, ewf, yf, z1, acc2,
                row_v, col_v, ew_v,
                mi_v, mo_v, y_sh, acc_sh, sem, gsem, asem):
    c = lax.axis_index("c")
    s = lax.axis_index("s")
    base = s * _S

    for ch in range(4):
        pltpu.sync_copy(z1, acc_sh.at[ch, pl.ds(base, _S)])
        pltpu.sync_copy(yf.at[ch, pl.ds(base, _S)],
                        y_sh.at[ch, pl.ds(base, _S)])
    plsc.subcore_barrier()

    w = c * 16 + s
    start, cnt = _worker_range(w)

    def chunk(t, carry):
        ci = start + t
        dr = pltpu.async_copy(row2d.at[pl.ds(ci * _CH_ROWS, _CH_ROWS), :],
                              row_v, sem)
        dc = pltpu.async_copy(col2d.at[pl.ds(ci * _CH_ROWS, _CH_ROWS), :],
                              col_v, sem)
        de = pltpu.async_copy(ewf.at[pl.ds(ci * _CH_ROWS * 128,
                                           _CH_ROWS * 128)], ew_v, sem)
        dr.wait()
        dc.wait()
        de.wait()

        def row_body(j, carry2):
            gds = [
                pltpu.async_copy(y_sh.at[ch].at[row_v.at[j]],
                                 mi_v.at[ch], gsem)
                for ch in range(4)
            ]
            for g in gds:
                g.wait()

            def mul_body(k, carry3):
                sl = pl.ds(k * 16, 16)
                w16 = ew_v[pl.ds(j * 128 + k * 16, 16)]
                for ch in range(4):
                    mo_v[ch, sl] = mi_v[ch, sl] * w16
                return carry3

            lax.fori_loop(0, 8, mul_body, 0)
            ads = [
                pltpu.async_copy(mo_v.at[ch],
                                 acc_sh.at[ch].at[col_v.at[j]], asem,
                                 add=True)
                for ch in range(4)
            ]
            for a in ads:
                a.wait()
            return carry2

        lax.fori_loop(0, _CH_ROWS, row_body, 0)
        return carry

    lax.fori_loop(0, cnt, chunk, 0)
    plsc.subcore_barrier()
    for ch in range(4):
        pltpu.sync_copy(acc_sh.at[ch, pl.ds(base, _S)],
                        acc2.at[c, ch, pl.ds(base, _S)])




def _final_body(acc_ref, deg_ref, x_ref, bt_ref, w_ref, b_ref, w2_ref,
                b2_ref, out_ref):
    i = pl.program_id(0)
    acc = acc_ref[0] + acc_ref[1]
    deg = deg_ref[0] + deg_ref[1] + 1.0
    dis = lax.rsqrt(deg)
    xwt = (w_ref[:, 0][:, None] * x_ref[:, 0][None, :]
           + w_ref[:, 1][:, None] * x_ref[:, 1][None, :])
    agg = dis[None, :] * (acc + dis[None, :] * xwt)
    h = jnp.maximum(agg + b_ref[0][:, None], 0.0)
    o = jnp.sum(h * w2_ref[0][:, None], axis=0) + b2_ref[0, 0]
    gid = lax.broadcasted_iota(jnp.int32, (_DBLK,), 0) + i * _DBLK
    o = jnp.where(gid < _N, o, 0.0)
    bt = bt_ref[0, 0]
    oh = (lax.broadcasted_iota(jnp.int32, (_G, _DBLK), 0)
          == bt[None, :]).astype(jnp.float32)
    contrib = jnp.sum(oh * o[None, :], axis=1)

    @pl.when(i == 0)
    def _():
        out_ref[...] = jnp.zeros_like(out_ref)

    out_ref[...] += contrib[:, None]


_final_call = pl.pallas_call(
    _final_body,
    grid=(16,),
    in_specs=[
        pl.BlockSpec((2, 4, _DBLK), lambda i: (0, 0, i)),
        pl.BlockSpec((2, _DBLK), lambda i: (0, i)),
        pl.BlockSpec((_DBLK, 2), lambda i: (i, 0)),
        pl.BlockSpec((1, 1, _DBLK), lambda i: (i, 0, 0)),
        pl.BlockSpec((4, 2), lambda i: (0, 0)),
        pl.BlockSpec((1, 4), lambda i: (0, 0)),
        pl.BlockSpec((1, 4), lambda i: (0, 0)),
        pl.BlockSpec((1, 1), lambda i: (0, 0)),
    ],
    out_specs=pl.BlockSpec((_G, 1), lambda i: (0, 0)),
    out_shape=jax.ShapeDtypeStruct((_G, 1), jnp.float32),
)


def kernel(x, edge_index, edge_attr, batch, W, b, W2, b2):
    row2d = edge_index[0].reshape(_ROWS, 128)
    col2d = edge_index[1].reshape(_ROWS, 128)
    ew2d = edge_attr.reshape(_ROWS, 128)
    x_pad = jnp.zeros((_NP, 2), jnp.float32).at[:_N].set(x)
    z1 = jnp.zeros((_S,), jnp.float32)

    deg2 = _deg_kernel(col2d, ew2d, z1)
    yf = _prescale_call(deg2, x_pad, W)
    acc2 = _msg_kernel(row2d, col2d, edge_attr, yf, z1)

    bt3 = (jnp.zeros((_NP,), jnp.int32).at[:_N].set(batch)
           .reshape(16, 1, _DBLK))
    pooled = _final_call(acc2, deg2, x_pad, bt3, W, b.reshape(1, 4),
                         W2, b2.reshape(1, 1))
    return pooled

# --- scband reference (transcript-rebuilt; emitter-appended) ---
"""Pipeline reference for scband-gcnconv-tg-88794153877677 (READ-ONLY COPY).

The authoritative reference and input builder live on the scoring server;
editing this copy changes nothing except your own understanding.
"""

import jax, jax.numpy as jnp
import numpy as np

N = 100000
E = 6400000
NUM_GRAPHS = 64
IN_C = 2
OUT_C = 4


def setup_inputs(seed: int = 0) -> dict:
    key = jax.random.key(seed)
    k1, k2, k3, k4, k5, k6, k7, k8 = jax.random.split(key, 8)
    x = jax.random.normal(k1, (N, IN_C), dtype=jnp.float32)
    edge_index = jax.random.randint(k2, (2, E), 0, N, dtype=jnp.int32)
    edge_attr = jax.random.uniform(k3, (E,), dtype=jnp.float32)
    batch = jnp.sort(jax.random.randint(k4, (N,), 0, NUM_GRAPHS, dtype=jnp.int32))
    # GCNConv linear weight (out_c, in_c) and bias
    W = jax.random.normal(k5, (OUT_C, IN_C), dtype=jnp.float32) * 0.5
    b = jax.random.normal(k6, (OUT_C,), dtype=jnp.float32) * 0.1
    # dense layer Linear(4, 1)
    W2 = jax.random.normal(k7, (1, OUT_C), dtype=jnp.float32) * 0.5
    b2 = jax.random.normal(k8, (1,), dtype=jnp.float32) * 0.1
    return {"x": x, "edge_index": edge_index, "edge_attr": edge_attr, "batch": batch,
            "W": W, "b": b, "W2": W2, "b2": b2}


def reference(x, edge_index, edge_attr, batch, W, b, W2, b2):
    # --- GCNConv(2, 4, normalize=True, bias=True) with edge weights ---
    row = edge_index[0]
    col = edge_index[1]
    # add self loops with weight 1.0 (PyG default add_self_loops=True)
    loop = jnp.arange(N, dtype=edge_index.dtype)
    row_sl = jnp.concatenate([row, loop])
    col_sl = jnp.concatenate([col, loop])
    ew = jnp.concatenate([edge_attr, jnp.ones((N,), dtype=edge_attr.dtype)])
    # symmetric normalization (gcn_norm, flow=source_to_target)
    deg = jax.ops.segment_sum(ew, col_sl, num_segments=N)
    deg_inv_sqrt = jnp.where(deg > 0, deg ** -0.5, 0.0)
    norm = deg_inv_sqrt[row_sl] * ew * deg_inv_sqrt[col_sl]
    # linear transform then message passing (gather from source, scatter-add at target)
    xw = x @ W.T
    msg = norm[:, None] * jnp.take(xw, row_sl, axis=0)
    agg = jax.ops.segment_sum(msg, col_sl, num_segments=N)
    h = agg + b
    # --- ReLU ---
    h = jax.nn.relu(h)
    # --- Linear(4, 1) ---
    out = h @ W2.T + b2
    # --- scatter_sum over batch (graph-level readout) ---
    pooled = jax.ops.segment_sum(out, batch, num_segments=NUM_GRAPHS)
    return pooled

if __name__ == "__main__":
    import jax
    _d = setup_inputs()
    print(jax.jit(kernel)(*tuple(_d.values())))

</pallas_src>

<mosaic_0001>
#map = affine_map<(d0, d1) -> (0, 0)>
#map1 = affine_map<(d0, d1) -> (0)>
#map2 = affine_map<(d0, d1) -> (0, 0, 0)>
module attributes {stable_mosaic.version = 14 : i64} {
  func.func @_msg_kernel(%arg0: i32, %arg1: i32, %arg2: memref<50000x128xi32, #tpu.memory_space<hbm>>, %arg3: memref<50000x128xi32, #tpu.memory_space<hbm>>, %arg4: memref<6400000xf32, #tpu.memory_space<hbm>>, %arg5: memref<4x100352xf32, #tpu.memory_space<hbm>>, %arg6: memref<6272xf32, #tpu.memory_space<hbm>>, %arg7: memref<2x4x100352xf32, #tpu.memory_space<hbm>>, %arg8: memref<8x128xi32, #tpu.memory_space<vmem>>, %arg9: memref<8x128xi32, #tpu.memory_space<vmem>>, %arg10: memref<1024xf32, #tpu.memory_space<vmem>>, %arg11: memref<4x128xf32, #tpu.memory_space<vmem>>, %arg12: memref<4x128xf32, #tpu.memory_space<vmem>>, %arg13: memref<4x100352xf32, #tpu.memory_space<vmem_shared>>, %arg14: memref<4x100352xf32, #tpu.memory_space<vmem_shared>>, %arg15: memref<!tpu.dma_semaphore, #tpu.memory_space<semaphore_mem>>, %arg16: memref<!tpu.dma_semaphore, #tpu.memory_space<semaphore_mem>>, %arg17: memref<!tpu.dma_semaphore, #tpu.memory_space<semaphore_mem>>) attributes {dimension_semantics = [#tpu.dimension_semantics<core_parallel>, #tpu.dimension_semantics<subcore_parallel>], iteration_bounds = array<i64: 2, 16>, scalar_prefetch = 0 : i64, scratch_operands = 10 : i64, tpu.core_type = #tpu.core_type<sc_vector_subcore>, window_params = [{transform_indices = #map}, {transform_indices = #map}, {transform_indices = #map1}, {transform_indices = #map}, {transform_indices = #map1}, {transform_indices = #map2}]} {
    %mul3A = arith.constant 6272 : i32
    %mul3A_0 = arith.muli %arg1, %mul3A : i32
    %run_scoped3A = arith.constant 0 : i32
    "tpu.region"() ({
      %run_scoped3A_39 = tpu.sem_alloc : memref<!tpu.dma_semaphore, #tpu.memory_space<semaphore_mem>>
      %dma_start3A = tpu.memref_slice %arg14[%run_scoped3A, %mul3A_0] : memref<4x100352xf32, #tpu.memory_space<vmem_shared>> -> memref<1x6272xf32, #tpu.memory_space<vmem_shared>>
      %dma_start3A_40 = tpu.memref_squeeze %dma_start3A : memref<1x6272xf32, #tpu.memory_space<vmem_shared>> -> memref<6272xf32, #tpu.memory_space<vmem_shared>>
      tpu.enqueue_dma source(%arg6 : memref<6272xf32, #tpu.memory_space<hbm>>) target(%dma_start3A_40 : memref<6272xf32, #tpu.memory_space<vmem_shared>>) target_semaphore(%run_scoped3A_39 : memref<!tpu.dma_semaphore, #tpu.memory_space<semaphore_mem>>)
      %dma_wait3A = tpu.memref_slice %arg14[%run_scoped3A, %mul3A_0] : memref<4x100352xf32, #tpu.memory_space<vmem_shared>> -> memref<1x6272xf32, #tpu.memory_space<vmem_shared>>
      %dma_wait3A_41 = tpu.memref_squeeze %dma_wait3A : memref<1x6272xf32, #tpu.memory_space<vmem_shared>> -> memref<6272xf32, #tpu.memory_space<vmem_shared>>
      tpu.wait_dma2 semaphore(%run_scoped3A_39 : memref<!tpu.dma_semaphore, #tpu.memory_space<semaphore_mem>>) src(%arg6 : memref<6272xf32, #tpu.memory_space<hbm>>) dst(%dma_wait3A_41 : memref<6272xf32, #tpu.memory_space<vmem_shared>>)
      tpu.yield
    }) : () -> ()
    %run_scoped3A_1 = arith.constant 0 : i32
    %run_scoped3A_2 = arith.constant 0 : i32
    "tpu.region"() ({
      %run_scoped3A_39 = tpu.sem_alloc : memref<!tpu.dma_semaphore, #tpu.memory_space<semaphore_mem>>
      %dma_start3A = tpu.memref_slice %arg13[%run_scoped3A_2, %mul3A_0] : memref<4x100352xf32, #tpu.memory_space<vmem_shared>> -> memref<1x6272xf32, #tpu.memory_space<vmem_shared>>
      %dma_start3A_40 = tpu.memref_squeeze %dma_start3A : memref<1x6272xf32, #tpu.memory_space<vmem_shared>> -> memref<6272xf32, #tpu.memory_space<vmem_shared>>
      %dma_start3A_41 = tpu.memref_slice %arg5[%run_scoped3A_1, %mul3A_0] : memref<4x100352xf32, #tpu.memory_space<hbm>> -> memref<1x6272xf32, #tpu.memory_space<hbm>>
      %dma_start3A_42 = tpu.memref_squeeze %dma_start3A_41 : memref<1x6272xf32, #tpu.memory_space<hbm>> -> memref<6272xf32, #tpu.memory_space<hbm>>
      tpu.enqueue_dma source(%dma_start3A_42 : memref<6272xf32, #tpu.memory_space<hbm>>) target(%dma_start3A_40 : memref<6272xf32, #tpu.memory_space<vmem_shared>>) target_semaphore(%run_scoped3A_39 : memref<!tpu.dma_semaphore, #tpu.memory_space<semaphore_mem>>)
      %dma_wait3A = tpu.memref_slice %arg13[%run_scoped3A_2, %mul3A_0] : memref<4x100352xf32, #tpu.memory_space<vmem_shared>> -> memref<1x6272xf32, #tpu.memory_space<vmem_shared>>
      %dma_wait3A_43 = tpu.memref_squeeze %dma_wait3A : memref<1x6272xf32, #tpu.memory_space<vmem_shared>> -> memref<6272xf32, #tpu.memory_space<vmem_shared>>
      %dma_wait3A_44 = tpu.memref_slice %arg5[%run_scoped3A_1, %mul3A_0] : memref<4x100352xf32, #tpu.memory_space<hbm>> -> memref<1x6272xf32, #tpu.memory_space<hbm>>
      %dma_wait3A_45 = tpu.memref_squeeze %dma_wait3A_44 : memref<1x6272xf32, #tpu.memory_space<hbm>> -> memref<6272xf32, #tpu.memory_space<hbm>>
      tpu.wait_dma2 semaphore(%run_scoped3A_39 : memref<!tpu.dma_semaphore, #tpu.memory_space<semaphore_mem>>) src(%dma_wait3A_45 : memref<6272xf32, #tpu.memory_space<hbm>>) dst(%dma_wait3A_43 : memref<6272xf32, #tpu.memory_space<vmem_shared>>)
      tpu.yield
    }) : () -> ()
    %run_scoped3A_3 = arith.constant 1 : i32
    "tpu.region"() ({
      %run_scoped3A_39 = tpu.sem_alloc : memref<!tpu.dma_semaphore, #tpu.memory_space<semaphore_mem>>
      %dma_start3A = tpu.memref_slice %arg14[%run_scoped3A_3, %mul3A_0] : memref<4x100352xf32, #tpu.memory_space<vmem_shared>> -> memref<1x6272xf32, #tpu.memory_space<vmem_shared>>
      %dma_start3A_40 = tpu.memref_squeeze %dma_start3A : memref<1x6272xf32, #tpu.memory_space<vmem_shared>> -> memref<6272xf32, #tpu.memory_space<vmem_shared>>
      tpu.enqueue_dma source(%arg6 : memref<6272xf32, #tpu.memory_space<hbm>>) target(%dma_start3A_40 : memref<6272xf32, #tpu.memory_space<vmem_shared>>) target_semaphore(%run_scoped3A_39 : memref<!tpu.dma_semaphore, #tpu.memory_space<semaphore_mem>>)
      %dma_wait3A = tpu.memref_slice %arg14[%run_scoped3A_3, %mul3A_0] : memref<4x100352xf32, #tpu.memory_space<vmem_shared>> -> memref<1x6272xf32, #tpu.memory_space<vmem_shared>>
      %dma_wait3A_41 = tpu.memref_squeeze %dma_wait3A : memref<1x6272xf32, #tpu.memory_space<vmem_shared>> -> memref<6272xf32, #tpu.memory_space<vmem_shared>>
      tpu.wait_dma2 semaphore(%run_scoped3A_39 : memref<!tpu.dma_semaphore, #tpu.memory_space<semaphore_mem>>) src(%arg6 : memref<6272xf32, #tpu.memory_space<hbm>>) dst(%dma_wait3A_41 : memref<6272xf32, #tpu.memory_space<vmem_shared>>)
      tpu.yield
    }) : () -> ()
    %run_scoped3A_4 = arith.constant 1 : i32
    %run_scoped3A_5 = arith.constant 1 : i32
    "tpu.region"() ({
      %run_scoped3A_39 = tpu.sem_alloc : memref<!tpu.dma_semaphore, #tpu.memory_space<semaphore_mem>>
      %dma_start3A = tpu.memref_slice %arg13[%run_scoped3A_5, %mul3A_0] : memref<4x100352xf32, #tpu.memory_space<vmem_shared>> -> memref<1x6272xf32, #tpu.memory_space<vmem_shared>>
      %dma_start3A_40 = tpu.memref_squeeze %dma_start3A : memref<1x6272xf32, #tpu.memory_space<vmem_shared>> -> memref<6272xf32, #tpu.memory_space<vmem_shared>>
      %dma_start3A_41 = tpu.memref_slice %arg5[%run_scoped3A_4, %mul3A_0] : memref<4x100352xf32, #tpu.memory_space<hbm>> -> memref<1x6272xf32, #tpu.memory_space<hbm>>
      %dma_start3A_42 = tpu.memref_squeeze %dma_start3A_41 : memref<1x6272xf32, #tpu.memory_space<hbm>> -> memref<6272xf32, #tpu.memory_space<hbm>>
      tpu.enqueue_dma source(%dma_start3A_42 : memref<6272xf32, #tpu.memory_space<hbm>>) target(%dma_start3A_40 : memref<6272xf32, #tpu.memory_space<vmem_shared>>) target_semaphore(%run_scoped3A_39 : memref<!tpu.dma_semaphore, #tpu.memory_space<semaphore_mem>>)
      %dma_wait3A = tpu.memref_slice %arg13[%run_scoped3A_5, %mul3A_0] : memref<4x100352xf32, #tpu.memory_space<vmem_shared>> -> memref<1x6272xf32, #tpu.memory_space<vmem_shared>>
      %dma_wait3A_43 = tpu.memref_squeeze %dma_wait3A : memref<1x6272xf32, #tpu.memory_space<vmem_shared>> -> memref<6272xf32, #tpu.memory_space<vmem_shared>>
      %dma_wait3A_44 = tpu.memref_slice %arg5[%run_scoped3A_4, %mul3A_0] : memref<4x100352xf32, #tpu.memory_space<hbm>> -> memref<1x6272xf32, #tpu.memory_space<hbm>>
      %dma_wait3A_45 = tpu.memref_squeeze %dma_wait3A_44 : memref<1x6272xf32, #tpu.memory_space<hbm>> -> memref<6272xf32, #tpu.memory_space<hbm>>
      tpu.wait_dma2 semaphore(%run_scoped3A_39 : memref<!tpu.dma_semaphore, #tpu.memory_space<semaphore_mem>>) src(%dma_wait3A_45 : memref<6272xf32, #tpu.memory_space<hbm>>) dst(%dma_wait3A_43 : memref<6272xf32, #tpu.memory_space<vmem_shared>>)
      tpu.yield
    }) : () -> ()
    %run_scoped3A_6 = arith.constant 2 : i32
    "tpu.region"() ({
      %run_scoped3A_39 = tpu.sem_alloc : memref<!tpu.dma_semaphore, #tpu.memory_space<semaphore_mem>>
      %dma_start3A = tpu.memref_slice %arg14[%run_scoped3A_6, %mul3A_0] : memref<4x100352xf32, #tpu.memory_space<vmem_shared>> -> memref<1x6272xf32, #tpu.memory_space<vmem_shared>>
      %dma_start3A_40 = tpu.memref_squeeze %dma_start3A : memref<1x6272xf32, #tpu.memory_space<vmem_shared>> -> memref<6272xf32, #tpu.memory_space<vmem_shared>>
      tpu.enqueue_dma source(%arg6 : memref<6272xf32, #tpu.memory_space<hbm>>) target(%dma_start3A_40 : memref<6272xf32, #tpu.memory_space<vmem_shared>>) target_semaphore(%run_scoped3A_39 : memref<!tpu.dma_semaphore, #tpu.memory_space<semaphore_mem>>)
      %dma_wait3A = tpu.memref_slice %arg14[%run_scoped3A_6, %mul3A_0] : memref<4x100352xf32, #tpu.memory_space<vmem_shared>> -> memref<1x6272xf32, #tpu.memory_space<vmem_shared>>
      %dma_wait3A_41 = tpu.memref_squeeze %dma_wait3A : memref<1x6272xf32, #tpu.memory_space<vmem_shared>> -> memref<6272xf32, #tpu.memory_space<vmem_shared>>
      tpu.wait_dma2 semaphore(%run_scoped3A_39 : memref<!tpu.dma_semaphore, #tpu.memory_space<semaphore_mem>>) src(%arg6 : memref<6272xf32, #tpu.memory_space<hbm>>) dst(%dma_wait3A_41 : memref<6272xf32, #tpu.memory_space<vmem_shared>>)
      tpu.yield
    }) : () -> ()
    %run_scoped3A_7 = arith.constant 2 : i32
    %run_scoped3A_8 = arith.constant 2 : i32
    "tpu.region"() ({
      %run_scoped3A_39 = tpu.sem_alloc : memref<!tpu.dma_semaphore, #tpu.memory_space<semaphore_mem>>
      %dma_start3A = tpu.memref_slice %arg13[%run_scoped3A_8, %mul3A_0] : memref<4x100352xf32, #tpu.memory_space<vmem_shared>> -> memref<1x6272xf32, #tpu.memory_space<vmem_shared>>
      %dma_start3A_40 = tpu.memref_squeeze %dma_start3A : memref<1x6272xf32, #tpu.memory_space<vmem_shared>> -> memref<6272xf32, #tpu.memory_space<vmem_shared>>
      %dma_start3A_41 = tpu.memref_slice %arg5[%run_scoped3A_7, %mul3A_0] : memref<4x100352xf32, #tpu.memory_space<hbm>> -> memref<1x6272xf32, #tpu.memory_space<hbm>>
      %dma_start3A_42 = tpu.memref_squeeze %dma_start3A_41 : memref<1x6272xf32, #tpu.memory_space<hbm>> -> memref<6272xf32, #tpu.memory_space<hbm>>
      tpu.enqueue_dma source(%dma_start3A_42 : memref<6272xf32, #tpu.memory_space<hbm>>) target(%dma_start3A_40 : memref<6272xf32, #tpu.memory_space<vmem_shared>>) target_semaphore(%run_scoped3A_39 : memref<!tpu.dma_semaphore, #tpu.memory_space<semaphore_mem>>)
      %dma_wait3A = tpu.memref_slice %arg13[%run_scoped3A_8, %mul3A_0] : memref<4x100352xf32, #tpu.memory_space<vmem_shared>> -> memref<1x6272xf32, #tpu.memory_space<vmem_shared>>
      %dma_wait3A_43 = tpu.memref_squeeze %dma_wait3A : memref<1x6272xf32, #tpu.memory_space<vmem_shared>> -> memref<6272xf32, #tpu.memory_space<vmem_shared>>
      %dma_wait3A_44 = tpu.memref_slice %arg5[%run_scoped3A_7, %mul3A_0] : memref<4x100352xf32, #tpu.memory_space<hbm>> -> memref<1x6272xf32, #tpu.memory_space<hbm>>
      %dma_wait3A_45 = tpu.memref_squeeze %dma_wait3A_44 : memref<1x6272xf32, #tpu.memory_space<hbm>> -> memref<6272xf32, #tpu.memory_space<hbm>>
      tpu.wait_dma2 semaphore(%run_scoped3A_39 : memref<!tpu.dma_semaphore, #tpu.memory_space<semaphore_mem>>) src(%dma_wait3A_45 : memref<6272xf32, #tpu.memory_space<hbm>>) dst(%dma_wait3A_43 : memref<6272xf32, #tpu.memory_space<vmem_shared>>)
      tpu.yield
    }) : () -> ()
    %run_scoped3A_9 = arith.constant 3 : i32
    "tpu.region"() ({
      %run_scoped3A_39 = tpu.sem_alloc : memref<!tpu.dma_semaphore, #tpu.memory_space<semaphore_mem>>
      %dma_start3A = tpu.memref_slice %arg14[%run_scoped3A_9, %mul3A_0] : memref<4x100352xf32, #tpu.memory_space<vmem_shared>> -> memref<1x6272xf32, #tpu.memory_space<vmem_shared>>
      %dma_start3A_40 = tpu.memref_squeeze %dma_start3A : memref<1x6272xf32, #tpu.memory_space<vmem_shared>> -> memref<6272xf32, #tpu.memory_space<vmem_shared>>
      tpu.enqueue_dma source(%arg6 : memref<6272xf32, #tpu.memory_space<hbm>>) target(%dma_start3A_40 : memref<6272xf32, #tpu.memory_space<vmem_shared>>) target_semaphore(%run_scoped3A_39 : memref<!tpu.dma_semaphore, #tpu.memory_space<semaphore_mem>>)
      %dma_wait3A = tpu.memref_slice %arg14[%run_scoped3A_9, %mul3A_0] : memref<4x100352xf32, #tpu.memory_space<vmem_shared>> -> memref<1x6272xf32, #tpu.memory_space<vmem_shared>>
      %dma_wait3A_41 = tpu.memref_squeeze %dma_wait3A : memref<1x6272xf32, #tpu.memory_space<vmem_shared>> -> memref<6272xf32, #tpu.memory_space<vmem_shared>>
      tpu.wait_dma2 semaphore(%run_scoped3A_39 : memref<!tpu.dma_semaphore, #tpu.memory_space<semaphore_mem>>) src(%arg6 : memref<6272xf32, #tpu.memory_space<hbm>>) dst(%dma_wait3A_41 : memref<6272xf32, #tpu.memory_space<vmem_shared>>)
      tpu.yield
    }) : () -> ()
    %run_scoped3A_10 = arith.constant 3 : i32
    %run_scoped3A_11 = arith.constant 3 : i32
    "tpu.region"() ({
      %run_scoped3A_39 = tpu.sem_alloc : memref<!tpu.dma_semaphore, #tpu.memory_space<semaphore_mem>>
      %dma_start3A = tpu.memref_slice %arg13[%run_scoped3A_11, %mul3A_0] : memref<4x100352xf32, #tpu.memory_space<vmem_shared>> -> memref<1x6272xf32, #tpu.memory_space<vmem_shared>>
      %dma_start3A_40 = tpu.memref_squeeze %dma_start3A : memref<1x6272xf32, #tpu.memory_space<vmem_shared>> -> memref<6272xf32, #tpu.memory_space<vmem_shared>>
      %dma_start3A_41 = tpu.memref_slice %arg5[%run_scoped3A_10, %mul3A_0] : memref<4x100352xf32, #tpu.memory_space<hbm>> -> memref<1x6272xf32, #tpu.memory_space<hbm>>
      %dma_start3A_42 = tpu.memref_squeeze %dma_start3A_41 : memref<1x6272xf32, #tpu.memory_space<hbm>> -> memref<6272xf32, #tpu.memory_space<hbm>>
      tpu.enqueue_dma source(%dma_start3A_42 : memref<6272xf32, #tpu.memory_space<hbm>>) target(%dma_start3A_40 : memref<6272xf32, #tpu.memory_space<vmem_shared>>) target_semaphore(%run_scoped3A_39 : memref<!tpu.dma_semaphore, #tpu.memory_space<semaphore_mem>>)
      %dma_wait3A = tpu.memref_slice %arg13[%run_scoped3A_11, %mul3A_0] : memref<4x100352xf32, #tpu.memory_space<vmem_shared>> -> memref<1x6272xf32, #tpu.memory_space<vmem_shared>>
      %dma_wait3A_43 = tpu.memref_squeeze %dma_wait3A : memref<1x6272xf32, #tpu.memory_space<vmem_shared>> -> memref<6272xf32, #tpu.memory_space<vmem_shared>>
      %dma_wait3A_44 = tpu.memref_slice %arg5[%run_scoped3A_10, %mul3A_0] : memref<4x100352xf32, #tpu.memory_space<hbm>> -> memref<1x6272xf32, #tpu.memory_space<hbm>>
      %dma_wait3A_45 = tpu.memref_squeeze %dma_wait3A_44 : memref<1x6272xf32, #tpu.memory_space<hbm>> -> memref<6272xf32, #tpu.memory_space<hbm>>
      tpu.wait_dma2 semaphore(%run_scoped3A_39 : memref<!tpu.dma_semaphore, #tpu.memory_space<semaphore_mem>>) src(%dma_wait3A_45 : memref<6272xf32, #tpu.memory_space<hbm>>) dst(%dma_wait3A_43 : memref<6272xf32, #tpu.memory_space<vmem_shared>>)
      tpu.yield
    }) : () -> ()
    %barrier3A = arith.constant 0 : index
    tpu.barrier barrier_id(%barrier3A)
    %mul3A_12 = arith.constant 16 : i32
    %mul3A_13 = arith.muli %arg0, %mul3A_12 : i32
    %add3A = arith.addi %mul3A_13, %arg1 : i32
    %mul3A_14 = arith.constant 195 : i32
    %mul3A_15 = arith.muli %add3A, %mul3A_14 : i32
    %min3A = arith.constant 10 : i32
    %min3A_16 = arith.minsi %add3A, %min3A : i32
    %add3A_17 = arith.addi %mul3A_15, %min3A_16 : i32
    %lt3A = arith.constant 10 : i32
    %lt3A_18 = arith.cmpi slt, %add3A, %lt3A : i32
    %convert_element_type3A = arith.extui %lt3A_18 : i1 to i32
    %add3A_19 = arith.constant 195 : i32
    %add3A_20 = arith.addi %add3A_19, %convert_element_type3A : i32
    %while3A = arith.constant 0 : i32
    %while3A_21 = arith.constant 0 : i32
    %while3A_22 = arith.subi %add3A_20, %while3A_21 : i32
    %while3A_23 = arith.addi %while3A_21, %while3A_22 : i32
    %while3A_24 = arith.constant 1 : i32
    %while3A_25 = arith.divsi %while3A_22, %while3A_24 : i32
    %while3A_26 = arith.muli %while3A_25, %while3A_24 : i32
    %while3A_27 = arith.addi %while3A_21, %while3A_26 : i32
    %while3A_28 = arith.constant 1 : i32
    scf.for %while3A_39 = %while3A_21 to %while3A_27 step %while3A_28  : i32 {
      %add3A_40 = arith.addi %add3A_17, %while3A_39 : i32
      %mul3A_41 = arith.constant 8 : i32
      %mul3A_42 = arith.muli %add3A_40, %mul3A_41 : i32
      %dma_start3A = arith.constant 0 : i32
      %dma_start3A_43 = tpu.memref_slice %arg2[%mul3A_42, %dma_start3A] : memref<50000x128xi32, #tpu.memory_space<hbm>> -> memref<8x128xi32, #tpu.memory_space<hbm>>
      %dma_start3A_44 = arith.constant 0 : i32
      %dma_start3A_45 = tpu.memref_slice %arg2[%mul3A_42, %dma_start3A_44] : memref<50000x128xi32, #tpu.memory_space<hbm>> -> memref<8x128xi32, #tpu.memory_space<hbm>>
      tpu.enqueue_dma source(%dma_start3A_45 : memref<8x128xi32, #tpu.memory_space<hbm>>) target(%arg8 : memref<8x128xi32, #tpu.memory_space<vmem>>) target_semaphore(%arg15 : memref<!tpu.dma_semaphore, #tpu.memory_space<semaphore_mem>>)
      %mul3A_46 = arith.constant 8 : i32
      %mul3A_47 = arith.muli %add3A_40, %mul3A_46 : i32
      %dma_start3A_48 = arith.constant 0 : i32
      %dma_start3A_49 = tpu.memref_slice %arg3[%mul3A_47, %dma_start3A_48] : memref<50000x128xi32, #tpu.memory_space<hbm>> -> memref<8x128xi32, #tpu.memory_space<hbm>>
      %dma_start3A_50 = arith.constant 0 : i32
      %dma_start3A_51 = tpu.memref_slice %arg3[%mul3A_47, %dma_start3A_50] : memref<50000x128xi32, #tpu.memory_space<hbm>> -> memref<8x128xi32, #tpu.memory_space<hbm>>
      tpu.enqueue_dma source(%dma_start3A_51 : memref<8x128xi32, #tpu.memory_space<hbm>>) target(%arg9 : memref<8x128xi32, #tpu.memory_space<vmem>>) target_semaphore(%arg15 : memref<!tpu.dma_semaphore, #tpu.memory_space<semaphore_mem>>)
      %mul3A_52 = arith.constant 8 : i32
      %mul3A_53 = arith.muli %add3A_40, %mul3A_52 : i32
      %mul3A_54 = arith.constant 128 : i32
      %mul3A_55 = arith.muli %mul3A_53, %mul3A_54 : i32
      %dma_start3A_56 = tpu.memref_slice %arg4[%mul3A_55] : memref<6400000xf32, #tpu.memory_space<hbm>> -> memref<1024xf32, #tpu.memory_space<hbm>>
      %dma_start3A_57 = tpu.memref_slice %arg4[%mul3A_55] : memref<6400000xf32, #tpu.memory_space<hbm>> -> memref<1024xf32, #tpu.memory_space<hbm>>
      tpu.enqueue_dma source(%dma_start3A_57 : memref<1024xf32, #tpu.memory_space<hbm>>) target(%arg10 : memref<1024xf32, #tpu.memory_space<vmem>>) target_semaphore(%arg15 : memref<!tpu.dma_semaphore, #tpu.memory_space<semaphore_mem>>)
      %dma_wait3A = arith.constant 0 : i32
      %dma_wait3A_58 = tpu.memref_slice %arg2[%mul3A_42, %dma_wait3A] : memref<50000x128xi32, #tpu.memory_space<hbm>> -> memref<8x128xi32, #tpu.memory_space<hbm>>
      %dma_wait3A_59 = arith.constant 0 : i32
      %dma_wait3A_60 = tpu.memref_slice %arg2[%mul3A_42, %dma_wait3A_59] : memref<50000x128xi32, #tpu.memory_space<hbm>> -> memref<8x128xi32, #tpu.memory_space<hbm>>
      tpu.wait_dma2 semaphore(%arg15 : memref<!tpu.dma_semaphore, #tpu.memory_space<semaphore_mem>>) src(%dma_wait3A_60 : memref<8x128xi32, #tpu.memory_space<hbm>>) dst(%arg8 : memref<8x128xi32, #tpu.memory_space<vmem>>)
      %dma_wait3A_61 = arith.constant 0 : i32
      %dma_wait3A_62 = tpu.memref_slice %arg3[%mul3A_47, %dma_wait3A_61] : memref<50000x128xi32, #tpu.memory_space<hbm>> -> memref<8x128xi32, #tpu.memory_space<hbm>>
      %dma_wait3A_63 = arith.constant 0 : i32
      %dma_wait3A_64 = tpu.memref_slice %arg3[%mul3A_47, %dma_wait3A_63] : memref<50000x128xi32, #tpu.memory_space<hbm>> -> memref<8x128xi32, #tpu.memory_space<hbm>>
      tpu.wait_dma2 semaphore(%arg15 : memref<!tpu.dma_semaphore, #tpu.memory_space<semaphore_mem>>) src(%dma_wait3A_64 : memref<8x128xi32, #tpu.memory_space<hbm>>) dst(%arg9 : memref<8x128xi32, #tpu.memory_space<vmem>>)
      %dma_wait3A_65 = tpu.memref_slice %arg4[%mul3A_55] : memref<6400000xf32, #tpu.memory_space<hbm>> -> memref<1024xf32, #tpu.memory_space<hbm>>
      %dma_wait3A_66 = tpu.memref_slice %arg4[%mul3A_55] : memref<6400000xf32, #tpu.memory_space<hbm>> -> memref<1024xf32, #tpu.memory_space<hbm>>
      tpu.wait_dma2 semaphore(%arg15 : memref<!tpu.dma_semaphore, #tpu.memory_space<semaphore_mem>>) src(%dma_wait3A_66 : memref<1024xf32, #tpu.memory_space<hbm>>) dst(%arg10 : memref<1024xf32, #tpu.memory_space<vmem>>)
      %scan3A = arith.constant 0 : i32
      %scan3A_67 = arith.constant 0 : i32
      %scan3A_68 = arith.constant 8 : i32
      %scan3A_69 = arith.addi %scan3A_67, %scan3A_68 : i32
      %scan3A_70 = arith.constant 1 : i32
      scf.for %scan3A_72 = %scan3A_67 to %scan3A_69 step %scan3A_70  : i32 {
        %dma_start3A_73 = arith.constant 0 : i32
        %dma_start3A_74 = arith.constant 0 : i32
        %dma_start3A_75 = arith.constant 0 : i32
        %dma_start3A_76 = tpu.memref_slice %arg11[%dma_start3A_74, %dma_start3A_75] : memref<4x128xf32, #tpu.memory_space<vmem>> -> memref<1x128xf32, #tpu.memory_space<vmem>>
        %dma_start3A_77 = tpu.memref_squeeze %dma_start3A_76 : memref<1x128xf32, #tpu.memory_space<vmem>> -> memref<128xf32, #tpu.memory_space<vmem>>
        %dma_start3A_78 = arith.constant 0 : i32
        %dma_start3A_79 = tpu.memref_slice %arg8[%scan3A_72, %dma_start3A_78] : memref<8x128xi32, #tpu.memory_space<vmem>> -> memref<1x128xi32, #tpu.memory_space<vmem>>
        %dma_start3A_80 = tpu.memref_squeeze %dma_start3A_79 : memref<1x128xi32, #tpu.memory_space<vmem>> -> memref<128xi32, #tpu.memory_space<vmem>>
        %dma_start3A_81 = arith.constant 0 : i32
        %dma_start3A_82 = tpu.memref_slice %arg13[%dma_start3A_73, %dma_start3A_81] : memref<4x100352xf32, #tpu.memory_space<vmem_shared>> -> memref<1x100352xf32, #tpu.memory_space<vmem_shared>>
        %dma_start3A_83 = tpu.memref_squeeze %dma_start3A_82 : memref<1x100352xf32, #tpu.memory_space<vmem_shared>> -> memref<100352xf32, #tpu.memory_space<vmem_shared>>
        %dma_start3A_84 = arith.constant 0 : i32
        %dma_start3A_85 = tpu.memref_slice %dma_start3A_83[%dma_start3A_84] : memref<100352xf32, #tpu.memory_space<vmem_shared>> -> memref<100352xf32, #tpu.memory_space<vmem_shared>>
        tpu.enqueue_indirect_dma source(%dma_start3A_85 : memref<100352xf32, #tpu.memory_space<vmem_shared>>) target(%dma_start3A_77 : memref<128xf32, #tpu.memory_space<vmem>>) offsets(%dma_start3A_80 : memref<128xi32, #tpu.memory_space<vmem>>) semaphore(%arg16 : memref<!tpu.dma_semaphore, #tpu.memory_space<semaphore_mem>>)
        %dma_start3A_86 = arith.constant 1 : i32
        %dma_start3A_87 = arith.constant 1 : i32
        %dma_start3A_88 = arith.constant 0 : i32
        %dma_start3A_89 = tpu.memref_slice %arg11[%dma_start3A_87, %dma_start3A_88] : memref<4x128xf32, #tpu.memory_space<vmem>> -> memref<1x128xf32, #tpu.memory_space<vmem>>
        %dma_start3A_90 = tpu.memref_squeeze %dma_start3A_89 : memref<1x128xf32, #tpu.memory_space<vmem>> -> memref<128xf32, #tpu.memory_space<vmem>>
        %dma_start3A_91 = arith.constant 0 : i32
        %dma_start3A_92 = tpu.memref_slice %arg8[%scan3A_72, %dma_start3A_91] : memref<8x128xi32, #tpu.memory_space<vmem>> -> memref<1x128xi32, #tpu.memory_space<vmem>>
        %dma_start3A_93 = tpu.memref_squeeze %dma_start3A_92 : memref<1x128xi32, #tpu.memory_space<vmem>> -> memref<128xi32, #tpu.memory_space<vmem>>
        %dma_start3A_94 = arith.constant 0 : i32
        %dma_start3A_95 = tpu.memref_slice %arg13[%dma_start3A_86, %dma_start3A_94] : memref<4x100352xf32, #tpu.memory_space<vmem_shared>> -> memref<1x100352xf32, #tpu.memory_space<vmem_shared>>
        %dma_start3A_96 = tpu.memref_squeeze %dma_start3A_95 : memref<1x100352xf32, #tpu.memory_space<vmem_shared>> -> memref<100352xf32, #tpu.memory_space<vmem_shared>>
        %dma_start3A_97 = arith.constant 0 : i32
        %dma_start3A_98 = tpu.memref_slice %dma_start3A_96[%dma_start3A_97] : memref<100352xf32, #tpu.memory_space<vmem_shared>> -> memref<100352xf32, #tpu.memory_space<vmem_shared>>
        tpu.enqueue_indirect_dma source(%dma_start3A_98 : memref<100352xf32, #tpu.memory_space<vmem_shared>>) target(%dma_start3A_90 : memref<128xf32, #tpu.memory_space<vmem>>) offsets(%dma_start3A_93 : memref<128xi32, #tpu.memory_space<vmem>>) semaphore(%arg16 : memref<!tpu.dma_semaphore, #tpu.memory_space<semaphore_mem>>)
        %dma_start3A_99 = arith.constant 2 : i32
        %dma_start3A_100 = arith.constant 2 : i32
        %dma_start3A_101 = arith.constant 0 : i32
        %dma_start3A_102 = tpu.memref_slice %arg11[%dma_start3A_100, %dma_start3A_101] : memref<4x128xf32, #tpu.memory_space<vmem>> -> memref<1x128xf32, #tpu.memory_space<vmem>>
        %dma_start3A_103 = tpu.memref_squeeze %dma_start3A_102 : memref<1x128xf32, #tpu.memory_space<vmem>> -> memref<128xf32, #tpu.memory_space<vmem>>
        %dma_start3A_104 = arith.constant 0 : i32
        %dma_start3A_105 = tpu.memref_slice %arg8[%scan3A_72, %dma_start3A_104] : memref<8x128xi32, #tpu.memory_space<vmem>> -> memref<1x128xi32, #tpu.memory_space<vmem>>
        %dma_start3A_106 = tpu.memref_squeeze %dma_start3A_105 : memref<1x128xi32, #tpu.memory_space<vmem>> -> memref<128xi32, #tpu.memory_space<vmem>>
        %dma_start3A_107 = arith.constant 0 : i32
        %dma_start3A_108 = tpu.memref_slice %arg13[%dma_start3A_99, %dma_start3A_107] : memref<4x100352xf32, #tpu.memory_space<vmem_shared>> -> memref<1x100352xf32, #tpu.memory_space<vmem_shared>>
        %dma_start3A_109 = tpu.memref_squeeze %dma_start3A_108 : memref<1x100352xf32, #tpu.memory_space<vmem_shared>> -> memref<100352xf32, #tpu.memory_space<vmem_shared>>
        %dma_start3A_110 = arith.constant 0 : i32
        %dma_start3A_111 = tpu.memref_slice %dma_start3A_109[%dma_start3A_110] : memref<100352xf32, #tpu.memory_space<vmem_shared>> -> memref<100352xf32, #tpu.memory_space<vmem_shared>>
        tpu.enqueue_indirect_dma source(%dma_start3A_111 : memref<100352xf32, #tpu.memory_space<vmem_shared>>) target(%dma_start3A_103 : memref<128xf32, #tpu.memory_space<vmem>>) offsets(%dma_start3A_106 : memref<128xi32, #tpu.memory_space<vmem>>) semaphore(%arg16 : memref<!tpu.dma_semaphore, #tpu.memory_space<semaphore_mem>>)
        %dma_start3A_112 = arith.constant 3 : i32
        %dma_start3A_113 = arith.constant 3 : i32
        %dma_start3A_114 = arith.constant 0 : i32
        %dma_start3A_115 = tpu.memref_slice %arg11[%dma_start3A_113, %dma_start3A_114] : memref<4x128xf32, #tpu.memory_space<vmem>> -> memref<1x128xf32, #tpu.memory_space<vmem>>
        %dma_start3A_116 = tpu.memref_squeeze %dma_start3A_115 : memref<1x128xf32, #tpu.memory_space<vmem>> -> memref<128xf32, #tpu.memory_space<vmem>>
        %dma_start3A_117 = arith.constant 0 : i32
        %dma_start3A_118 = tpu.memref_slice %arg8[%scan3A_72, %dma_start3A_117] : memref<8x128xi32, #tpu.memory_space<vmem>> -> memref<1x128xi32, #tpu.memory_space<vmem>>
        %dma_start3A_119 = tpu.memref_squeeze %dma_start3A_118 : memref<1x128xi32, #tpu.memory_space<vmem>> -> memref<128xi32, #tpu.memory_space<vmem>>
        %dma_start3A_120 = arith.constant 0 : i32
        %dma_start3A_121 = tpu.memref_slice %arg13[%dma_start3A_112, %dma_start3A_120] : memref<4x100352xf32, #tpu.memory_space<vmem_shared>> -> memref<1x100352xf32, #tpu.memory_space<vmem_shared>>
        %dma_start3A_122 = tpu.memref_squeeze %dma_start3A_121 : memref<1x100352xf32, #tpu.memory_space<vmem_shared>> -> memref<100352xf32, #tpu.memory_space<vmem_shared>>
        %dma_start3A_123 = arith.constant 0 : i32
        %dma_start3A_124 = tpu.memref_slice %dma_start3A_122[%dma_start3A_123] : memref<100352xf32, #tpu.memory_space<vmem_shared>> -> memref<100352xf32, #tpu.memory_space<vmem_shared>>
        tpu.enqueue_indirect_dma source(%dma_start3A_124 : memref<100352xf32, #tpu.memory_space<vmem_shared>>) target(%dma_start3A_116 : memref<128xf32, #tpu.memory_space<vmem>>) offsets(%dma_start3A_119 : memref<128xi32, #tpu.memory_space<vmem>>) semaphore(%arg16 : memref<!tpu.dma_semaphore, #tpu.memory_space<semaphore_mem>>)
        %dma_wait3A_125 = arith.constant 0 : i32
        %dma_wait3A_126 = arith.constant 0 : i32
        %dma_wait3A_127 = arith.constant 0 : i32
        %dma_wait3A_128 = tpu.memref_slice %arg11[%dma_wait3A_126, %dma_wait3A_127] : memref<4x128xf32, #tpu.memory_space<vmem>> -> memref<1x128xf32, #tpu.memory_space<vmem>>
        %dma_wait3A_129 = tpu.memref_squeeze %dma_wait3A_128 : memref<1x128xf32, #tpu.memory_space<vmem>> -> memref<128xf32, #tpu.memory_space<vmem>>
        %dma_wait3A_130 = arith.constant 0 : i32
        %dma_wait3A_131 = tpu.memref_slice %arg8[%scan3A_72, %dma_wait3A_130] : memref<8x128xi32, #tpu.memory_space<vmem>> -> memref<1x128xi32, #tpu.memory_space<vmem>>
        %dma_wait3A_132 = tpu.memref_squeeze %dma_wait3A_131 : memref<1x128xi32, #tpu.memory_space<vmem>> -> memref<128xi32, #tpu.memory_space<vmem>>
        %dma_wait3A_133 = arith.constant 0 : i32
        %dma_wait3A_134 = tpu.memref_slice %arg13[%dma_wait3A_125, %dma_wait3A_133] : memref<4x100352xf32, #tpu.memory_space<vmem_shared>> -> memref<1x100352xf32, #tpu.memory_space<vmem_shared>>
        %dma_wait3A_135 = tpu.memref_squeeze %dma_wait3A_134 : memref<1x100352xf32, #tpu.memory_space<vmem_shared>> -> memref<100352xf32, #tpu.memory_space<vmem_shared>>
        %dma_wait3A_136 = arith.constant 0 : i32
        %dma_wait3A_137 = tpu.memref_slice %dma_wait3A_135[%dma_wait3A_136] : memref<100352xf32, #tpu.memory_space<vmem_shared>> -> memref<100352xf32, #tpu.memory_space<vmem_shared>>
        tpu.wait_indirect_dma semaphore(%arg16 : memref<!tpu.dma_semaphore, #tpu.memory_space<semaphore_mem>>) src(%dma_wait3A_137 : memref<100352xf32, #tpu.memory_space<vmem_shared>>) dst(%dma_wait3A_129 : memref<128xf32, #tpu.memory_space<vmem>>)
        %dma_wait3A_138 = arith.constant 1 : i32
        %dma_wait3A_139 = arith.constant 1 : i32
        %dma_wait3A_140 = arith.constant 0 : i32
        %dma_wait3A_141 = tpu.memref_slice %arg11[%dma_wait3A_139, %dma_wait3A_140] : memref<4x128xf32, #tpu.memory_space<vmem>> -> memref<1x128xf32, #tpu.memory_space<vmem>>
        %dma_wait3A_142 = tpu.memref_squeeze %dma_wait3A_141 : memref<1x128xf32, #tpu.memory_space<vmem>> -> memref<128xf32, #tpu.memory_space<vmem>>
        %dma_wait3A_143 = arith.constant 0 : i32
        %dma_wait3A_144 = tpu.memref_slice %arg8[%scan3A_72, %dma_wait3A_143] : memref<8x128xi32, #tpu.memory_space<vmem>> -> memref<1x128xi32, #tpu.memory_space<vmem>>
        %dma_wait3A_145 = tpu.memref_squeeze %dma_wait3A_144 : memref<1x128xi32, #tpu.memory_space<vmem>> -> memref<128xi32, #tpu.memory_space<vmem>>
        %dma_wait3A_146 = arith.constant 0 : i32
        %dma_wait3A_147 = tpu.memref_slice %arg13[%dma_wait3A_138, %dma_wait3A_146] : memref<4x100352xf32, #tpu.memory_space<vmem_shared>> -> memref<1x100352xf32, #tpu.memory_space<vmem_shared>>
        %dma_wait3A_148 = tpu.memref_squeeze %dma_wait3A_147 : memref<1x100352xf32, #tpu.memory_space<vmem_shared>> -> memref<100352xf32, #tpu.memory_space<vmem_shared>>
        %dma_wait3A_149 = arith.constant 0 : i32
        %dma_wait3A_150 = tpu.memref_slice %dma_wait3A_148[%dma_wait3A_149] : memref<100352xf32, #tpu.memory_space<vmem_shared>> -> memref<100352xf32, #tpu.memory_space<vmem_shared>>
        tpu.wait_indirect_dma semaphore(%arg16 : memref<!tpu.dma_semaphore, #tpu.memory_space<semaphore_mem>>) src(%dma_wait3A_150 : memref<100352xf32, #tpu.memory_space<vmem_shared>>) dst(%dma_wait3A_142 : memref<128xf32, #tpu.memory_space<vmem>>)
        %dma_wait3A_151 = arith.constant 2 : i32
        %dma_wait3A_152 = arith.constant 2 : i32
        %dma_wait3A_153 = arith.constant 0 : i32
        %dma_wait3A_154 = tpu.memref_slice %arg11[%dma_wait3A_152, %dma_wait3A_153] : memref<4x128xf32, #tpu.memory_space<vmem>> -> memref<1x128xf32, #tpu.memory_space<vmem>>
        %dma_wait3A_155 = tpu.memref_squeeze %dma_wait3A_154 : memref<1x128xf32, #tpu.memory_space<vmem>> -> memref<128xf32, #tpu.memory_space<vmem>>
        %dma_wait3A_156 = arith.constant 0 : i32
        %dma_wait3A_157 = tpu.memref_slice %arg8[%scan3A_72, %dma_wait3A_156] : memref<8x128xi32, #tpu.memory_space<vmem>> -> memref<1x128xi32, #tpu.memory_space<vmem>>
        %dma_wait3A_158 = tpu.memref_squeeze %dma_wait3A_157 : memref<1x128xi32, #tpu.memory_space<vmem>> -> memref<128xi32, #tpu.memory_space<vmem>>
        %dma_wait3A_159 = arith.constant 0 : i32
        %dma_wait3A_160 = tpu.memref_slice %arg13[%dma_wait3A_151, %dma_wait3A_159] : memref<4x100352xf32, #tpu.memory_space<vmem_shared>> -> memref<1x100352xf32, #tpu.memory_space<vmem_shared>>
        %dma_wait3A_161 = tpu.memref_squeeze %dma_wait3A_160 : memref<1x100352xf32, #tpu.memory_space<vmem_shared>> -> memref<100352xf32, #tpu.memory_space<vmem_shared>>
        %dma_wait3A_162 = arith.constant 0 : i32
        %dma_wait3A_163 = tpu.memref_slice %dma_wait3A_161[%dma_wait3A_162] : memref<100352xf32, #tpu.memory_space<vmem_shared>> -> memref<100352xf32, #tpu.memory_space<vmem_shared>>
        tpu.wait_indirect_dma semaphore(%arg16 : memref<!tpu.dma_semaphore, #tpu.memory_space<semaphore_mem>>) src(%dma_wait3A_163 : memref<100352xf32, #tpu.memory_space<vmem_shared>>) dst(%dma_wait3A_155 : memref<128xf32, #tpu.memory_space<vmem>>)
        %dma_wait3A_164 = arith.constant 3 : i32
        %dma_wait3A_165 = arith.constant 3 : i32
        %dma_wait3A_166 = arith.constant 0 : i32
        %dma_wait3A_167 = tpu.memref_slice %arg11[%dma_wait3A_165, %dma_wait3A_166] : memref<4x128xf32, #tpu.memory_space<vmem>> -> memref<1x128xf32, #tpu.memory_space<vmem>>
        %dma_wait3A_168 = tpu.memref_squeeze %dma_wait3A_167 : memref<1x128xf32, #tpu.memory_space<vmem>> -> memref<128xf32, #tpu.memory_space<vmem>>
        %dma_wait3A_169 = arith.constant 0 : i32
        %dma_wait3A_170 = tpu.memref_slice %arg8[%scan3A_72, %dma_wait3A_169] : memref<8x128xi32, #tpu.memory_space<vmem>> -> memref<1x128xi32, #tpu.memory_space<vmem>>
        %dma_wait3A_171 = tpu.memref_squeeze %dma_wait3A_170 : memref<1x128xi32, #tpu.memory_space<vmem>> -> memref<128xi32, #tpu.memory_space<vmem>>
        %dma_wait3A_172 = arith.constant 0 : i32
        %dma_wait3A_173 = tpu.memref_slice %arg13[%dma_wait3A_164, %dma_wait3A_172] : memref<4x100352xf32, #tpu.memory_space<vmem_shared>> -> memref<1x100352xf32, #tpu.memory_space<vmem_shared>>
        %dma_wait3A_174 = tpu.memref_squeeze %dma_wait3A_173 : memref<1x100352xf32, #tpu.memory_space<vmem_shared>> -> memref<100352xf32, #tpu.memory_space<vmem_shared>>
        %dma_wait3A_175 = arith.constant 0 : i32
        %dma_wait3A_176 = tpu.memref_slice %dma_wait3A_174[%dma_wait3A_175] : memref<100352xf32, #tpu.memory_space<vmem_shared>> -> memref<100352xf32, #tpu.memory_space<vmem_shared>>
        tpu.wait_indirect_dma semaphore(%arg16 : memref<!tpu.dma_semaphore, #tpu.memory_space<semaphore_mem>>) src(%dma_wait3A_176 : memref<100352xf32, #tpu.memory_space<vmem_shared>>) dst(%dma_wait3A_168 : memref<128xf32, #tpu.memory_space<vmem>>)
        %scan3A_177 = arith.constant 0 : i32
        %scan3A_178 = arith.constant 0 : i32
        %scan3A_179 = arith.constant 8 : i32
        %scan3A_180 = arith.addi %scan3A_178, %scan3A_179 : i32
        %scan3A_181 = arith.constant 1 : i32
        scf.for %scan3A_287 = %scan3A_178 to %scan3A_180 step %scan3A_181  : i32 {
          %mul3A_288 = arith.constant 16 : i32
          %mul3A_289 = arith.muli %scan3A_287, %mul3A_288 : i32
          %mul3A_290 = arith.constant 128 : i32
          %mul3A_291 = arith.muli %scan3A_72, %mul3A_290 : i32
          %mul3A_292 = arith.constant 16 : i32
          %mul3A_293 = arith.muli %scan3A_287, %mul3A_292 : i32
          %add3A_294 = arith.addi %mul3A_291, %mul3A_293 : i32
          %get3A = arith.index_cast %add3A_294 : i32 to index
          %get3A_295 = tpu.vector_load %arg10[%get3A] {strides = array<i32>} : memref<1024xf32, #tpu.memory_space<vmem>>, vector<16xf32>,
          %get3A_296 = arith.constant 0 : i32
          %get3A_297 = arith.index_cast %get3A_296 : i32 to index
          %get3A_298 = arith.index_cast %mul3A_289 : i32 to index
          %get3A_299 = tpu.vector_load %arg11[%get3A_297, %get3A_298] {strides = array<i32>} : memref<4x128xf32, #tpu.memory_space<vmem>>, vector<16xf32>,
          %mul3A_300 = arith.mulf %get3A_299, %get3A_295 : vector<16xf32>
          %swap3A = arith.constant 0 : i32
          %swap3A_301 = arith.index_cast %swap3A : i32 to index
          %swap3A_302 = arith.index_cast %mul3A_289 : i32 to index
          %swap3A_303 = tpu.vector_load %arg12[%swap3A_301, %swap3A_302] {strides = array<i32>} : memref<4x128xf32, #tpu.memory_space<vmem>>, vector<16xf32>,
          tpu.vector_store %arg12[%swap3A_301, %swap3A_302], %mul3A_300 {strides = array<i32>} : memref<4x128xf32, #tpu.memory_space<vmem>>, vector<16xf32>,
          %get3A_304 = arith.constant 1 : i32
          %get3A_305 = arith.index_cast %get3A_304 : i32 to index
          %get3A_306 = arith.index_cast %mul3A_289 : i32 to index
          %get3A_307 = tpu.vector_load %arg11[%get3A_305, %get3A_306] {strides = array<i32>} : memref<4x128xf32, #tpu.memory_space<vmem>>, vector<16xf32>,
          %mul3A_308 = arith.mulf %get3A_307, %get3A_295 : vector<16xf32>
          %swap3A_309 = arith.constant 1 : i32
          %swap3A_310 = arith.index_cast %swap3A_309 : i32 to index
          %swap3A_311 = arith.index_cast %mul3A_289 : i32 to index
          %swap3A_312 = tpu.vector_load %arg12[%swap3A_310, %swap3A_311] {strides = array<i32>} : memref<4x128xf32, #tpu.memory_space<vmem>>, vector<16xf32>,
          tpu.vector_store %arg12[%swap3A_310, %swap3A_311], %mul3A_308 {strides = array<i32>} : memref<4x128xf32, #tpu.memory_space<vmem>>, vector<16xf32>,
          %get3A_313 = arith.constant 2 : i32
          %get3A_314 = arith.index_cast %get3A_313 : i32 to index
          %get3A_315 = arith.index_cast %mul3A_289 : i32 to index
          %get3A_316 = tpu.vector_load %arg11[%get3A_314, %get3A_315] {strides = array<i32>} : memref<4x128xf32, #tpu.memory_space<vmem>>, vector<16xf32>,
          %mul3A_317 = arith.mulf %get3A_316, %get3A_295 : vector<16xf32>
          %swap3A_318 = arith.constant 2 : i32
          %swap3A_319 = arith.index_cast %swap3A_318 : i32 to index
          %swap3A_320 = arith.index_cast %mul3A_289 : i32 to index
          %swap3A_321 = tpu.vector_load %arg12[%swap3A_319, %swap3A_320] {strides = array<i32>} : memref<4x128xf32, #tpu.memory_space<vmem>>, vector<16xf32>,
          tpu.vector_store %arg12[%swap3A_319, %swap3A_320], %mul3A_317 {strides = array<i32>} : memref<4x128xf32, #tpu.memory_space<vmem>>, vector<16xf32>,
          %get3A_322 = arith.constant 3 : i32
          %get3A_323 = arith.index_cast %get3A_322 : i32 to index
          %get3A_324 = arith.index_cast %mul3A_289 : i32 to index
          %get3A_325 = tpu.vector_load %arg11[%get3A_323, %get3A_324] {strides = array<i32>} : memref<4x128xf32, #tpu.memory_space<vmem>>, vector<16xf32>,
          %mul3A_326 = arith.mulf %get3A_325, %get3A_295 : vector<16xf32>
          %swap3A_327 = arith.constant 3 : i32
          %swap3A_328 = arith.index_cast %swap3A_327 : i32 to index
          %swap3A_329 = arith.index_cast %mul3A_289 : i32 to index
          %swap3A_330 = tpu.vector_load %arg12[%swap3A_328, %swap3A_329] {strides = array<i32>} : memref<4x128xf32, #tpu.memory_space<vmem>>, vector<16xf32>,
          tpu.vector_store %arg12[%swap3A_328, %swap3A_329], %mul3A_326 {strides = array<i32>} : memref<4x128xf32, #tpu.memory_space<vmem>>, vector<16xf32>,
        }
        %scan3A_182 = arith.constant 8 : i32
        %dma_start3A_183 = arith.constant 0 : i32
        %dma_start3A_184 = arith.constant 0 : i32
        %dma_start3A_185 = arith.constant 0 : i32
        %dma_start3A_186 = tpu.memref_slice %arg12[%dma_start3A_183, %dma_start3A_185] : memref<4x128xf32, #tpu.memory_space<vmem>> -> memref<1x128xf32, #tpu.memory_space<vmem>>
        %dma_start3A_187 = tpu.memref_squeeze %dma_start3A_186 : memref<1x128xf32, #tpu.memory_space<vmem>> -> memref<128xf32, #tpu.memory_space<vmem>>
        %dma_start3A_188 = arith.constant 0 : i32
        %dma_start3A_189 = tpu.memref_slice %arg9[%scan3A_72, %dma_start3A_188] : memref<8x128xi32, #tpu.memory_space<vmem>> -> memref<1x128xi32, #tpu.memory_space<vmem>>
        %dma_start3A_190 = tpu.memref_squeeze %dma_start3A_189 : memref<1x128xi32, #tpu.memory_space<vmem>> -> memref<128xi32, #tpu.memory_space<vmem>>
        %dma_start3A_191 = arith.constant 0 : i32
        %dma_start3A_192 = tpu.memref_slice %arg14[%dma_start3A_184, %dma_start3A_191] : memref<4x100352xf32, #tpu.memory_space<vmem_shared>> -> memref<1x100352xf32, #tpu.memory_space<vmem_shared>>
        %dma_start3A_193 = tpu.memref_squeeze %dma_start3A_192 : memref<1x100352xf32, #tpu.memory_space<vmem_shared>> -> memref<100352xf32, #tpu.memory_space<vmem_shared>>
        %dma_start3A_194 = arith.constant 0 : i32
        %dma_start3A_195 = tpu.memref_slice %dma_start3A_193[%dma_start3A_194] : memref<100352xf32, #tpu.memory_space<vmem_shared>> -> memref<100352xf32, #tpu.memory_space<vmem_shared>>
        tpu.enqueue_indirect_dma source(%dma_start3A_187 : memref<128xf32, #tpu.memory_space<vmem>>) target(%dma_start3A_195 : memref<100352xf32, #tpu.memory_space<vmem_shared>>) offsets(%dma_start3A_190 : memref<128xi32, #tpu.memory_space<vmem>>) semaphore(%arg17 : memref<!tpu.dma_semaphore, #tpu.memory_space<semaphore_mem>>) {add = true}
        %dma_start3A_196 = arith.constant 1 : i32
        %dma_start3A_197 = arith.constant 1 : i32
        %dma_start3A_198 = arith.constant 0 : i32
        %dma_start3A_199 = tpu.memref_slice %arg12[%dma_start3A_196, %dma_start3A_198] : memref<4x128xf32, #tpu.memory_space<vmem>> -> memref<1x128xf32, #tpu.memory_space<vmem>>
        %dma_start3A_200 = tpu.memref_squeeze %dma_start3A_199 : memref<1x128xf32, #tpu.memory_space<vmem>> -> memref<128xf32, #tpu.memory_space<vmem>>
        %dma_start3A_201 = arith.constant 0 : i32
        %dma_start3A_202 = tpu.memref_slice %arg9[%scan3A_72, %dma_start3A_201] : memref<8x128xi32, #tpu.memory_space<vmem>> -> memref<1x128xi32, #tpu.memory_space<vmem>>
        %dma_start3A_203 = tpu.memref_squeeze %dma_start3A_202 : memref<1x128xi32, #tpu.memory_space<vmem>> -> memref<128xi32, #tpu.memory_space<vmem>>
        %dma_start3A_204 = arith.constant 0 : i32
        %dma_start3A_205 = tpu.memref_slice %arg14[%dma_start3A_197, %dma_start3A_204] : memref<4x100352xf32, #tpu.memory_space<vmem_shared>> -> memref<1x100352xf32, #tpu.memory_space<vmem_shared>>
        %dma_start3A_206 = tpu.memref_squeeze %dma_start3A_205 : memref<1x100352xf32, #tpu.memory_space<vmem_shared>> -> memref<100352xf32, #tpu.memory_space<vmem_shared>>
        %dma_start3A_207 = arith.constant 0 : i32
        %dma_start3A_208 = tpu.memref_slice %dma_start3A_206[%dma_start3A_207] : memref<100352xf32, #tpu.memory_space<vmem_shared>> -> memref<100352xf32, #tpu.memory_space<vmem_shared>>
        tpu.enqueue_indirect_dma source(%dma_start3A_200 : memref<128xf32, #tpu.memory_space<vmem>>) target(%dma_start3A_208 : memref<100352xf32, #tpu.memory_space<vmem_shared>>) offsets(%dma_start3A_203 : memref<128xi32, #tpu.memory_space<vmem>>) semaphore(%arg17 : memref<!tpu.dma_semaphore, #tpu.memory_space<semaphore_mem>>) {add = true}
        %dma_start3A_209 = arith.constant 2 : i32
        %dma_start3A_210 = arith.constant 2 : i32
        %dma_start3A_211 = arith.constant 0 : i32
        %dma_start3A_212 = tpu.memref_slice %arg12[%dma_start3A_209, %dma_start3A_211] : memref<4x128xf32, #tpu.memory_space<vmem>> -> memref<1x128xf32, #tpu.memory_space<vmem>>
        %dma_start3A_213 = tpu.memref_squeeze %dma_start3A_212 : memref<1x128xf32, #tpu.memory_space<vmem>> -> memref<128xf32, #tpu.memory_space<vmem>>
        %dma_start3A_214 = arith.constant 0 : i32
        %dma_start3A_215 = tpu.memref_slice %arg9[%scan3A_72, %dma_start3A_214] : memref<8x128xi32, #tpu.memory_space<vmem>> -> memref<1x128xi32, #tpu.memory_space<vmem>>
        %dma_start3A_216 = tpu.memref_squeeze %dma_start3A_215 : memref<1x128xi32, #tpu.memory_space<vmem>> -> memref<128xi32, #tpu.memory_space<vmem>>
        %dma_start3A_217 = arith.constant 0 : i32
        %dma_start3A_218 = tpu.memref_slice %arg14[%dma_start3A_210, %dma_start3A_217] : memref<4x100352xf32, #tpu.memory_space<vmem_shared>> -> memref<1x100352xf32, #tpu.memory_space<vmem_shared>>
        %dma_start3A_219 = tpu.memref_squeeze %dma_start3A_218 : memref<1x100352xf32, #tpu.memory_space<vmem_shared>> -> memref<100352xf32, #tpu.memory_space<vmem_shared>>
        %dma_start3A_220 = arith.constant 0 : i32
        %dma_start3A_221 = tpu.memref_slice %dma_start3A_219[%dma_start3A_220] : memref<100352xf32, #tpu.memory_space<vmem_shared>> -> memref<100352xf32, #tpu.memory_space<vmem_shared>>
        tpu.enqueue_indirect_dma source(%dma_start3A_213 : memref<128xf32, #tpu.memory_space<vmem>>) target(%dma_start3A_221 : memref<100352xf32, #tpu.memory_space<vmem_shared>>) offsets(%dma_start3A_216 : memref<128xi32, #tpu.memory_space<vmem>>) semaphore(%arg17 : memref<!tpu.dma_semaphore, #tpu.memory_space<semaphore_mem>>) {add = true}
        %dma_start3A_222 = arith.constant 3 : i32
        %dma_start3A_223 = arith.constant 3 : i32
        %dma_start3A_224 = arith.constant 0 : i32
        %dma_start3A_225 = tpu.memref_slice %arg12[%dma_start3A_222, %dma_start3A_224] : memref<4x128xf32, #tpu.memory_space<vmem>> -> memref<1x128xf32, #tpu.memory_space<vmem>>
        %dma_start3A_226 = tpu.memref_squeeze %dma_start3A_225 : memref<1x128xf32, #tpu.memory_space<vmem>> -> memref<128xf32, #tpu.memory_space<vmem>>
        %dma_start3A_227 = arith.constant 0 : i32
        %dma_start3A_228 = tpu.memref_slice %arg9[%scan3A_72, %dma_start3A_227] : memref<8x128xi32, #tpu.memory_space<vmem>> -> memref<1x128xi32, #tpu.memory_space<vmem>>
        %dma_start3A_229 = tpu.memref_squeeze %dma_start3A_228 : memref<1x128xi32, #tpu.memory_space<vmem>> -> memref<128xi32, #tpu.memory_space<vmem>>
        %dma_start3A_230 = arith.constant 0 : i32
        %dma_start3A_231 = tpu.memref_slice %arg14[%dma_start3A_223, %dma_start3A_230] : memref<4x100352xf32, #tpu.memory_space<vmem_shared>> -> memref<1x100352xf32, #tpu.memory_space<vmem_shared>>
        %dma_start3A_232 = tpu.memref_squeeze %dma_start3A_231 : memref<1x100352xf32, #tpu.memory_space<vmem_shared>> -> memref<100352xf32, #tpu.memory_space<vmem_shared>>
        %dma_start3A_233 = arith.constant 0 : i32
        %dma_start3A_234 = tpu.memref_slice %dma_start3A_232[%dma_start3A_233] : memref<100352xf32, #tpu.memory_space<vmem_shared>> -> memref<100352xf32, #tpu.memory_space<vmem_shared>>
        tpu.enqueue_indirect_dma source(%dma_start3A_226 : memref<128xf32, #tpu.memory_space<vmem>>) target(%dma_start3A_234 : memref<100352xf32, #tpu.memory_space<vmem_shared>>) offsets(%dma_start3A_229 : memref<128xi32, #tpu.memory_space<vmem>>) semaphore(%arg17 : memref<!tpu.dma_semaphore, #tpu.memory_space<semaphore_mem>>) {add = true}
        %dma_wait3A_235 = arith.constant 0 : i32
        %dma_wait3A_236 = arith.constant 0 : i32
        %dma_wait3A_237 = arith.constant 0 : i32
        %dma_wait3A_238 = tpu.memref_slice %arg12[%dma_wait3A_235, %dma_wait3A_237] : memref<4x128xf32, #tpu.memory_space<vmem>> -> memref<1x128xf32, #tpu.memory_space<vmem>>
        %dma_wait3A_239 = tpu.memref_squeeze %dma_wait3A_238 : memref<1x128xf32, #tpu.memory_space<vmem>> -> memref<128xf32, #tpu.memory_space<vmem>>
        %dma_wait3A_240 = arith.constant 0 : i32
        %dma_wait3A_241 = tpu.memref_slice %arg9[%scan3A_72, %dma_wait3A_240] : memref<8x128xi32, #tpu.memory_space<vmem>> -> memref<1x128xi32, #tpu.memory_space<vmem>>
        %dma_wait3A_242 = tpu.memref_squeeze %dma_wait3A_241 : memref<1x128xi32, #tpu.memory_space<vmem>> -> memref<128xi32, #tpu.memory_space<vmem>>
        %dma_wait3A_243 = arith.constant 0 : i32
        %dma_wait3A_244 = tpu.memref_slice %arg14[%dma_wait3A_236, %dma_wait3A_243] : memref<4x100352xf32, #tpu.memory_space<vmem_shared>> -> memref<1x100352xf32, #tpu.memory_space<vmem_shared>>
        %dma_wait3A_245 = tpu.memref_squeeze %dma_wait3A_244 : memref<1x100352xf32, #tpu.memory_space<vmem_shared>> -> memref<100352xf32, #tpu.memory_space<vmem_shared>>
        %dma_wait3A_246 = arith.constant 0 : i32
        %dma_wait3A_247 = tpu.memref_slice %dma_wait3A_245[%dma_wait3A_246] : memref<100352xf32, #tpu.memory_space<vmem_shared>> -> memref<100352xf32, #tpu.memory_space<vmem_shared>>
        tpu.wait_indirect_dma semaphore(%arg17 : memref<!tpu.dma_semaphore, #tpu.memory_space<semaphore_mem>>) src(%dma_wait3A_239 : memref<128xf32, #tpu.memory_space<vmem>>) dst(%dma_wait3A_247 : memref<100352xf32, #tpu.memory_space<vmem_shared>>)
        %dma_wait3A_248 = arith.constant 1 : i32
        %dma_wait3A_249 = arith.constant 1 : i32
        %dma_wait3A_250 = arith.constant 0 : i32
        %dma_wait3A_251 = tpu.memref_slice %arg12[%dma_wait3A_248, %dma_wait3A_250] : memref<4x128xf32, #tpu.memory_space<vmem>> -> memref<1x128xf32, #tpu.memory_space<vmem>>
        %dma_wait3A_252 = tpu.memref_squeeze %dma_wait3A_251 : memref<1x128xf32, #tpu.memory_space<vmem>> -> memref<128xf32, #tpu.memory_space<vmem>>
        %dma_wait3A_253 = arith.constant 0 : i32
        %dma_wait3A_254 = tpu.memref_slice %arg9[%scan3A_72, %dma_wait3A_253] : memref<8x128xi32, #tpu.memory_space<vmem>> -> memref<1x128xi32, #tpu.memory_space<vmem>>
        %dma_wait3A_255 = tpu.memref_squeeze %dma_wait3A_254 : memref<1x128xi32, #tpu.memory_space<vmem>> -> memref<128xi32, #tpu.memory_space<vmem>>
        %dma_wait3A_256 = arith.constant 0 : i32
        %dma_wait3A_257 = tpu.memref_slice %arg14[%dma_wait3A_249, %dma_wait3A_256] : memref<4x100352xf32, #tpu.memory_space<vmem_shared>> -> memref<1x100352xf32, #tpu.memory_space<vmem_shared>>
        %dma_wait3A_258 = tpu.memref_squeeze %dma_wait3A_257 : memref<1x100352xf32, #tpu.memory_space<vmem_shared>> -> memref<100352xf32, #tpu.memory_space<vmem_shared>>
        %dma_wait3A_259 = arith.constant 0 : i32
        %dma_wait3A_260 = tpu.memref_slice %dma_wait3A_258[%dma_wait3A_259] : memref<100352xf32, #tpu.memory_space<vmem_shared>> -> memref<100352xf32, #tpu.memory_space<vmem_shared>>
        tpu.wait_indirect_dma semaphore(%arg17 : memref<!tpu.dma_semaphore, #tpu.memory_space<semaphore_mem>>) src(%dma_wait3A_252 : memref<128xf32, #tpu.memory_space<vmem>>) dst(%dma_wait3A_260 : memref<100352xf32, #tpu.memory_space<vmem_shared>>)
        %dma_wait3A_261 = arith.constant 2 : i32
        %dma_wait3A_262 = arith.constant 2 : i32
        %dma_wait3A_263 = arith.constant 0 : i32
        %dma_wait3A_264 = tpu.memref_slice %arg12[%dma_wait3A_261, %dma_wait3A_263] : memref<4x128xf32, #tpu.memory_space<vmem>> -> memref<1x128xf32, #tpu.memory_space<vmem>>
        %dma_wait3A_265 = tpu.memref_squeeze %dma_wait3A_264 : memref<1x128xf32, #tpu.memory_space<vmem>> -> memref<128xf32, #tpu.memory_space<vmem>>
        %dma_wait3A_266 = arith.constant 0 : i32
        %dma_wait3A_267 = tpu.memref_slice %arg9[%scan3A_72, %dma_wait3A_266] : memref<8x128xi32, #tpu.memory_space<vmem>> -> memref<1x128xi32, #tpu.memory_space<vmem>>
        %dma_wait3A_268 = tpu.memref_squeeze %dma_wait3A_267 : memref<1x128xi32, #tpu.memory_space<vmem>> -> memref<128xi32, #tpu.memory_space<vmem>>
        %dma_wait3A_269 = arith.constant 0 : i32
        %dma_wait3A_270 = tpu.memref_slice %arg14[%dma_wait3A_262, %dma_wait3A_269] : memref<4x100352xf32, #tpu.memory_space<vmem_shared>> -> memref<1x100352xf32, #tpu.memory_space<vmem_shared>>
        %dma_wait3A_271 = tpu.memref_squeeze %dma_wait3A_270 : memref<1x100352xf32, #tpu.memory_space<vmem_shared>> -> memref<100352xf32, #tpu.memory_space<vmem_shared>>
        %dma_wait3A_272 = arith.constant 0 : i32
        %dma_wait3A_273 = tpu.memref_slice %dma_wait3A_271[%dma_wait3A_272] : memref<100352xf32, #tpu.memory_space<vmem_shared>> -> memref<100352xf32, #tpu.memory_space<vmem_shared>>
        tpu.wait_indirect_dma semaphore(%arg17 : memref<!tpu.dma_semaphore, #tpu.memory_space<semaphore_mem>>) src(%dma_wait3A_265 : memref<128xf32, #tpu.memory_space<vmem>>) dst(%dma_wait3A_273 : memref<100352xf32, #tpu.memory_space<vmem_shared>>)
        %dma_wait3A_274 = arith.constant 3 : i32
        %dma_wait3A_275 = arith.constant 3 : i32
        %dma_wait3A_276 = arith.constant 0 : i32
        %dma_wait3A_277 = tpu.memref_slice %arg12[%dma_wait3A_274, %dma_wait3A_276] : memref<4x128xf32, #tpu.memory_space<vmem>> -> memref<1x128xf32, #tpu.memory_space<vmem>>
        %dma_wait3A_278 = tpu.memref_squeeze %dma_wait3A_277 : memref<1x128xf32, #tpu.memory_space<vmem>> -> memref<128xf32, #tpu.memory_space<vmem>>
        %dma_wait3A_279 = arith.constant 0 : i32
        %dma_wait3A_280 = tpu.memref_slice %arg9[%scan3A_72, %dma_wait3A_279] : memref<8x128xi32, #tpu.memory_space<vmem>> -> memref<1x128xi32, #tpu.memory_space<vmem>>
        %dma_wait3A_281 = tpu.memref_squeeze %dma_wait3A_280 : memref<1x128xi32, #tpu.memory_space<vmem>> -> memref<128xi32, #tpu.memory_space<vmem>>
        %dma_wait3A_282 = arith.constant 0 : i32
        %dma_wait3A_283 = tpu.memref_slice %arg14[%dma_wait3A_275, %dma_wait3A_282] : memref<4x100352xf32, #tpu.memory_space<vmem_shared>> -> memref<1x100352xf32, #tpu.memory_space<vmem_shared>>
        %dma_wait3A_284 = tpu.memref_squeeze %dma_wait3A_283 : memref<1x100352xf32, #tpu.memory_space<vmem_shared>> -> memref<100352xf32, #tpu.memory_space<vmem_shared>>
        %dma_wait3A_285 = arith.constant 0 : i32
        %dma_wait3A_286 = tpu.memref_slice %dma_wait3A_284[%dma_wait3A_285] : memref<100352xf32, #tpu.memory_space<vmem_shared>> -> memref<100352xf32, #tpu.memory_space<vmem_shared>>
        tpu.wait_indirect_dma semaphore(%arg17 : memref<!tpu.dma_semaphore, #tpu.memory_space<semaphore_mem>>) src(%dma_wait3A_278 : memref<128xf32, #tpu.memory_space<vmem>>) dst(%dma_wait3A_286 : memref<100352xf32, #tpu.memory_space<vmem_shared>>)
      }
      %scan3A_71 = arith.constant 8 : i32
    }
    %while3A_29 = arith.constant 1 : i32
    scf.for %while3A_39 = %while3A_27 to %while3A_23 step %while3A_29  : i32 {
      %add3A_40 = arith.addi %add3A_17, %while3A_39 : i32
      %mul3A_41 = arith.constant 8 : i32
      %mul3A_42 = arith.muli %add3A_40, %mul3A_41 : i32
      %dma_start3A = arith.constant 0 : i32
      %dma_start3A_43 = tpu.memref_slice %arg2[%mul3A_42, %dma_start3A] : memref<50000x128xi32, #tpu.memory_space<hbm>> -> memref<8x128xi32, #tpu.memory_space<hbm>>
      %dma_start3A_44 = arith.constant 0 : i32
      %dma_start3A_45 = tpu.memref_slice %arg2[%mul3A_42, %dma_start3A_44] : memref<50000x128xi32, #tpu.memory_space<hbm>> -> memref<8x128xi32, #tpu.memory_space<hbm>>
      tpu.enqueue_dma source(%dma_start3A_45 : memref<8x128xi32, #tpu.memory_space<hbm>>) target(%arg8 : memref<8x128xi32, #tpu.memory_space<vmem>>) target_semaphore(%arg15 : memref<!tpu.dma_semaphore, #tpu.memory_space<semaphore_mem>>)
      %mul3A_46 = arith.constant 8 : i32
      %mul3A_47 = arith.muli %add3A_40, %mul3A_46 : i32
      %dma_start3A_48 = arith.constant 0 : i32
      %dma_start3A_49 = tpu.memref_slice %arg3[%mul3A_47, %dma_start3A_48] : memref<50000x128xi32, #tpu.memory_space<hbm>> -> memref<8x128xi32, #tpu.memory_space<hbm>>
      %dma_start3A_50 = arith.constant 0 : i32
      %dma_start3A_51 = tpu.memref_slice %arg3[%mul3A_47, %dma_start3A_50] : memref<50000x128xi32, #tpu.memory_space<hbm>> -> memref<8x128xi32, #tpu.memory_space<hbm>>
      tpu.enqueue_dma source(%dma_start3A_51 : memref<8x128xi32, #tpu.memory_space<hbm>>) target(%arg9 : memref<8x128xi32, #tpu.memory_space<vmem>>) target_semaphore(%arg15 : memref<!tpu.dma_semaphore, #tpu.memory_space<semaphore_mem>>)
      %mul3A_52 = arith.constant 8 : i32
      %mul3A_53 = arith.muli %add3A_40, %mul3A_52 : i32
      %mul3A_54 = arith.constant 128 : i32
      %mul3A_55 = arith.muli %mul3A_53, %mul3A_54 : i32
      %dma_start3A_56 = tpu.memref_slice %arg4[%mul3A_55] : memref<6400000xf32, #tpu.memory_space<hbm>> -> memref<1024xf32, #tpu.memory_space<hbm>>
      %dma_start3A_57 = tpu.memref_slice %arg4[%mul3A_55] : memref<6400000xf32, #tpu.memory_space<hbm>> -> memref<1024xf32, #tpu.memory_space<hbm>>
      tpu.enqueue_dma source(%dma_start3A_57 : memref<1024xf32, #tpu.memory_space<hbm>>) target(%arg10 : memref<1024xf32, #tpu.memory_space<vmem>>) target_semaphore(%arg15 : memref<!tpu.dma_semaphore, #tpu.memory_space<semaphore_mem>>)
      %dma_wait3A = arith.constant 0 : i32
      %dma_wait3A_58 = tpu.memref_slice %arg2[%mul3A_42, %dma_wait3A] : memref<50000x128xi32, #tpu.memory_space<hbm>> -> memref<8x128xi32, #tpu.memory_space<hbm>>
      %dma_wait3A_59 = arith.constant 0 : i32
      %dma_wait3A_60 = tpu.memref_slice %arg2[%mul3A_42, %dma_wait3A_59] : memref<50000x128xi32, #tpu.memory_space<hbm>> -> memref<8x128xi32, #tpu.memory_space<hbm>>
      tpu.wait_dma2 semaphore(%arg15 : memref<!tpu.dma_semaphore, #tpu.memory_space<semaphore_mem>>) src(%dma_wait3A_60 : memref<8x128xi32, #tpu.memory_space<hbm>>) dst(%arg8 : memref<8x128xi32, #tpu.memory_space<vmem>>)
      %dma_wait3A_61 = arith.constant 0 : i32
      %dma_wait3A_62 = tpu.memref_slice %arg3[%mul3A_47, %dma_wait3A_61] : memref<50000x128xi32, #tpu.memory_space<hbm>> -> memref<8x128xi32, #tpu.memory_space<hbm>>
      %dma_wait3A_63 = arith.constant 0 : i32
      %dma_wait3A_64 = tpu.memref_slice %arg3[%mul3A_47, %dma_wait3A_63] : memref<50000x128xi32, #tpu.memory_space<hbm>> -> memref<8x128xi32, #tpu.memory_space<hbm>>
      tpu.wait_dma2 semaphore(%arg15 : memref<!tpu.dma_semaphore, #tpu.memory_space<semaphore_mem>>) src(%dma_wait3A_64 : memref<8x128xi32, #tpu.memory_space<hbm>>) dst(%arg9 : memref<8x128xi32, #tpu.memory_space<vmem>>)
      %dma_wait3A_65 = tpu.memref_slice %arg4[%mul3A_55] : memref<6400000xf32, #tpu.memory_space<hbm>> -> memref<1024xf32, #tpu.memory_space<hbm>>
      %dma_wait3A_66 = tpu.memref_slice %arg4[%mul3A_55] : memref<6400000xf32, #tpu.memory_space<hbm>> -> memref<1024xf32, #tpu.memory_space<hbm>>
      tpu.wait_dma2 semaphore(%arg15 : memref<!tpu.dma_semaphore, #tpu.memory_space<semaphore_mem>>) src(%dma_wait3A_66 : memref<1024xf32, #tpu.memory_space<hbm>>) dst(%arg10 : memref<1024xf32, #tpu.memory_space<vmem>>)
      %scan3A = arith.constant 0 : i32
      %scan3A_67 = arith.constant 0 : i32
      %scan3A_68 = arith.constant 8 : i32
      %scan3A_69 = arith.addi %scan3A_67, %scan3A_68 : i32
      %scan3A_70 = arith.constant 1 : i32
      scf.for %scan3A_72 = %scan3A_67 to %scan3A_69 step %scan3A_70  : i32 {
        %dma_start3A_73 = arith.constant 0 : i32
        %dma_start3A_74 = arith.constant 0 : i32
        %dma_start3A_75 = arith.constant 0 : i32
        %dma_start3A_76 = tpu.memref_slice %arg11[%dma_start3A_74, %dma_start3A_75] : memref<4x128xf32, #tpu.memory_space<vmem>> -> memref<1x128xf32, #tpu.memory_space<vmem>>
        %dma_start3A_77 = tpu.memref_squeeze %dma_start3A_76 : memref<1x128xf32, #tpu.memory_space<vmem>> -> memref<128xf32, #tpu.memory_space<vmem>>
        %dma_start3A_78 = arith.constant 0 : i32
        %dma_start3A_79 = tpu.memref_slice %arg8[%scan3A_72, %dma_start3A_78] : memref<8x128xi32, #tpu.memory_space<vmem>> -> memref<1x128xi32, #tpu.memory_space<vmem>>
        %dma_start3A_80 = tpu.memref_squeeze %dma_start3A_79 : memref<1x128xi32, #tpu.memory_space<vmem>> -> memref<128xi32, #tpu.memory_space<vmem>>
        %dma_start3A_81 = arith.constant 0 : i32
        %dma_start3A_82 = tpu.memref_slice %arg13[%dma_start3A_73, %dma_start3A_81] : memref<4x100352xf32, #tpu.memory_space<vmem_shared>> -> memref<1x100352xf32, #tpu.memory_space<vmem_shared>>
        %dma_start3A_83 = tpu.memref_squeeze %dma_start3A_82 : memref<1x100352xf32, #tpu.memory_space<vmem_shared>> -> memref<100352xf32, #tpu.memory_space<vmem_shared>>
        %dma_start3A_84 = arith.constant 0 : i32
        %dma_start3A_85 = tpu.memref_slice %dma_start3A_83[%dma_start3A_84] : memref<100352xf32, #tpu.memory_space<vmem_shared>> -> memref<100352xf32, #tpu.memory_space<vmem_shared>>
        tpu.enqueue_indirect_dma source(%dma_start3A_85 : memref<100352xf32, #tpu.memory_space<vmem_shared>>) target(%dma_start3A_77 : memref<128xf32, #tpu.memory_space<vmem>>) offsets(%dma_start3A_80 : memref<128xi32, #tpu.memory_space<vmem>>) semaphore(%arg16 : memref<!tpu.dma_semaphore, #tpu.memory_space<semaphore_mem>>)
        %dma_start3A_86 = arith.constant 1 : i32
        %dma_start3A_87 = arith.constant 1 : i32
        %dma_start3A_88 = arith.constant 0 : i32
        %dma_start3A_89 = tpu.memref_slice %arg11[%dma_start3A_87, %dma_start3A_88] : memref<4x128xf32, #tpu.memory_space<vmem>> -> memref<1x128xf32, #tpu.memory_space<vmem>>
        %dma_start3A_90 = tpu.memref_squeeze %dma_start3A_89 : memref<1x128xf32, #tpu.memory_space<vmem>> -> memref<128xf32, #tpu.memory_space<vmem>>
        %dma_start3A_91 = arith.constant 0 : i32
        %dma_start3A_92 = tpu.memref_slice %arg8[%scan3A_72, %dma_start3A_91] : memref<8x128xi32, #tpu.memory_space<vmem>> -> memref<1x128xi32, #tpu.memory_space<vmem>>
        %dma_start3A_93 = tpu.memref_squeeze %dma_start3A_92 : memref<1x128xi32, #tpu.memory_space<vmem>> -> memref<128xi32, #tpu.memory_space<vmem>>
        %dma_start3A_94 = arith.constant 0 : i32
        %dma_start3A_95 = tpu.memref_slice %arg13[%dma_start3A_86, %dma_start3A_94] : memref<4x100352xf32, #tpu.memory_space<vmem_shared>> -> memref<1x100352xf32, #tpu.memory_space<vmem_shared>>
        %dma_start3A_96 = tpu.memref_squeeze %dma_start3A_95 : memref<1x100352xf32, #tpu.memory_space<vmem_shared>> -> memref<100352xf32, #tpu.memory_space<vmem_shared>>
        %dma_start3A_97 = arith.constant 0 : i32
        %dma_start3A_98 = tpu.memref_slice %dma_start3A_96[%dma_start3A_97] : memref<100352xf32, #tpu.memory_space<vmem_shared>> -> memref<100352xf32, #tpu.memory_space<vmem_shared>>
        tpu.enqueue_indirect_dma source(%dma_start3A_98 : memref<100352xf32, #tpu.memory_space<vmem_shared>>) target(%dma_start3A_90 : memref<128xf32, #tpu.memory_space<vmem>>) offsets(%dma_start3A_93 : memref<128xi32, #tpu.memory_space<vmem>>) semaphore(%arg16 : memref<!tpu.dma_semaphore, #tpu.memory_space<semaphore_mem>>)
        %dma_start3A_99 = arith.constant 2 : i32
        %dma_start3A_100 = arith.constant 2 : i32
        %dma_start3A_101 = arith.constant 0 : i32
        %dma_start3A_102 = tpu.memref_slice %arg11[%dma_start3A_100, %dma_start3A_101] : memref<4x128xf32, #tpu.memory_space<vmem>> -> memref<1x128xf32, #tpu.memory_space<vmem>>
        %dma_start3A_103 = tpu.memref_squeeze %dma_start3A_102 : memref<1x128xf32, #tpu.memory_space<vmem>> -> memref<128xf32, #tpu.memory_space<vmem>>
        %dma_start3A_104 = arith.constant 0 : i32
        %dma_start3A_105 = tpu.memref_slice %arg8[%scan3A_72, %dma_start3A_104] : memref<8x128xi32, #tpu.memory_space<vmem>> -> memref<1x128xi32, #tpu.memory_space<vmem>>
        %dma_start3A_106 = tpu.memref_squeeze %dma_start3A_105 : memref<1x128xi32, #tpu.memory_space<vmem>> -> memref<128xi32, #tpu.memory_space<vmem>>
        %dma_start3A_107 = arith.constant 0 : i32
        %dma_start3A_108 = tpu.memref_slice %arg13[%dma_start3A_99, %dma_start3A_107] : memref<4x100352xf32, #tpu.memory_space<vmem_shared>> -> memref<1x100352xf32, #tpu.memory_space<vmem_shared>>
        %dma_start3A_109 = tpu.memref_squeeze %dma_start3A_108 : memref<1x100352xf32, #tpu.memory_space<vmem_shared>> -> memref<100352xf32, #tpu.memory_space<vmem_shared>>
        %dma_start3A_110 = arith.constant 0 : i32
        %dma_start3A_111 = tpu.memref_slice %dma_start3A_109[%dma_start3A_110] : memref<100352xf32, #tpu.memory_space<vmem_shared>> -> memref<100352xf32, #tpu.memory_space<vmem_shared>>
        tpu.enqueue_indirect_dma source(%dma_start3A_111 : memref<100352xf32, #tpu.memory_space<vmem_shared>>) target(%dma_start3A_103 : memref<128xf32, #tpu.memory_space<vmem>>) offsets(%dma_start3A_106 : memref<128xi32, #tpu.memory_space<vmem>>) semaphore(%arg16 : memref<!tpu.dma_semaphore, #tpu.memory_space<semaphore_mem>>)
        %dma_start3A_112 = arith.constant 3 : i32
        %dma_start3A_113 = arith.constant 3 : i32
        %dma_start3A_114 = arith.constant 0 : i32
        %dma_start3A_115 = tpu.memref_slice %arg11[%dma_start3A_113, %dma_start3A_114] : memref<4x128xf32, #tpu.memory_space<vmem>> -> memref<1x128xf32, #tpu.memory_space<vmem>>
        %dma_start3A_116 = tpu.memref_squeeze %dma_start3A_115 : memref<1x128xf32, #tpu.memory_space<vmem>> -> memref<128xf32, #tpu.memory_space<vmem>>
        %dma_start3A_117 = arith.constant 0 : i32
        %dma_start3A_118 = tpu.memref_slice %arg8[%scan3A_72, %dma_start3A_117] : memref<8x128xi32, #tpu.memory_space<vmem>> -> memref<1x128xi32, #tpu.memory_space<vmem>>
        %dma_start3A_119 = tpu.memref_squeeze %dma_start3A_118 : memref<1x128xi32, #tpu.memory_space<vmem>> -> memref<128xi32, #tpu.memory_space<vmem>>
        %dma_start3A_120 = arith.constant 0 : i32
        %dma_start3A_121 = tpu.memref_slice %arg13[%dma_start3A_112, %dma_start3A_120] : memref<4x100352xf32, #tpu.memory_space<vmem_shared>> -> memref<1x100352xf32, #tpu.memory_space<vmem_shared>>
        %dma_start3A_122 = tpu.memref_squeeze %dma_start3A_121 : memref<1x100352xf32, #tpu.memory_space<vmem_shared>> -> memref<100352xf32, #tpu.memory_space<vmem_shared>>
        %dma_start3A_123 = arith.constant 0 : i32
        %dma_start3A_124 = tpu.memref_slice %dma_start3A_122[%dma_start3A_123] : memref<100352xf32, #tpu.memory_space<vmem_shared>> -> memref<100352xf32, #tpu.memory_space<vmem_shared>>
        tpu.enqueue_indirect_dma source(%dma_start3A_124 : memref<100352xf32, #tpu.memory_space<vmem_shared>>) target(%dma_start3A_116 : memref<128xf32, #tpu.memory_space<vmem>>) offsets(%dma_start3A_119 : memref<128xi32, #tpu.memory_space<vmem>>) semaphore(%arg16 : memref<!tpu.dma_semaphore, #tpu.memory_space<semaphore_mem>>)
        %dma_wait3A_125 = arith.constant 0 : i32
        %dma_wait3A_126 = arith.constant 0 : i32
        %dma_wait3A_127 = arith.constant 0 : i32
        %dma_wait3A_128 = tpu.memref_slice %arg11[%dma_wait3A_126, %dma_wait3A_127] : memref<4x128xf32, #tpu.memory_space<vmem>> -> memref<1x128xf32, #tpu.memory_space<vmem>>
        %dma_wait3A_129 = tpu.memref_squeeze %dma_wait3A_128 : memref<1x128xf32, #tpu.memory_space<vmem>> -> memref<128xf32, #tpu.memory_space<vmem>>
        %dma_wait3A_130 = arith.constant 0 : i32
        %dma_wait3A_131 = tpu.memref_slice %arg8[%scan3A_72, %dma_wait3A_130] : memref<8x128xi32, #tpu.memory_space<vmem>> -> memref<1x128xi32, #tpu.memory_space<vmem>>
        %dma_wait3A_132 = tpu.memref_squeeze %dma_wait3A_131 : memref<1x128xi32, #tpu.memory_space<vmem>> -> memref<128xi32, #tpu.memory_space<vmem>>
        %dma_wait3A_133 = arith.constant 0 : i32
        %dma_wait3A_134 = tpu.memref_slice %arg13[%dma_wait3A_125, %dma_wait3A_133] : memref<4x100352xf32, #tpu.memory_space<vmem_shared>> -> memref<1x100352xf32, #tpu.memory_space<vmem_shared>>
        %dma_wait3A_135 = tpu.memref_squeeze %dma_wait3A_134 : memref<1x100352xf32, #tpu.memory_space<vmem_shared>> -> memref<100352xf32, #tpu.memory_space<vmem_shared>>
        %dma_wait3A_136 = arith.constant 0 : i32
        %dma_wait3A_137 = tpu.memref_slice %dma_wait3A_135[%dma_wait3A_136] : memref<100352xf32, #tpu.memory_space<vmem_shared>> -> memref<100352xf32, #tpu.memory_space<vmem_shared>>
        tpu.wait_indirect_dma semaphore(%arg16 : memref<!tpu.dma_semaphore, #tpu.memory_space<semaphore_mem>>) src(%dma_wait3A_137 : memref<100352xf32, #tpu.memory_space<vmem_shared>>) dst(%dma_wait3A_129 : memref<128xf32, #tpu.memory_space<vmem>>)
        %dma_wait3A_138 = arith.constant 1 : i32
        %dma_wait3A_139 = arith.constant 1 : i32
        %dma_wait3A_140 = arith.constant 0 : i32
        %dma_wait3A_141 = tpu.memref_slice %arg11[%dma_wait3A_139, %dma_wait3A_140] : memref<4x128xf32, #tpu.memory_space<vmem>> -> memref<1x128xf32, #tpu.memory_space<vmem>>
        %dma_wait3A_142 = tpu.memref_squeeze %dma_wait3A_141 : memref<1x128xf32, #tpu.memory_space<vmem>> -> memref<128xf32, #tpu.memory_space<vmem>>
        %dma_wait3A_143 = arith.constant 0 : i32
        %dma_wait3A_144 = tpu.memref_slice %arg8[%scan3A_72, %dma_wait3A_143] : memref<8x128xi32, #tpu.memory_space<vmem>> -> memref<1x128xi32, #tpu.memory_space<vmem>>
        %dma_wait3A_145 = tpu.memref_squeeze %dma_wait3A_144 : memref<1x128xi32, #tpu.memory_space<vmem>> -> memref<128xi32, #tpu.memory_space<vmem>>
        %dma_wait3A_146 = arith.constant 0 : i32
        %dma_wait3A_147 = tpu.memref_slice %arg13[%dma_wait3A_138, %dma_wait3A_146] : memref<4x100352xf32, #tpu.memory_space<vmem_shared>> -> memref<1x100352xf32, #tpu.memory_space<vmem_shared>>
        %dma_wait3A_148 = tpu.memref_squeeze %dma_wait3A_147 : memref<1x100352xf32, #tpu.memory_space<vmem_shared>> -> memref<100352xf32, #tpu.memory_space<vmem_shared>>
        %dma_wait3A_149 = arith.constant 0 : i32
        %dma_wait3A_150 = tpu.memref_slice %dma_wait3A_148[%dma_wait3A_149] : memref<100352xf32, #tpu.memory_space<vmem_shared>> -> memref<100352xf32, #tpu.memory_space<vmem_shared>>
        tpu.wait_indirect_dma semaphore(%arg16 : memref<!tpu.dma_semaphore, #tpu.memory_space<semaphore_mem>>) src(%dma_wait3A_150 : memref<100352xf32, #tpu.memory_space<vmem_shared>>) dst(%dma_wait3A_142 : memref<128xf32, #tpu.memory_space<vmem>>)
        %dma_wait3A_151 = arith.constant 2 : i32
        %dma_wait3A_152 = arith.constant 2 : i32
        %dma_wait3A_153 = arith.constant 0 : i32
        %dma_wait3A_154 = tpu.memref_slice %arg11[%dma_wait3A_152, %dma_wait3A_153] : memref<4x128xf32, #tpu.memory_space<vmem>> -> memref<1x128xf32, #tpu.memory_space<vmem>>
        %dma_wait3A_155 = tpu.memref_squeeze %dma_wait3A_154 : memref<1x128xf32, #tpu.memory_space<vmem>> -> memref<128xf32, #tpu.memory_space<vmem>>
        %dma_wait3A_156 = arith.constant 0 : i32
        %dma_wait3A_157 = tpu.memref_slice %arg8[%scan3A_72, %dma_wait3A_156] : memref<8x128xi32, #tpu.memory_space<vmem>> -> memref<1x128xi32, #tpu.memory_space<vmem>>
        %dma_wait3A_158 = tpu.memref_squeeze %dma_wait3A_157 : memref<1x128xi32, #tpu.memory_space<vmem>> -> memref<128xi32, #tpu.memory_space<vmem>>
        %dma_wait3A_159 = arith.constant 0 : i32
        %dma_wait3A_160 = tpu.memref_slice %arg13[%dma_wait3A_151, %dma_wait3A_159] : memref<4x100352xf32, #tpu.memory_space<vmem_shared>> -> memref<1x100352xf32, #tpu.memory_space<vmem_shared>>
        %dma_wait3A_161 = tpu.memref_squeeze %dma_wait3A_160 : memref<1x100352xf32, #tpu.memory_space<vmem_shared>> -> memref<100352xf32, #tpu.memory_space<vmem_shared>>
        %dma_wait3A_162 = arith.constant 0 : i32
        %dma_wait3A_163 = tpu.memref_slice %dma_wait3A_161[%dma_wait3A_162] : memref<100352xf32, #tpu.memory_space<vmem_shared>> -> memref<100352xf32, #tpu.memory_space<vmem_shared>>
        tpu.wait_indirect_dma semaphore(%arg16 : memref<!tpu.dma_semaphore, #tpu.memory_space<semaphore_mem>>) src(%dma_wait3A_163 : memref<100352xf32, #tpu.memory_space<vmem_shared>>) dst(%dma_wait3A_155 : memref<128xf32, #tpu.memory_space<vmem>>)
        %dma_wait3A_164 = arith.constant 3 : i32
        %dma_wait3A_165 = arith.constant 3 : i32
        %dma_wait3A_166 = arith.constant 0 : i32
        %dma_wait3A_167 = tpu.memref_slice %arg11[%dma_wait3A_165, %dma_wait3A_166] : memref<4x128xf32, #tpu.memory_space<vmem>> -> memref<1x128xf32, #tpu.memory_space<vmem>>
        %dma_wait3A_168 = tpu.memref_squeeze %dma_wait3A_167 : memref<1x128xf32, #tpu.memory_space<vmem>> -> memref<128xf32, #tpu.memory_space<vmem>>
        %dma_wait3A_169 = arith.constant 0 : i32
        %dma_wait3A_170 = tpu.memref_slice %arg8[%scan3A_72, %dma_wait3A_169] : memref<8x128xi32, #tpu.memory_space<vmem>> -> memref<1x128xi32, #tpu.memory_space<vmem>>
        %dma_wait3A_171 = tpu.memref_squeeze %dma_wait3A_170 : memref<1x128xi32, #tpu.memory_space<vmem>> -> memref<128xi32, #tpu.memory_space<vmem>>
        %dma_wait3A_172 = arith.constant 0 : i32
        %dma_wait3A_173 = tpu.memref_slice %arg13[%dma_wait3A_164, %dma_wait3A_172] : memref<4x100352xf32, #tpu.memory_space<vmem_shared>> -> memref<1x100352xf32, #tpu.memory_space<vmem_shared>>
        %dma_wait3A_174 = tpu.memref_squeeze %dma_wait3A_173 : memref<1x100352xf32, #tpu.memory_space<vmem_shared>> -> memref<100352xf32, #tpu.memory_space<vmem_shared>>
        %dma_wait3A_175 = arith.constant 0 : i32
        %dma_wait3A_176 = tpu.memref_slice %dma_wait3A_174[%dma_wait3A_175] : memref<100352xf32, #tpu.memory_space<vmem_shared>> -> memref<100352xf32, #tpu.memory_space<vmem_shared>>
        tpu.wait_indirect_dma semaphore(%arg16 : memref<!tpu.dma_semaphore, #tpu.memory_space<semaphore_mem>>) src(%dma_wait3A_176 : memref<100352xf32, #tpu.memory_space<vmem_shared>>) dst(%dma_wait3A_168 : memref<128xf32, #tpu.memory_space<vmem>>)
        %scan3A_177 = arith.constant 0 : i32
        %scan3A_178 = arith.constant 0 : i32
        %scan3A_179 = arith.constant 8 : i32
        %scan3A_180 = arith.addi %scan3A_178, %scan3A_179 : i32
        %scan3A_181 = arith.constant 1 : i32
        scf.for %scan3A_287 = %scan3A_178 to %scan3A_180 step %scan3A_181  : i32 {
          %mul3A_288 = arith.constant 16 : i32
          %mul3A_289 = arith.muli %scan3A_287, %mul3A_288 : i32
          %mul3A_290 = arith.constant 128 : i32
          %mul3A_291 = arith.muli %scan3A_72, %mul3A_290 : i32
          %mul3A_292 = arith.constant 16 : i32
          %mul3A_293 = arith.muli %scan3A_287, %mul3A_292 : i32
          %add3A_294 = arith.addi %mul3A_291, %mul3A_293 : i32
          %get3A = arith.index_cast %add3A_294 : i32 to index
          %get3A_295 = tpu.vector_load %arg10[%get3A] {strides = array<i32>} : memref<1024xf32, #tpu.memory_space<vmem>>, vector<16xf32>,
          %get3A_296 = arith.constant 0 : i32
          %get3A_297 = arith.index_cast %get3A_296 : i32 to index
          %get3A_298 = arith.index_cast %mul3A_289 : i32 to index
          %get3A_299 = tpu.vector_load %arg11[%get3A_297, %get3A_298] {strides = array<i32>} : memref<4x128xf32, #tpu.memory_space<vmem>>, vector<16xf32>,
          %mul3A_300 = arith.mulf %get3A_299, %get3A_295 : vector<16xf32>
          %swap3A = arith.constant 0 : i32
          %swap3A_301 = arith.index_cast %swap3A : i32 to index
          %swap3A_302 = arith.index_cast %mul3A_289 : i32 to index
          %swap3A_303 = tpu.vector_load %arg12[%swap3A_301, %swap3A_302] {strides = array<i32>} : memref<4x128xf32, #tpu.memory_space<vmem>>, vector<16xf32>,
          tpu.vector_store %arg12[%swap3A_301, %swap3A_302], %mul3A_300 {strides = array<i32>} : memref<4x128xf32, #tpu.memory_space<vmem>>, vector<16xf32>,
          %get3A_304 = arith.constant 1 : i32
          %get3A_305 = arith.index_cast %get3A_304 : i32 to index
          %get3A_306 = arith.index_cast %mul3A_289 : i32 to index
          %get3A_307 = tpu.vector_load %arg11[%get3A_305, %get3A_306] {strides = array<i32>} : memref<4x128xf32, #tpu.memory_space<vmem>>, vector<16xf32>,
          %mul3A_308 = arith.mulf %get3A_307, %get3A_295 : vector<16xf32>
          %swap3A_309 = arith.constant 1 : i32
          %swap3A_310 = arith.index_cast %swap3A_309 : i32 to index
          %swap3A_311 = arith.index_cast %mul3A_289 : i32 to index
          %swap3A_312 = tpu.vector_load %arg12[%swap3A_310, %swap3A_311] {strides = array<i32>} : memref<4x128xf32, #tpu.memory_space<vmem>>, vector<16xf32>,
          tpu.vector_store %arg12[%swap3A_310, %swap3A_311], %mul3A_308 {strides = array<i32>} : memref<4x128xf32, #tpu.memory_space<vmem>>, vector<16xf32>,
          %get3A_313 = arith.constant 2 : i32
          %get3A_314 = arith.index_cast %get3A_313 : i32 to index
          %get3A_315 = arith.index_cast %mul3A_289 : i32 to index
          %get3A_316 = tpu.vector_load %arg11[%get3A_314, %get3A_315] {strides = array<i32>} : memref<4x128xf32, #tpu.memory_space<vmem>>, vector<16xf32>,
          %mul3A_317 = arith.mulf %get3A_316, %get3A_295 : vector<16xf32>
          %swap3A_318 = arith.constant 2 : i32
          %swap3A_319 = arith.index_cast %swap3A_318 : i32 to index
          %swap3A_320 = arith.index_cast %mul3A_289 : i32 to index
          %swap3A_321 = tpu.vector_load %arg12[%swap3A_319, %swap3A_320] {strides = array<i32>} : memref<4x128xf32, #tpu.memory_space<vmem>>, vector<16xf32>,
          tpu.vector_store %arg12[%swap3A_319, %swap3A_320], %mul3A_317 {strides = array<i32>} : memref<4x128xf32, #tpu.memory_space<vmem>>, vector<16xf32>,
          %get3A_322 = arith.constant 3 : i32
          %get3A_323 = arith.index_cast %get3A_322 : i32 to index
          %get3A_324 = arith.index_cast %mul3A_289 : i32 to index
          %get3A_325 = tpu.vector_load %arg11[%get3A_323, %get3A_324] {strides = array<i32>} : memref<4x128xf32, #tpu.memory_space<vmem>>, vector<16xf32>,
          %mul3A_326 = arith.mulf %get3A_325, %get3A_295 : vector<16xf32>
          %swap3A_327 = arith.constant 3 : i32
          %swap3A_328 = arith.index_cast %swap3A_327 : i32 to index
          %swap3A_329 = arith.index_cast %mul3A_289 : i32 to index
          %swap3A_330 = tpu.vector_load %arg12[%swap3A_328, %swap3A_329] {strides = array<i32>} : memref<4x128xf32, #tpu.memory_space<vmem>>, vector<16xf32>,
          tpu.vector_store %arg12[%swap3A_328, %swap3A_329], %mul3A_326 {strides = array<i32>} : memref<4x128xf32, #tpu.memory_space<vmem>>, vector<16xf32>,
        }
        %scan3A_182 = arith.constant 8 : i32
        %dma_start3A_183 = arith.constant 0 : i32
        %dma_start3A_184 = arith.constant 0 : i32
        %dma_start3A_185 = arith.constant 0 : i32
        %dma_start3A_186 = tpu.memref_slice %arg12[%dma_start3A_183, %dma_start3A_185] : memref<4x128xf32, #tpu.memory_space<vmem>> -> memref<1x128xf32, #tpu.memory_space<vmem>>
        %dma_start3A_187 = tpu.memref_squeeze %dma_start3A_186 : memref<1x128xf32, #tpu.memory_space<vmem>> -> memref<128xf32, #tpu.memory_space<vmem>>
        %dma_start3A_188 = arith.constant 0 : i32
        %dma_start3A_189 = tpu.memref_slice %arg9[%scan3A_72, %dma_start3A_188] : memref<8x128xi32, #tpu.memory_space<vmem>> -> memref<1x128xi32, #tpu.memory_space<vmem>>
        %dma_start3A_190 = tpu.memref_squeeze %dma_start3A_189 : memref<1x128xi32, #tpu.memory_space<vmem>> -> memref<128xi32, #tpu.memory_space<vmem>>
        %dma_start3A_191 = arith.constant 0 : i32
        %dma_start3A_192 = tpu.memref_slice %arg14[%dma_start3A_184, %dma_start3A_191] : memref<4x100352xf32, #tpu.memory_space<vmem_shared>> -> memref<1x100352xf32, #tpu.memory_space<vmem_shared>>
        %dma_start3A_193 = tpu.memref_squeeze %dma_start3A_192 : memref<1x100352xf32, #tpu.memory_space<vmem_shared>> -> memref<100352xf32, #tpu.memory_space<vmem_shared>>
        %dma_start3A_194 = arith.constant 0 : i32
        %dma_start3A_195 = tpu.memref_slice %dma_start3A_193[%dma_start3A_194] : memref<100352xf32, #tpu.memory_space<vmem_shared>> -> memref<100352xf32, #tpu.memory_space<vmem_shared>>
        tpu.enqueue_indirect_dma source(%dma_start3A_187 : memref<128xf32, #tpu.memory_space<vmem>>) target(%dma_start3A_195 : memref<100352xf32, #tpu.memory_space<vmem_shared>>) offsets(%dma_start3A_190 : memref<128xi32, #tpu.memory_space<vmem>>) semaphore(%arg17 : memref<!tpu.dma_semaphore, #tpu.memory_space<semaphore_mem>>) {add = true}
        %dma_start3A_196 = arith.constant 1 : i32
        %dma_start3A_197 = arith.constant 1 : i32
        %dma_start3A_198 = arith.constant 0 : i32
        %dma_start3A_199 = tpu.memref_slice %arg12[%dma_start3A_196, %dma_start3A_198] : memref<4x128xf32, #tpu.memory_space<vmem>> -> memref<1x128xf32, #tpu.memory_space<vmem>>
        %dma_start3A_200 = tpu.memref_squeeze %dma_start3A_199 : memref<1x128xf32, #tpu.memory_space<vmem>> -> memref<128xf32, #tpu.memory_space<vmem>>
        %dma_start3A_201 = arith.constant 0 : i32
        %dma_start3A_202 = tpu.memref_slice %arg9[%scan3A_72, %dma_start3A_201] : memref<8x128xi32, #tpu.memory_space<vmem>> -> memref<1x128xi32, #tpu.memory_space<vmem>>
        %dma_start3A_203 = tpu.memref_squeeze %dma_start3A_202 : memref<1x128xi32, #tpu.memory_space<vmem>> -> memref<128xi32, #tpu.memory_space<vmem>>
        %dma_start3A_204 = arith.constant 0 : i32
        %dma_start3A_205 = tpu.memref_slice %arg14[%dma_start3A_197, %dma_start3A_204] : memref<4x100352xf32, #tpu.memory_space<vmem_shared>> -> memref<1x100352xf32, #tpu.memory_space<vmem_shared>>
        %dma_start3A_206 = tpu.memref_squeeze %dma_start3A_205 : memref<1x100352xf32, #tpu.memory_space<vmem_shared>> -> memref<100352xf32, #tpu.memory_space<vmem_shared>>
        %dma_start3A_207 = arith.constant 0 : i32
        %dma_start3A_208 = tpu.memref_slice %dma_start3A_206[%dma_start3A_207] : memref<100352xf32, #tpu.memory_space<vmem_shared>> -> memref<100352xf32, #tpu.memory_space<vmem_shared>>
        tpu.enqueue_indirect_dma source(%dma_start3A_200 : memref<128xf32, #tpu.memory_space<vmem>>) target(%dma_start3A_208 : memref<100352xf32, #tpu.memory_space<vmem_shared>>) offsets(%dma_start3A_203 : memref<128xi32, #tpu.memory_space<vmem>>) semaphore(%arg17 : memref<!tpu.dma_semaphore, #tpu.memory_space<semaphore_mem>>) {add = true}
        %dma_start3A_209 = arith.constant 2 : i32
        %dma_start3A_210 = arith.constant 2 : i32
        %dma_start3A_211 = arith.constant 0 : i32
        %dma_start3A_212 = tpu.memref_slice %arg12[%dma_start3A_209, %dma_start3A_211] : memref<4x128xf32, #tpu.memory_space<vmem>> -> memref<1x128xf32, #tpu.memory_space<vmem>>
        %dma_start3A_213 = tpu.memref_squeeze %dma_start3A_212 : memref<1x128xf32, #tpu.memory_space<vmem>> -> memref<128xf32, #tpu.memory_space<vmem>>
        %dma_start3A_214 = arith.constant 0 : i32
        %dma_start3A_215 = tpu.memref_slice %arg9[%scan3A_72, %dma_start3A_214] : memref<8x128xi32, #tpu.memory_space<vmem>> -> memref<1x128xi32, #tpu.memory_space<vmem>>
        %dma_start3A_216 = tpu.memref_squeeze %dma_start3A_215 : memref<1x128xi32, #tpu.memory_space<vmem>> -> memref<128xi32, #tpu.memory_space<vmem>>
        %dma_start3A_217 = arith.constant 0 : i32
        %dma_start3A_218 = tpu.memref_slice %arg14[%dma_start3A_210, %dma_start3A_217] : memref<4x100352xf32, #tpu.memory_space<vmem_shared>> -> memref<1x100352xf32, #tpu.memory_space<vmem_shared>>
        %dma_start3A_219 = tpu.memref_squeeze %dma_start3A_218 : memref<1x100352xf32, #tpu.memory_space<vmem_shared>> -> memref<100352xf32, #tpu.memory_space<vmem_shared>>
        %dma_start3A_220 = arith.constant 0 : i32
        %dma_start3A_221 = tpu.memref_slice %dma_start3A_219[%dma_start3A_220] : memref<100352xf32, #tpu.memory_space<vmem_shared>> -> memref<100352xf32, #tpu.memory_space<vmem_shared>>
        tpu.enqueue_indirect_dma source(%dma_start3A_213 : memref<128xf32, #tpu.memory_space<vmem>>) target(%dma_start3A_221 : memref<100352xf32, #tpu.memory_space<vmem_shared>>) offsets(%dma_start3A_216 : memref<128xi32, #tpu.memory_space<vmem>>) semaphore(%arg17 : memref<!tpu.dma_semaphore, #tpu.memory_space<semaphore_mem>>) {add = true}
        %dma_start3A_222 = arith.constant 3 : i32
        %dma_start3A_223 = arith.constant 3 : i32
        %dma_start3A_224 = arith.constant 0 : i32
        %dma_start3A_225 = tpu.memref_slice %arg12[%dma_start3A_222, %dma_start3A_224] : memref<4x128xf32, #tpu.memory_space<vmem>> -> memref<1x128xf32, #tpu.memory_space<vmem>>
        %dma_start3A_226 = tpu.memref_squeeze %dma_start3A_225 : memref<1x128xf32, #tpu.memory_space<vmem>> -> memref<128xf32, #tpu.memory_space<vmem>>
        %dma_start3A_227 = arith.constant 0 : i32
        %dma_start3A_228 = tpu.memref_slice %arg9[%scan3A_72, %dma_start3A_227] : memref<8x128xi32, #tpu.memory_space<vmem>> -> memref<1x128xi32, #tpu.memory_space<vmem>>
        %dma_start3A_229 = tpu.memref_squeeze %dma_start3A_228 : memref<1x128xi32, #tpu.memory_space<vmem>> -> memref<128xi32, #tpu.memory_space<vmem>>
        %dma_start3A_230 = arith.constant 0 : i32
        %dma_start3A_231 = tpu.memref_slice %arg14[%dma_start3A_223, %dma_start3A_230] : memref<4x100352xf32, #tpu.memory_space<vmem_shared>> -> memref<1x100352xf32, #tpu.memory_space<vmem_shared>>
        %dma_start3A_232 = tpu.memref_squeeze %dma_start3A_231 : memref<1x100352xf32, #tpu.memory_space<vmem_shared>> -> memref<100352xf32, #tpu.memory_space<vmem_shared>>
        %dma_start3A_233 = arith.constant 0 : i32
        %dma_start3A_234 = tpu.memref_slice %dma_start3A_232[%dma_start3A_233] : memref<100352xf32, #tpu.memory_space<vmem_shared>> -> memref<100352xf32, #tpu.memory_space<vmem_shared>>
        tpu.enqueue_indirect_dma source(%dma_start3A_226 : memref<128xf32, #tpu.memory_space<vmem>>) target(%dma_start3A_234 : memref<100352xf32, #tpu.memory_space<vmem_shared>>) offsets(%dma_start3A_229 : memref<128xi32, #tpu.memory_space<vmem>>) semaphore(%arg17 : memref<!tpu.dma_semaphore, #tpu.memory_space<semaphore_mem>>) {add = true}
        %dma_wait3A_235 = arith.constant 0 : i32
        %dma_wait3A_236 = arith.constant 0 : i32
        %dma_wait3A_237 = arith.constant 0 : i32
        %dma_wait3A_238 = tpu.memref_slice %arg12[%dma_wait3A_235, %dma_wait3A_237] : memref<4x128xf32, #tpu.memory_space<vmem>> -> memref<1x128xf32, #tpu.memory_space<vmem>>
        %dma_wait3A_239 = tpu.memref_squeeze %dma_wait3A_238 : memref<1x128xf32, #tpu.memory_space<vmem>> -> memref<128xf32, #tpu.memory_space<vmem>>
        %dma_wait3A_240 = arith.constant 0 : i32
        %dma_wait3A_241 = tpu.memref_slice %arg9[%scan3A_72, %dma_wait3A_240] : memref<8x128xi32, #tpu.memory_space<vmem>> -> memref<1x128xi32, #tpu.memory_space<vmem>>
        %dma_wait3A_242 = tpu.memref_squeeze %dma_wait3A_241 : memref<1x128xi32, #tpu.memory_space<vmem>> -> memref<128xi32, #tpu.memory_space<vmem>>
        %dma_wait3A_243 = arith.constant 0 : i32
        %dma_wait3A_244 = tpu.memref_slice %arg14[%dma_wait3A_236, %dma_wait3A_243] : memref<4x100352xf32, #tpu.memory_space<vmem_shared>> -> memref<1x100352xf32, #tpu.memory_space<vmem_shared>>
        %dma_wait3A_245 = tpu.memref_squeeze %dma_wait3A_244 : memref<1x100352xf32, #tpu.memory_space<vmem_shared>> -> memref<100352xf32, #tpu.memory_space<vmem_shared>>
        %dma_wait3A_246 = arith.constant 0 : i32
        %dma_wait3A_247 = tpu.memref_slice %dma_wait3A_245[%dma_wait3A_246] : memref<100352xf32, #tpu.memory_space<vmem_shared>> -> memref<100352xf32, #tpu.memory_space<vmem_shared>>
        tpu.wait_indirect_dma semaphore(%arg17 : memref<!tpu.dma_semaphore, #tpu.memory_space<semaphore_mem>>) src(%dma_wait3A_239 : memref<128xf32, #tpu.memory_space<vmem>>) dst(%dma_wait3A_247 : memref<100352xf32, #tpu.memory_space<vmem_shared>>)
        %dma_wait3A_248 = arith.constant 1 : i32
        %dma_wait3A_249 = arith.constant 1 : i32
        %dma_wait3A_250 = arith.constant 0 : i32
        %dma_wait3A_251 = tpu.memref_slice %arg12[%dma_wait3A_248, %dma_wait3A_250] : memref<4x128xf32, #tpu.memory_space<vmem>> -> memref<1x128xf32, #tpu.memory_space<vmem>>
        %dma_wait3A_252 = tpu.memref_squeeze %dma_wait3A_251 : memref<1x128xf32, #tpu.memory_space<vmem>> -> memref<128xf32, #tpu.memory_space<vmem>>
        %dma_wait3A_253 = arith.constant 0 : i32
        %dma_wait3A_254 = tpu.memref_slice %arg9[%scan3A_72, %dma_wait3A_253] : memref<8x128xi32, #tpu.memory_space<vmem>> -> memref<1x128xi32, #tpu.memory_space<vmem>>
        %dma_wait3A_255 = tpu.memref_squeeze %dma_wait3A_254 : memref<1x128xi32, #tpu.memory_space<vmem>> -> memref<128xi32, #tpu.memory_space<vmem>>
        %dma_wait3A_256 = arith.constant 0 : i32
        %dma_wait3A_257 = tpu.memref_slice %arg14[%dma_wait3A_249, %dma_wait3A_256] : memref<4x100352xf32, #tpu.memory_space<vmem_shared>> -> memref<1x100352xf32, #tpu.memory_space<vmem_shared>>
        %dma_wait3A_258 = tpu.memref_squeeze %dma_wait3A_257 : memref<1x100352xf32, #tpu.memory_space<vmem_shared>> -> memref<100352xf32, #tpu.memory_space<vmem_shared>>
        %dma_wait3A_259 = arith.constant 0 : i32
        %dma_wait3A_260 = tpu.memref_slice %dma_wait3A_258[%dma_wait3A_259] : memref<100352xf32, #tpu.memory_space<vmem_shared>> -> memref<100352xf32, #tpu.memory_space<vmem_shared>>
        tpu.wait_indirect_dma semaphore(%arg17 : memref<!tpu.dma_semaphore, #tpu.memory_space<semaphore_mem>>) src(%dma_wait3A_252 : memref<128xf32, #tpu.memory_space<vmem>>) dst(%dma_wait3A_260 : memref<100352xf32, #tpu.memory_space<vmem_shared>>)
        %dma_wait3A_261 = arith.constant 2 : i32
        %dma_wait3A_262 = arith.constant 2 : i32
        %dma_wait3A_263 = arith.constant 0 : i32
        %dma_wait3A_264 = tpu.memref_slice %arg12[%dma_wait3A_261, %dma_wait3A_263] : memref<4x128xf32, #tpu.memory_space<vmem>> -> memref<1x128xf32, #tpu.memory_space<vmem>>
        %dma_wait3A_265 = tpu.memref_squeeze %dma_wait3A_264 : memref<1x128xf32, #tpu.memory_space<vmem>> -> memref<128xf32, #tpu.memory_space<vmem>>
        %dma_wait3A_266 = arith.constant 0 : i32
        %dma_wait3A_267 = tpu.memref_slice %arg9[%scan3A_72, %dma_wait3A_266] : memref<8x128xi32, #tpu.memory_space<vmem>> -> memref<1x128xi32, #tpu.memory_space<vmem>>
        %dma_wait3A_268 = tpu.memref_squeeze %dma_wait3A_267 : memref<1x128xi32, #tpu.memory_space<vmem>> -> memref<128xi32, #tpu.memory_space<vmem>>
        %dma_wait3A_269 = arith.constant 0 : i32
        %dma_wait3A_270 = tpu.memref_slice %arg14[%dma_wait3A_262, %dma_wait3A_269] : memref<4x100352xf32, #tpu.memory_space<vmem_shared>> -> memref<1x100352xf32, #tpu.memory_space<vmem_shared>>
        %dma_wait3A_271 = tpu.memref_squeeze %dma_wait3A_270 : memref<1x100352xf32, #tpu.memory_space<vmem_shared>> -> memref<100352xf32, #tpu.memory_space<vmem_shared>>
        %dma_wait3A_272 = arith.constant 0 : i32
        %dma_wait3A_273 = tpu.memref_slice %dma_wait3A_271[%dma_wait3A_272] : memref<100352xf32, #tpu.memory_space<vmem_shared>> -> memref<100352xf32, #tpu.memory_space<vmem_shared>>
        tpu.wait_indirect_dma semaphore(%arg17 : memref<!tpu.dma_semaphore, #tpu.memory_space<semaphore_mem>>) src(%dma_wait3A_265 : memref<128xf32, #tpu.memory_space<vmem>>) dst(%dma_wait3A_273 : memref<100352xf32, #tpu.memory_space<vmem_shared>>)
        %dma_wait3A_274 = arith.constant 3 : i32
        %dma_wait3A_275 = arith.constant 3 : i32
        %dma_wait3A_276 = arith.constant 0 : i32
        %dma_wait3A_277 = tpu.memref_slice %arg12[%dma_wait3A_274, %dma_wait3A_276] : memref<4x128xf32, #tpu.memory_space<vmem>> -> memref<1x128xf32, #tpu.memory_space<vmem>>
        %dma_wait3A_278 = tpu.memref_squeeze %dma_wait3A_277 : memref<1x128xf32, #tpu.memory_space<vmem>> -> memref<128xf32, #tpu.memory_space<vmem>>
        %dma_wait3A_279 = arith.constant 0 : i32
        %dma_wait3A_280 = tpu.memref_slice %arg9[%scan3A_72, %dma_wait3A_279] : memref<8x128xi32, #tpu.memory_space<vmem>> -> memref<1x128xi32, #tpu.memory_space<vmem>>
        %dma_wait3A_281 = tpu.memref_squeeze %dma_wait3A_280 : memref<1x128xi32, #tpu.memory_space<vmem>> -> memref<128xi32, #tpu.memory_space<vmem>>
        %dma_wait3A_282 = arith.constant 0 : i32
        %dma_wait3A_283 = tpu.memref_slice %arg14[%dma_wait3A_275, %dma_wait3A_282] : memref<4x100352xf32, #tpu.memory_space<vmem_shared>> -> memref<1x100352xf32, #tpu.memory_space<vmem_shared>>
        %dma_wait3A_284 = tpu.memref_squeeze %dma_wait3A_283 : memref<1x100352xf32, #tpu.memory_space<vmem_shared>> -> memref<100352xf32, #tpu.memory_space<vmem_shared>>
        %dma_wait3A_285 = arith.constant 0 : i32
        %dma_wait3A_286 = tpu.memref_slice %dma_wait3A_284[%dma_wait3A_285] : memref<100352xf32, #tpu.memory_space<vmem_shared>> -> memref<100352xf32, #tpu.memory_space<vmem_shared>>
        tpu.wait_indirect_dma semaphore(%arg17 : memref<!tpu.dma_semaphore, #tpu.memory_space<semaphore_mem>>) src(%dma_wait3A_278 : memref<128xf32, #tpu.memory_space<vmem>>) dst(%dma_wait3A_286 : memref<100352xf32, #tpu.memory_space<vmem_shared>>)
      }
      %scan3A_71 = arith.constant 8 : i32
    }
    %barrier3A_30 = arith.constant 0 : index
    tpu.barrier barrier_id(%barrier3A_30)
    %run_scoped3A_31 = arith.constant 0 : i32
    %run_scoped3A_32 = arith.constant 0 : i32
    "tpu.region"() ({
      %run_scoped3A_39 = tpu.sem_alloc : memref<!tpu.dma_semaphore, #tpu.memory_space<semaphore_mem>>
      %dma_start3A = tpu.memref_slice %arg7[%arg0, %run_scoped3A_32, %mul3A_0] : memref<2x4x100352xf32, #tpu.memory_space<hbm>> -> memref<1x1x6272xf32, #tpu.memory_space<hbm>>
      %dma_start3A_40 = tpu.memref_squeeze %dma_start3A : memref<1x1x6272xf32, #tpu.memory_space<hbm>> -> memref<6272xf32, #tpu.memory_space<hbm>>
      %dma_start3A_41 = tpu.memref_slice %arg14[%run_scoped3A_31, %mul3A_0] : memref<4x100352xf32, #tpu.memory_space<vmem_shared>> -> memref<1x6272xf32, #tpu.memory_space<vmem_shared>>
      %dma_start3A_42 = tpu.memref_squeeze %dma_start3A_41 : memref<1x6272xf32, #tpu.memory_space<vmem_shared>> -> memref<6272xf32, #tpu.memory_space<vmem_shared>>
      tpu.enqueue_dma source(%dma_start3A_42 : memref<6272xf32, #tpu.memory_space<vmem_shared>>) target(%dma_start3A_40 : memref<6272xf32, #tpu.memory_space<hbm>>) target_semaphore(%run_scoped3A_39 : memref<!tpu.dma_semaphore, #tpu.memory_space<semaphore_mem>>)
      %dma_wait3A = tpu.memref_slice %arg7[%arg0, %run_scoped3A_32, %mul3A_0] : memref<2x4x100352xf32, #tpu.memory_space<hbm>> -> memref<1x1x6272xf32, #tpu.memory_space<hbm>>
      %dma_wait3A_43 = tpu.memref_squeeze %dma_wait3A : memref<1x1x6272xf32, #tpu.memory_space<hbm>> -> memref<6272xf32, #tpu.memory_space<hbm>>
      %dma_wait3A_44 = tpu.memref_slice %arg14[%run_scoped3A_31, %mul3A_0] : memref<4x100352xf32, #tpu.memory_space<vmem_shared>> -> memref<1x6272xf32, #tpu.memory_space<vmem_shared>>
      %dma_wait3A_45 = tpu.memref_squeeze %dma_wait3A_44 : memref<1x6272xf32, #tpu.memory_space<vmem_shared>> -> memref<6272xf32, #tpu.memory_space<vmem_shared>>
      tpu.wait_dma2 semaphore(%run_scoped3A_39 : memref<!tpu.dma_semaphore, #tpu.memory_space<semaphore_mem>>) src(%dma_wait3A_45 : memref<6272xf32, #tpu.memory_space<vmem_shared>>) dst(%dma_wait3A_43 : memref<6272xf32, #tpu.memory_space<hbm>>)
      tpu.yield
    }) : () -> ()
    %run_scoped3A_33 = arith.constant 1 : i32
    %run_scoped3A_34 = arith.constant 1 : i32
    "tpu.region"() ({
      %run_scoped3A_39 = tpu.sem_alloc : memref<!tpu.dma_semaphore, #tpu.memory_space<semaphore_mem>>
      %dma_start3A = tpu.memref_slice %arg7[%arg0, %run_scoped3A_34, %mul3A_0] : memref<2x4x100352xf32, #tpu.memory_space<hbm>> -> memref<1x1x6272xf32, #tpu.memory_space<hbm>>
      %dma_start3A_40 = tpu.memref_squeeze %dma_start3A : memref<1x1x6272xf32, #tpu.memory_space<hbm>> -> memref<6272xf32, #tpu.memory_space<hbm>>
      %dma_start3A_41 = tpu.memref_slice %arg14[%run_scoped3A_33, %mul3A_0] : memref<4x100352xf32, #tpu.memory_space<vmem_shared>> -> memref<1x6272xf32, #tpu.memory_space<vmem_shared>>
      %dma_start3A_42 = tpu.memref_squeeze %dma_start3A_41 : memref<1x6272xf32, #tpu.memory_space<vmem_shared>> -> memref<6272xf32, #tpu.memory_space<vmem_shared>>
      tpu.enqueue_dma source(%dma_start3A_42 : memref<6272xf32, #tpu.memory_space<vmem_shared>>) target(%dma_start3A_40 : memref<6272xf32, #tpu.memory_space<hbm>>) target_semaphore(%run_scoped3A_39 : memref<!tpu.dma_semaphore, #tpu.memory_space<semaphore_mem>>)
      %dma_wait3A = tpu.memref_slice %arg7[%arg0, %run_scoped3A_34, %mul3A_0] : memref<2x4x100352xf32, #tpu.memory_space<hbm>> -> memref<1x1x6272xf32, #tpu.memory_space<hbm>>
      %dma_wait3A_43 = tpu.memref_squeeze %dma_wait3A : memref<1x1x6272xf32, #tpu.memory_space<hbm>> -> memref<6272xf32, #tpu.memory_space<hbm>>
      %dma_wait3A_44 = tpu.memref_slice %arg14[%run_scoped3A_33, %mul3A_0] : memref<4x100352xf32, #tpu.memory_space<vmem_shared>> -> memref<1x6272xf32, #tpu.memory_space<vmem_shared>>
      %dma_wait3A_45 = tpu.memref_squeeze %dma_wait3A_44 : memref<1x6272xf32, #tpu.memory_space<vmem_shared>> -> memref<6272xf32, #tpu.memory_space<vmem_shared>>
      tpu.wait_dma2 semaphore(%run_scoped3A_39 : memref<!tpu.dma_semaphore, #tpu.memory_space<semaphore_mem>>) src(%dma_wait3A_45 : memref<6272xf32, #tpu.memory_space<vmem_shared>>) dst(%dma_wait3A_43 : memref<6272xf32, #tpu.memory_space<hbm>>)
      tpu.yield
    }) : () -> ()
    %run_scoped3A_35 = arith.constant 2 : i32
    %run_scoped3A_36 = arith.constant 2 : i32
    "tpu.region"() ({
      %run_scoped3A_39 = tpu.sem_alloc : memref<!tpu.dma_semaphore, #tpu.memory_space<semaphore_mem>>
      %dma_start3A = tpu.memref_slice %arg7[%arg0, %run_scoped3A_36, %mul3A_0] : memref<2x4x100352xf32, #tpu.memory_space<hbm>> -> memref<1x1x6272xf32, #tpu.memory_space<hbm>>
      %dma_start3A_40 = tpu.memref_squeeze %dma_start3A : memref<1x1x6272xf32, #tpu.memory_space<hbm>> -> memref<6272xf32, #tpu.memory_space<hbm>>
      %dma_start3A_41 = tpu.memref_slice %arg14[%run_scoped3A_35, %mul3A_0] : memref<4x100352xf32, #tpu.memory_space<vmem_shared>> -> memref<1x6272xf32, #tpu.memory_space<vmem_shared>>
      %dma_start3A_42 = tpu.memref_squeeze %dma_start3A_41 : memref<1x6272xf32, #tpu.memory_space<vmem_shared>> -> memref<6272xf32, #tpu.memory_space<vmem_shared>>
      tpu.enqueue_dma source(%dma_start3A_42 : memref<6272xf32, #tpu.memory_space<vmem_shared>>) target(%dma_start3A_40 : memref<6272xf32, #tpu.memory_space<hbm>>) target_semaphore(%run_scoped3A_39 : memref<!tpu.dma_semaphore, #tpu.memory_space<semaphore_mem>>)
      %dma_wait3A = tpu.memref_slice %arg7[%arg0, %run_scoped3A_36, %mul3A_0] : memref<2x4x100352xf32, #tpu.memory_space<hbm>> -> memref<1x1x6272xf32, #tpu.memory_space<hbm>>
      %dma_wait3A_43 = tpu.memref_squeeze %dma_wait3A : memref<1x1x6272xf32, #tpu.memory_space<hbm>> -> memref<6272xf32, #tpu.memory_space<hbm>>
      %dma_wait3A_44 = tpu.memref_slice %arg14[%run_scoped3A_35, %mul3A_0] : memref<4x100352xf32, #tpu.memory_space<vmem_shared>> -> memref<1x6272xf32, #tpu.memory_space<vmem_shared>>
      %dma_wait3A_45 = tpu.memref_squeeze %dma_wait3A_44 : memref<1x6272xf32, #tpu.memory_space<vmem_shared>> -> memref<6272xf32, #tpu.memory_space<vmem_shared>>
      tpu.wait_dma2 semaphore(%run_scoped3A_39 : memref<!tpu.dma_semaphore, #tpu.memory_space<semaphore_mem>>) src(%dma_wait3A_45 : memref<6272xf32, #tpu.memory_space<vmem_shared>>) dst(%dma_wait3A_43 : memref<6272xf32, #tpu.memory_space<hbm>>)
      tpu.yield
    }) : () -> ()
    %run_scoped3A_37 = arith.constant 3 : i32
    %run_scoped3A_38 = arith.constant 3 : i32
    "tpu.region"() ({
      %run_scoped3A_39 = tpu.sem_alloc : memref<!tpu.dma_semaphore, #tpu.memory_space<semaphore_mem>>
      %dma_start3A = tpu.memref_slice %arg7[%arg0, %run_scoped3A_38, %mul3A_0] : memref<2x4x100352xf32, #tpu.memory_space<hbm>> -> memref<1x1x6272xf32, #tpu.memory_space<hbm>>
      %dma_start3A_40 = tpu.memref_squeeze %dma_start3A : memref<1x1x6272xf32, #tpu.memory_space<hbm>> -> memref<6272xf32, #tpu.memory_space<hbm>>
      %dma_start3A_41 = tpu.memref_slice %arg14[%run_scoped3A_37, %mul3A_0] : memref<4x100352xf32, #tpu.memory_space<vmem_shared>> -> memref<1x6272xf32, #tpu.memory_space<vmem_shared>>
      %dma_start3A_42 = tpu.memref_squeeze %dma_start3A_41 : memref<1x6272xf32, #tpu.memory_space<vmem_shared>> -> memref<6272xf32, #tpu.memory_space<vmem_shared>>
      tpu.enqueue_dma source(%dma_start3A_42 : memref<6272xf32, #tpu.memory_space<vmem_shared>>) target(%dma_start3A_40 : memref<6272xf32, #tpu.memory_space<hbm>>) target_semaphore(%run_scoped3A_39 : memref<!tpu.dma_semaphore, #tpu.memory_space<semaphore_mem>>)
      %dma_wait3A = tpu.memref_slice %arg7[%arg0, %run_scoped3A_38, %mul3A_0] : memref<2x4x100352xf32, #tpu.memory_space<hbm>> -> memref<1x1x6272xf32, #tpu.memory_space<hbm>>
      %dma_wait3A_43 = tpu.memref_squeeze %dma_wait3A : memref<1x1x6272xf32, #tpu.memory_space<hbm>> -> memref<6272xf32, #tpu.memory_space<hbm>>
      %dma_wait3A_44 = tpu.memref_slice %arg14[%run_scoped3A_37, %mul3A_0] : memref<4x100352xf32, #tpu.memory_space<vmem_shared>> -> memref<1x6272xf32, #tpu.memory_space<vmem_shared>>
      %dma_wait3A_45 = tpu.memref_squeeze %dma_wait3A_44 : memref<1x6272xf32, #tpu.memory_space<vmem_shared>> -> memref<6272xf32, #tpu.memory_space<vmem_shared>>
      tpu.wait_dma2 semaphore(%run_scoped3A_39 : memref<!tpu.dma_semaphore, #tpu.memory_space<semaphore_mem>>) src(%dma_wait3A_45 : memref<6272xf32, #tpu.memory_space<vmem_shared>>) dst(%dma_wait3A_43 : memref<6272xf32, #tpu.memory_space<hbm>>)
      tpu.yield
    }) : () -> ()
    return
  }
}

#map = affine_map<(d0, d1) -> (0, 0)>
#map1 = affine_map<(d0, d1) -> (0)>
module attributes {stable_mosaic.version = 14 : i64} {
  func.func @_deg_kernel(%arg0: i32, %arg1: i32, %arg2: memref<50000x128xi32, #tpu.memory_space<hbm>>, %arg3: memref<50000x128xf32, #tpu.memory_space<hbm>>, %arg4: memref<6272xf32, #tpu.memory_space<hbm>>, %arg5: memref<2x100352xf32, #tpu.memory_space<hbm>>, %arg6: memref<8x128xi32, #tpu.memory_space<vmem>>, %arg7: memref<8x128xf32, #tpu.memory_space<vmem>>, %arg8: memref<100352xf32, #tpu.memory_space<vmem_shared>>, %arg9: memref<!tpu.dma_semaphore, #tpu.memory_space<semaphore_mem>>, %arg10: memref<!tpu.dma_semaphore, #tpu.memory_space<semaphore_mem>>) attributes {dimension_semantics = [#tpu.dimension_semantics<core_parallel>, #tpu.dimension_semantics<subcore_parallel>], iteration_bounds = array<i64: 2, 16>, scalar_prefetch = 0 : i64, scratch_operands = 5 : i64, tpu.core_type = #tpu.core_type<sc_vector_subcore>, window_params = [{transform_indices = #map}, {transform_indices = #map}, {transform_indices = #map1}, {transform_indices = #map}]} {
    %mul3A = arith.constant 6272 : i32
    %mul3A_0 = arith.muli %arg1, %mul3A : i32
    "tpu.region"() ({
      %run_scoped3A = tpu.sem_alloc : memref<!tpu.dma_semaphore, #tpu.memory_space<semaphore_mem>>
      %dma_start3A = tpu.memref_slice %arg8[%mul3A_0] : memref<100352xf32, #tpu.memory_space<vmem_shared>> -> memref<6272xf32, #tpu.memory_space<vmem_shared>>
      tpu.enqueue_dma source(%arg4 : memref<6272xf32, #tpu.memory_space<hbm>>) target(%dma_start3A : memref<6272xf32, #tpu.memory_space<vmem_shared>>) target_semaphore(%run_scoped3A : memref<!tpu.dma_semaphore, #tpu.memory_space<semaphore_mem>>)
      %dma_wait3A = tpu.memref_slice %arg8[%mul3A_0] : memref<100352xf32, #tpu.memory_space<vmem_shared>> -> memref<6272xf32, #tpu.memory_space<vmem_shared>>
      tpu.wait_dma2 semaphore(%run_scoped3A : memref<!tpu.dma_semaphore, #tpu.memory_space<semaphore_mem>>) src(%arg4 : memref<6272xf32, #tpu.memory_space<hbm>>) dst(%dma_wait3A : memref<6272xf32, #tpu.memory_space<vmem_shared>>)
      tpu.yield
    }) : () -> ()
    %barrier3A = arith.constant 0 : index
    tpu.barrier barrier_id(%barrier3A)
    %mul3A_1 = arith.constant 16 : i32
    %mul3A_2 = arith.muli %arg0, %mul3A_1 : i32
    %add3A = arith.addi %mul3A_2, %arg1 : i32
    %mul3A_3 = arith.constant 195 : i32
    %mul3A_4 = arith.muli %add3A, %mul3A_3 : i32
    %min3A = arith.constant 10 : i32
    %min3A_5 = arith.minsi %add3A, %min3A : i32
    %add3A_6 = arith.addi %mul3A_4, %min3A_5 : i32
    %lt3A = arith.constant 10 : i32
    %lt3A_7 = arith.cmpi slt, %add3A, %lt3A : i32
    %convert_element_type3A = arith.extui %lt3A_7 : i1 to i32
    %add3A_8 = arith.constant 195 : i32
    %add3A_9 = arith.addi %add3A_8, %convert_element_type3A : i32
    %while3A = arith.constant 0 : i32
    %while3A_10 = arith.constant 0 : i32
    %while3A_11 = arith.subi %add3A_9, %while3A_10 : i32
    %while3A_12 = arith.addi %while3A_10, %while3A_11 : i32
    %while3A_13 = arith.constant 1 : i32
    %while3A_14 = arith.divsi %while3A_11, %while3A_13 : i32
    %while3A_15 = arith.muli %while3A_14, %while3A_13 : i32
    %while3A_16 = arith.addi %while3A_10, %while3A_15 : i32
    %while3A_17 = arith.constant 1 : i32
    scf.for %while3A_20 = %while3A_10 to %while3A_16 step %while3A_17  : i32 {
      %add3A_21 = arith.addi %add3A_6, %while3A_20 : i32
      %mul3A_22 = arith.constant 8 : i32
      %mul3A_23 = arith.muli %add3A_21, %mul3A_22 : i32
      %dma_start3A = arith.constant 0 : i32
      %dma_start3A_24 = tpu.memref_slice %arg2[%mul3A_23, %dma_start3A] : memref<50000x128xi32, #tpu.memory_space<hbm>> -> memref<8x128xi32, #tpu.memory_space<hbm>>
      %dma_start3A_25 = arith.constant 0 : i32
      %dma_start3A_26 = tpu.memref_slice %arg2[%mul3A_23, %dma_start3A_25] : memref<50000x128xi32, #tpu.memory_space<hbm>> -> memref<8x128xi32, #tpu.memory_space<hbm>>
      tpu.enqueue_dma source(%dma_start3A_26 : memref<8x128xi32, #tpu.memory_space<hbm>>) target(%arg6 : memref<8x128xi32, #tpu.memory_space<vmem>>) target_semaphore(%arg9 : memref<!tpu.dma_semaphore, #tpu.memory_space<semaphore_mem>>)
      %mul3A_27 = arith.constant 8 : i32
      %mul3A_28 = arith.muli %add3A_21, %mul3A_27 : i32
      %dma_start3A_29 = arith.constant 0 : i32
      %dma_start3A_30 = tpu.memref_slice %arg3[%mul3A_28, %dma_start3A_29] : memref<50000x128xf32, #tpu.memory_space<hbm>> -> memref<8x128xf32, #tpu.memory_space<hbm>>
      %dma_start3A_31 = arith.constant 0 : i32
      %dma_start3A_32 = tpu.memref_slice %arg3[%mul3A_28, %dma_start3A_31] : memref<50000x128xf32, #tpu.memory_space<hbm>> -> memref<8x128xf32, #tpu.memory_space<hbm>>
      tpu.enqueue_dma source(%dma_start3A_32 : memref<8x128xf32, #tpu.memory_space<hbm>>) target(%arg7 : memref<8x128xf32, #tpu.memory_space<vmem>>) target_semaphore(%arg9 : memref<!tpu.dma_semaphore, #tpu.memory_space<semaphore_mem>>)
      %dma_wait3A = arith.constant 0 : i32
      %dma_wait3A_33 = tpu.memref_slice %arg2[%mul3A_23, %dma_wait3A] : memref<50000x128xi32, #tpu.memory_space<hbm>> -> memref<8x128xi32, #tpu.memory_space<hbm>>
      %dma_wait3A_34 = arith.constant 0 : i32
      %dma_wait3A_35 = tpu.memref_slice %arg2[%mul3A_23, %dma_wait3A_34] : memref<50000x128xi32, #tpu.memory_space<hbm>> -> memref<8x128xi32, #tpu.memory_space<hbm>>
      tpu.wait_dma2 semaphore(%arg9 : memref<!tpu.dma_semaphore, #tpu.memory_space<semaphore_mem>>) src(%dma_wait3A_35 : memref<8x128xi32, #tpu.memory_space<hbm>>) dst(%arg6 : memref<8x128xi32, #tpu.memory_space<vmem>>)
      %dma_wait3A_36 = arith.constant 0 : i32
      %dma_wait3A_37 = tpu.memref_slice %arg3[%mul3A_28, %dma_wait3A_36] : memref<50000x128xf32, #tpu.memory_space<hbm>> -> memref<8x128xf32, #tpu.memory_space<hbm>>
      %dma_wait3A_38 = arith.constant 0 : i32
      %dma_wait3A_39 = tpu.memref_slice %arg3[%mul3A_28, %dma_wait3A_38] : memref<50000x128xf32, #tpu.memory_space<hbm>> -> memref<8x128xf32, #tpu.memory_space<hbm>>
      tpu.wait_dma2 semaphore(%arg9 : memref<!tpu.dma_semaphore, #tpu.memory_space<semaphore_mem>>) src(%dma_wait3A_39 : memref<8x128xf32, #tpu.memory_space<hbm>>) dst(%arg7 : memref<8x128xf32, #tpu.memory_space<vmem>>)
      %dma_start3A_40 = arith.constant 0 : i32
      %dma_start3A_41 = arith.constant 0 : i32
      %dma_start3A_42 = arith.constant 0 : i32
      %dma_start3A_43 = tpu.memref_slice %arg7[%dma_start3A_40, %dma_start3A_42] : memref<8x128xf32, #tpu.memory_space<vmem>> -> memref<1x128xf32, #tpu.memory_space<vmem>>
      %dma_start3A_44 = tpu.memref_squeeze %dma_start3A_43 : memref<1x128xf32, #tpu.memory_space<vmem>> -> memref<128xf32, #tpu.memory_space<vmem>>
      %dma_start3A_45 = arith.constant 0 : i32
      %dma_start3A_46 = tpu.memref_slice %arg6[%dma_start3A_41, %dma_start3A_45] : memref<8x128xi32, #tpu.memory_space<vmem>> -> memref<1x128xi32, #tpu.memory_space<vmem>>
      %dma_start3A_47 = tpu.memref_squeeze %dma_start3A_46 : memref<1x128xi32, #tpu.memory_space<vmem>> -> memref<128xi32, #tpu.memory_space<vmem>>
      %dma_start3A_48 = arith.constant 0 : i32
      %dma_start3A_49 = tpu.memref_slice %arg8[%dma_start3A_48] : memref<100352xf32, #tpu.memory_space<vmem_shared>> -> memref<100352xf32, #tpu.memory_space<vmem_shared>>
      tpu.enqueue_indirect_dma source(%dma_start3A_44 : memref<128xf32, #tpu.memory_space<vmem>>) target(%dma_start3A_49 : memref<100352xf32, #tpu.memory_space<vmem_shared>>) offsets(%dma_start3A_47 : memref<128xi32, #tpu.memory_space<vmem>>) semaphore(%arg10 : memref<!tpu.dma_semaphore, #tpu.memory_space<semaphore_mem>>) {add = true}
      %dma_start3A_50 = arith.constant 1 : i32
      %dma_start3A_51 = arith.constant 1 : i32
      %dma_start3A_52 = arith.constant 0 : i32
      %dma_start3A_53 = tpu.memref_slice %arg7[%dma_start3A_50, %dma_start3A_52] : memref<8x128xf32, #tpu.memory_space<vmem>> -> memref<1x128xf32, #tpu.memory_space<vmem>>
      %dma_start3A_54 = tpu.memref_squeeze %dma_start3A_53 : memref<1x128xf32, #tpu.memory_space<vmem>> -> memref<128xf32, #tpu.memory_space<vmem>>
      %dma_start3A_55 = arith.constant 0 : i32
      %dma_start3A_56 = tpu.memref_slice %arg6[%dma_start3A_51, %dma_start3A_55] : memref<8x128xi32, #tpu.memory_space<vmem>> -> memref<1x128xi32, #tpu.memory_space<vmem>>
      %dma_start3A_57 = tpu.memref_squeeze %dma_start3A_56 : memref<1x128xi32, #tpu.memory_space<vmem>> -> memref<128xi32, #tpu.memory_space<vmem>>
      %dma_start3A_58 = arith.constant 0 : i32
      %dma_start3A_59 = tpu.memref_slice %arg8[%dma_start3A_58] : memref<100352xf32, #tpu.memory_space<vmem_shared>> -> memref<100352xf32, #tpu.memory_space<vmem_shared>>
      tpu.enqueue_indirect_dma source(%dma_start3A_54 : memref<128xf32, #tpu.memory_space<vmem>>) target(%dma_start3A_59 : memref<100352xf32, #tpu.memory_space<vmem_shared>>) offsets(%dma_start3A_57 : memref<128xi32, #tpu.memory_space<vmem>>) semaphore(%arg10 : memref<!tpu.dma_semaphore, #tpu.memory_space<semaphore_mem>>) {add = true}
      %dma_start3A_60 = arith.constant 2 : i32
      %dma_start3A_61 = arith.constant 2 : i32
      %dma_start3A_62 = arith.constant 0 : i32
      %dma_start3A_63 = tpu.memref_slice %arg7[%dma_start3A_60, %dma_start3A_62] : memref<8x128xf32, #tpu.memory_space<vmem>> -> memref<1x128xf32, #tpu.memory_space<vmem>>
      %dma_start3A_64 = tpu.memref_squeeze %dma_start3A_63 : memref<1x128xf32, #tpu.memory_space<vmem>> -> memref<128xf32, #tpu.memory_space<vmem>>
      %dma_start3A_65 = arith.constant 0 : i32
      %dma_start3A_66 = tpu.memref_slice %arg6[%dma_start3A_61, %dma_start3A_65] : memref<8x128xi32, #tpu.memory_space<vmem>> -> memref<1x128xi32, #tpu.memory_space<vmem>>
      %dma_start3A_67 = tpu.memref_squeeze %dma_start3A_66 : memref<1x128xi32, #tpu.memory_space<vmem>> -> memref<128xi32, #tpu.memory_space<vmem>>
      %dma_start3A_68 = arith.constant 0 : i32
      %dma_start3A_69 = tpu.memref_slice %arg8[%dma_start3A_68] : memref<100352xf32, #tpu.memory_space<vmem_shared>> -> memref<100352xf32, #tpu.memory_space<vmem_shared>>
      tpu.enqueue_indirect_dma source(%dma_start3A_64 : memref<128xf32, #tpu.memory_space<vmem>>) target(%dma_start3A_69 : memref<100352xf32, #tpu.memory_space<vmem_shared>>) offsets(%dma_start3A_67 : memref<128xi32, #tpu.memory_space<vmem>>) semaphore(%arg10 : memref<!tpu.dma_semaphore, #tpu.memory_space<semaphore_mem>>) {add = true}
      %dma_start3A_70 = arith.constant 3 : i32
      %dma_start3A_71 = arith.constant 3 : i32
      %dma_start3A_72 = arith.constant 0 : i32
      %dma_start3A_73 = tpu.memref_slice %arg7[%dma_start3A_70, %dma_start3A_72] : memref<8x128xf32, #tpu.memory_space<vmem>> -> memref<1x128xf32, #tpu.memory_space<vmem>>
      %dma_start3A_74 = tpu.memref_squeeze %dma_start3A_73 : memref<1x128xf32, #tpu.memory_space<vmem>> -> memref<128xf32, #tpu.memory_space<vmem>>
      %dma_start3A_75 = arith.constant 0 : i32
      %dma_start3A_76 = tpu.memref_slice %arg6[%dma_start3A_71, %dma_start3A_75] : memref<8x128xi32, #tpu.memory_space<vmem>> -> memref<1x128xi32, #tpu.memory_space<vmem>>
      %dma_start3A_77 = tpu.memref_squeeze %dma_start3A_76 : memref<1x128xi32, #tpu.memory_space<vmem>> -> memref<128xi32, #tpu.memory_space<vmem>>
      %dma_start3A_78 = arith.constant 0 : i32
      %dma_start3A_79 = tpu.memref_slice %arg8[%dma_start3A_78] : memref<100352xf32, #tpu.memory_space<vmem_shared>> -> memref<100352xf32, #tpu.memory_space<vmem_shared>>
      tpu.enqueue_indirect_dma source(%dma_start3A_74 : memref<128xf32, #tpu.memory_space<vmem>>) target(%dma_start3A_79 : memref<100352xf32, #tpu.memory_space<vmem_shared>>) offsets(%dma_start3A_77 : memref<128xi32, #tpu.memory_space<vmem>>) semaphore(%arg10 : memref<!tpu.dma_semaphore, #tpu.memory_space<semaphore_mem>>) {add = true}
      %dma_start3A_80 = arith.constant 4 : i32
      %dma_start3A_81 = arith.constant 4 : i32
      %dma_start3A_82 = arith.constant 0 : i32
      %dma_start3A_83 = tpu.memref_slice %arg7[%dma_start3A_80, %dma_start3A_82] : memref<8x128xf32, #tpu.memory_space<vmem>> -> memref<1x128xf32, #tpu.memory_space<vmem>>
      %dma_start3A_84 = tpu.memref_squeeze %dma_start3A_83 : memref<1x128xf32, #tpu.memory_space<vmem>> -> memref<128xf32, #tpu.memory_space<vmem>>
      %dma_start3A_85 = arith.constant 0 : i32
      %dma_start3A_86 = tpu.memref_slice %arg6[%dma_start3A_81, %dma_start3A_85] : memref<8x128xi32, #tpu.memory_space<vmem>> -> memref<1x128xi32, #tpu.memory_space<vmem>>
      %dma_start3A_87 = tpu.memref_squeeze %dma_start3A_86 : memref<1x128xi32, #tpu.memory_space<vmem>> -> memref<128xi32, #tpu.memory_space<vmem>>
      %dma_start3A_88 = arith.constant 0 : i32
      %dma_start3A_89 = tpu.memref_slice %arg8[%dma_start3A_88] : memref<100352xf32, #tpu.memory_space<vmem_shared>> -> memref<100352xf32, #tpu.memory_space<vmem_shared>>
      tpu.enqueue_indirect_dma source(%dma_start3A_84 : memref<128xf32, #tpu.memory_space<vmem>>) target(%dma_start3A_89 : memref<100352xf32, #tpu.memory_space<vmem_shared>>) offsets(%dma_start3A_87 : memref<128xi32, #tpu.memory_space<vmem>>) semaphore(%arg10 : memref<!tpu.dma_semaphore, #tpu.memory_space<semaphore_mem>>) {add = true}
      %dma_start3A_90 = arith.constant 5 : i32
      %dma_start3A_91 = arith.constant 5 : i32
      %dma_start3A_92 = arith.constant 0 : i32
      %dma_start3A_93 = tpu.memref_slice %arg7[%dma_start3A_90, %dma_start3A_92] : memref<8x128xf32, #tpu.memory_space<vmem>> -> memref<1x128xf32, #tpu.memory_space<vmem>>
      %dma_start3A_94 = tpu.memref_squeeze %dma_start3A_93 : memref<1x128xf32, #tpu.memory_space<vmem>> -> memref<128xf32, #tpu.memory_space<vmem>>
      %dma_start3A_95 = arith.constant 0 : i32
      %dma_start3A_96 = tpu.memref_slice %arg6[%dma_start3A_91, %dma_start3A_95] : memref<8x128xi32, #tpu.memory_space<vmem>> -> memref<1x128xi32, #tpu.memory_space<vmem>>
      %dma_start3A_97 = tpu.memref_squeeze %dma_start3A_96 : memref<1x128xi32, #tpu.memory_space<vmem>> -> memref<128xi32, #tpu.memory_space<vmem>>
      %dma_start3A_98 = arith.constant 0 : i32
      %dma_start3A_99 = tpu.memref_slice %arg8[%dma_start3A_98] : memref<100352xf32, #tpu.memory_space<vmem_shared>> -> memref<100352xf32, #tpu.memory_space<vmem_shared>>
      tpu.enqueue_indirect_dma source(%dma_start3A_94 : memref<128xf32, #tpu.memory_space<vmem>>) target(%dma_start3A_99 : memref<100352xf32, #tpu.memory_space<vmem_shared>>) offsets(%dma_start3A_97 : memref<128xi32, #tpu.memory_space<vmem>>) semaphore(%arg10 : memref<!tpu.dma_semaphore, #tpu.memory_space<semaphore_mem>>) {add = true}
      %dma_start3A_100 = arith.constant 6 : i32
      %dma_start3A_101 = arith.constant 6 : i32
      %dma_start3A_102 = arith.constant 0 : i32
      %dma_start3A_103 = tpu.memref_slice %arg7[%dma_start3A_100, %dma_start3A_102] : memref<8x128xf32, #tpu.memory_space<vmem>> -> memref<1x128xf32, #tpu.memory_space<vmem>>
      %dma_start3A_104 = tpu.memref_squeeze %dma_start3A_103 : memref<1x128xf32, #tpu.memory_space<vmem>> -> memref<128xf32, #tpu.memory_space<vmem>>
      %dma_start3A_105 = arith.constant 0 : i32
      %dma_start3A_106 = tpu.memref_slice %arg6[%dma_start3A_101, %dma_start3A_105] : memref<8x128xi32, #tpu.memory_space<vmem>> -> memref<1x128xi32, #tpu.memory_space<vmem>>
      %dma_start3A_107 = tpu.memref_squeeze %dma_start3A_106 : memref<1x128xi32, #tpu.memory_space<vmem>> -> memref<128xi32, #tpu.memory_space<vmem>>
      %dma_start3A_108 = arith.constant 0 : i32
      %dma_start3A_109 = tpu.memref_slice %arg8[%dma_start3A_108] : memref<100352xf32, #tpu.memory_space<vmem_shared>> -> memref<100352xf32, #tpu.memory_space<vmem_shared>>
      tpu.enqueue_indirect_dma source(%dma_start3A_104 : memref<128xf32, #tpu.memory_space<vmem>>) target(%dma_start3A_109 : memref<100352xf32, #tpu.memory_space<vmem_shared>>) offsets(%dma_start3A_107 : memref<128xi32, #tpu.memory_space<vmem>>) semaphore(%arg10 : memref<!tpu.dma_semaphore, #tpu.memory_space<semaphore_mem>>) {add = true}
      %dma_start3A_110 = arith.constant 7 : i32
      %dma_start3A_111 = arith.constant 7 : i32
      %dma_start3A_112 = arith.constant 0 : i32
      %dma_start3A_113 = tpu.memref_slice %arg7[%dma_start3A_110, %dma_start3A_112] : memref<8x128xf32, #tpu.memory_space<vmem>> -> memref<1x128xf32, #tpu.memory_space<vmem>>
      %dma_start3A_114 = tpu.memref_squeeze %dma_start3A_113 : memref<1x128xf32, #tpu.memory_space<vmem>> -> memref<128xf32, #tpu.memory_space<vmem>>
      %dma_start3A_115 = arith.constant 0 : i32
      %dma_start3A_116 = tpu.memref_slice %arg6[%dma_start3A_111, %dma_start3A_115] : memref<8x128xi32, #tpu.memory_space<vmem>> -> memref<1x128xi32, #tpu.memory_space<vmem>>
      %dma_start3A_117 = tpu.memref_squeeze %dma_start3A_116 : memref<1x128xi32, #tpu.memory_space<vmem>> -> memref<128xi32, #tpu.memory_space<vmem>>
      %dma_start3A_118 = arith.constant 0 : i32
      %dma_start3A_119 = tpu.memref_slice %arg8[%dma_start3A_118] : memref<100352xf32, #tpu.memory_space<vmem_shared>> -> memref<100352xf32, #tpu.memory_space<vmem_shared>>
      tpu.enqueue_indirect_dma source(%dma_start3A_114 : memref<128xf32, #tpu.memory_space<vmem>>) target(%dma_start3A_119 : memref<100352xf32, #tpu.memory_space<vmem_shared>>) offsets(%dma_start3A_117 : memref<128xi32, #tpu.memory_space<vmem>>) semaphore(%arg10 : memref<!tpu.dma_semaphore, #tpu.memory_space<semaphore_mem>>) {add = true}
      %dma_wait3A_120 = arith.constant 0 : i32
      %dma_wait3A_121 = arith.constant 0 : i32
      %dma_wait3A_122 = arith.constant 0 : i32
      %dma_wait3A_123 = tpu.memref_slice %arg7[%dma_wait3A_120, %dma_wait3A_122] : memref<8x128xf32, #tpu.memory_space<vmem>> -> memref<1x128xf32, #tpu.memory_space<vmem>>
      %dma_wait3A_124 = tpu.memref_squeeze %dma_wait3A_123 : memref<1x128xf32, #tpu.memory_space<vmem>> -> memref<128xf32, #tpu.memory_space<vmem>>
      %dma_wait3A_125 = arith.constant 0 : i32
      %dma_wait3A_126 = tpu.memref_slice %arg6[%dma_wait3A_121, %dma_wait3A_125] : memref<8x128xi32, #tpu.memory_space<vmem>> -> memref<1x128xi32, #tpu.memory_space<vmem>>
      %dma_wait3A_127 = tpu.memref_squeeze %dma_wait3A_126 : memref<1x128xi32, #tpu.memory_space<vmem>> -> memref<128xi32, #tpu.memory_space<vmem>>
      %dma_wait3A_128 = arith.constant 0 : i32
      %dma_wait3A_129 = tpu.memref_slice %arg8[%dma_wait3A_128] : memref<100352xf32, #tpu.memory_space<vmem_shared>> -> memref<100352xf32, #tpu.memory_space<vmem_shared>>
      tpu.wait_indirect_dma semaphore(%arg10 : memref<!tpu.dma_semaphore, #tpu.memory_space<semaphore_mem>>) src(%dma_wait3A_124 : memref<128xf32, #tpu.memory_space<vmem>>) dst(%dma_wait3A_129 : memref<100352xf32, #tpu.memory_space<vmem_shared>>)
      %dma_wait3A_130 = arith.constant 1 : i32
      %dma_wait3A_131 = arith.constant 1 : i32
      %dma_wait3A_132 = arith.constant 0 : i32
      %dma_wait3A_133 = tpu.memref_slice %arg7[%dma_wait3A_130, %dma_wait3A_132] : memref<8x128xf32, #tpu.memory_space<vmem>> -> memref<1x128xf32, #tpu.memory_space<vmem>>
      %dma_wait3A_134 = tpu.memref_squeeze %dma_wait3A_133 : memref<1x128xf32, #tpu.memory_space<vmem>> -> memref<128xf32, #tpu.memory_space<vmem>>
      %dma_wait3A_135 = arith.constant 0 : i32
      %dma_wait3A_136 = tpu.memref_slice %arg6[%dma_wait3A_131, %dma_wait3A_135] : memref<8x128xi32, #tpu.memory_space<vmem>> -> memref<1x128xi32, #tpu.memory_space<vmem>>
      %dma_wait3A_137 = tpu.memref_squeeze %dma_wait3A_136 : memref<1x128xi32, #tpu.memory_space<vmem>> -> memref<128xi32, #tpu.memory_space<vmem>>
      %dma_wait3A_138 = arith.constant 0 : i32
      %dma_wait3A_139 = tpu.memref_slice %arg8[%dma_wait3A_138] : memref<100352xf32, #tpu.memory_space<vmem_shared>> -> memref<100352xf32, #tpu.memory_space<vmem_shared>>
      tpu.wait_indirect_dma semaphore(%arg10 : memref<!tpu.dma_semaphore, #tpu.memory_space<semaphore_mem>>) src(%dma_wait3A_134 : memref<128xf32, #tpu.memory_space<vmem>>) dst(%dma_wait3A_139 : memref<100352xf32, #tpu.memory_space<vmem_shared>>)
      %dma_wait3A_140 = arith.constant 2 : i32
      %dma_wait3A_141 = arith.constant 2 : i32
      %dma_wait3A_142 = arith.constant 0 : i32
      %dma_wait3A_143 = tpu.memref_slice %arg7[%dma_wait3A_140, %dma_wait3A_142] : memref<8x128xf32, #tpu.memory_space<vmem>> -> memref<1x128xf32, #tpu.memory_space<vmem>>
      %dma_wait3A_144 = tpu.memref_squeeze %dma_wait3A_143 : memref<1x128xf32, #tpu.memory_space<vmem>> -> memref<128xf32, #tpu.memory_space<vmem>>
      %dma_wait3A_145 = arith.constant 0 : i32
      %dma_wait3A_146 = tpu.memref_slice %arg6[%dma_wait3A_141, %dma_wait3A_145] : memref<8x128xi32, #tpu.memory_space<vmem>> -> memref<1x128xi32, #tpu.memory_space<vmem>>
      %dma_wait3A_147 = tpu.memref_squeeze %dma_wait3A_146 : memref<1x128xi32, #tpu.memory_space<vmem>> -> memref<128xi32, #tpu.memory_space<vmem>>
      %dma_wait3A_148 = arith.constant 0 : i32
      %dma_wait3A_149 = tpu.memref_slice %arg8[%dma_wait3A_148] : memref<100352xf32, #tpu.memory_space<vmem_shared>> -> memref<100352xf32, #tpu.memory_space<vmem_shared>>
      tpu.wait_indirect_dma semaphore(%arg10 : memref<!tpu.dma_semaphore, #tpu.memory_space<semaphore_mem>>) src(%dma_wait3A_144 : memref<128xf32, #tpu.memory_space<vmem>>) dst(%dma_wait3A_149 : memref<100352xf32, #tpu.memory_space<vmem_shared>>)
      %dma_wait3A_150 = arith.constant 3 : i32
      %dma_wait3A_151 = arith.constant 3 : i32
      %dma_wait3A_152 = arith.constant 0 : i32
      %dma_wait3A_153 = tpu.memref_slice %arg7[%dma_wait3A_150, %dma_wait3A_152] : memref<8x128xf32, #tpu.memory_space<vmem>> -> memref<1x128xf32, #tpu.memory_space<vmem>>
      %dma_wait3A_154 = tpu.memref_squeeze %dma_wait3A_153 : memref<1x128xf32, #tpu.memory_space<vmem>> -> memref<128xf32, #tpu.memory_space<vmem>>
      %dma_wait3A_155 = arith.constant 0 : i32
      %dma_wait3A_156 = tpu.memref_slice %arg6[%dma_wait3A_151, %dma_wait3A_155] : memref<8x128xi32, #tpu.memory_space<vmem>> -> memref<1x128xi32, #tpu.memory_space<vmem>>
      %dma_wait3A_157 = tpu.memref_squeeze %dma_wait3A_156 : memref<1x128xi32, #tpu.memory_space<vmem>> -> memref<128xi32, #tpu.memory_space<vmem>>
      %dma_wait3A_158 = arith.constant 0 : i32
      %dma_wait3A_159 = tpu.memref_slice %arg8[%dma_wait3A_158] : memref<100352xf32, #tpu.memory_space<vmem_shared>> -> memref<100352xf32, #tpu.memory_space<vmem_shared>>
      tpu.wait_indirect_dma semaphore(%arg10 : memref<!tpu.dma_semaphore, #tpu.memory_space<semaphore_mem>>) src(%dma_wait3A_154 : memref<128xf32, #tpu.memory_space<vmem>>) dst(%dma_wait3A_159 : memref<100352xf32, #tpu.memory_space<vmem_shared>>)
      %dma_wait3A_160 = arith.constant 4 : i32
      %dma_wait3A_161 = arith.constant 4 : i32
      %dma_wait3A_162 = arith.constant 0 : i32
      %dma_wait3A_163 = tpu.memref_slice %arg7[%dma_wait3A_160, %dma_wait3A_162] : memref<8x128xf32, #tpu.memory_space<vmem>> -> memref<1x128xf32, #tpu.memory_space<vmem>>
      %dma_wait3A_164 = tpu.memref_squeeze %dma_wait3A_163 : memref<1x128xf32, #tpu.memory_space<vmem>> -> memref<128xf32, #tpu.memory_space<vmem>>
      %dma_wait3A_165 = arith.constant 0 : i32
      %dma_wait3A_166 = tpu.memref_slice %arg6[%dma_wait3A_161, %dma_wait3A_165] : memref<8x128xi32, #tpu.memory_space<vmem>> -> memref<1x128xi32, #tpu.memory_space<vmem>>
      %dma_wait3A_167 = tpu.memref_squeeze %dma_wait3A_166 : memref<1x128xi32, #tpu.memory_space<vmem>> -> memref<128xi32, #tpu.memory_space<vmem>>
      %dma_wait3A_168 = arith.constant 0 : i32
      %dma_wait3A_169 = tpu.memref_slice %arg8[%dma_wait3A_168] : memref<100352xf32, #tpu.memory_space<vmem_shared>> -> memref<100352xf32, #tpu.memory_space<vmem_shared>>
      tpu.wait_indirect_dma semaphore(%arg10 : memref<!tpu.dma_semaphore, #tpu.memory_space<semaphore_mem>>) src(%dma_wait3A_164 : memref<128xf32, #tpu.memory_space<vmem>>) dst(%dma_wait3A_169 : memref<100352xf32, #tpu.memory_space<vmem_shared>>)
      %dma_wait3A_170 = arith.constant 5 : i32
      %dma_wait3A_171 = arith.constant 5 : i32
      %dma_wait3A_172 = arith.constant 0 : i32
      %dma_wait3A_173 = tpu.memref_slice %arg7[%dma_wait3A_170, %dma_wait3A_172] : memref<8x128xf32, #tpu.memory_space<vmem>> -> memref<1x128xf32, #tpu.memory_space<vmem>>
      %dma_wait3A_174 = tpu.memref_squeeze %dma_wait3A_173 : memref<1x128xf32, #tpu.memory_space<vmem>> -> memref<128xf32, #tpu.memory_space<vmem>>
      %dma_wait3A_175 = arith.constant 0 : i32
      %dma_wait3A_176 = tpu.memref_slice %arg6[%dma_wait3A_171, %dma_wait3A_175] : memref<8x128xi32, #tpu.memory_space<vmem>> -> memref<1x128xi32, #tpu.memory_space<vmem>>
      %dma_wait3A_177 = tpu.memref_squeeze %dma_wait3A_176 : memref<1x128xi32, #tpu.memory_space<vmem>> -> memref<128xi32, #tpu.memory_space<vmem>>
      %dma_wait3A_178 = arith.constant 0 : i32
      %dma_wait3A_179 = tpu.memref_slice %arg8[%dma_wait3A_178] : memref<100352xf32, #tpu.memory_space<vmem_shared>> -> memref<100352xf32, #tpu.memory_space<vmem_shared>>
      tpu.wait_indirect_dma semaphore(%arg10 : memref<!tpu.dma_semaphore, #tpu.memory_space<semaphore_mem>>) src(%dma_wait3A_174 : memref<128xf32, #tpu.memory_space<vmem>>) dst(%dma_wait3A_179 : memref<100352xf32, #tpu.memory_space<vmem_shared>>)
      %dma_wait3A_180 = arith.constant 6 : i32
      %dma_wait3A_181 = arith.constant 6 : i32
      %dma_wait3A_182 = arith.constant 0 : i32
      %dma_wait3A_183 = tpu.memref_slice %arg7[%dma_wait3A_180, %dma_wait3A_182] : memref<8x128xf32, #tpu.memory_space<vmem>> -> memref<1x128xf32, #tpu.memory_space<vmem>>
      %dma_wait3A_184 = tpu.memref_squeeze %dma_wait3A_183 : memref<1x128xf32, #tpu.memory_space<vmem>> -> memref<128xf32, #tpu.memory_space<vmem>>
      %dma_wait3A_185 = arith.constant 0 : i32
      %dma_wait3A_186 = tpu.memref_slice %arg6[%dma_wait3A_181, %dma_wait3A_185] : memref<8x128xi32, #tpu.memory_space<vmem>> -> memref<1x128xi32, #tpu.memory_space<vmem>>
      %dma_wait3A_187 = tpu.memref_squeeze %dma_wait3A_186 : memref<1x128xi32, #tpu.memory_space<vmem>> -> memref<128xi32, #tpu.memory_space<vmem>>
      %dma_wait3A_188 = arith.constant 0 : i32
      %dma_wait3A_189 = tpu.memref_slice %arg8[%dma_wait3A_188] : memref<100352xf32, #tpu.memory_space<vmem_shared>> -> memref<100352xf32, #tpu.memory_space<vmem_shared>>
      tpu.wait_indirect_dma semaphore(%arg10 : memref<!tpu.dma_semaphore, #tpu.memory_space<semaphore_mem>>) src(%dma_wait3A_184 : memref<128xf32, #tpu.memory_space<vmem>>) dst(%dma_wait3A_189 : memref<100352xf32, #tpu.memory_space<vmem_shared>>)
      %dma_wait3A_190 = arith.constant 7 : i32
      %dma_wait3A_191 = arith.constant 7 : i32
      %dma_wait3A_192 = arith.constant 0 : i32
      %dma_wait3A_193 = tpu.memref_slice %arg7[%dma_wait3A_190, %dma_wait3A_192] : memref<8x128xf32, #tpu.memory_space<vmem>> -> memref<1x128xf32, #tpu.memory_space<vmem>>
      %dma_wait3A_194 = tpu.memref_squeeze %dma_wait3A_193 : memref<1x128xf32, #tpu.memory_space<vmem>> -> memref<128xf32, #tpu.memory_space<vmem>>
      %dma_wait3A_195 = arith.constant 0 : i32
      %dma_wait3A_196 = tpu.memref_slice %arg6[%dma_wait3A_191, %dma_wait3A_195] : memref<8x128xi32, #tpu.memory_space<vmem>> -> memref<1x128xi32, #tpu.memory_space<vmem>>
      %dma_wait3A_197 = tpu.memref_squeeze %dma_wait3A_196 : memref<1x128xi32, #tpu.memory_space<vmem>> -> memref<128xi32, #tpu.memory_space<vmem>>
      %dma_wait3A_198 = arith.constant 0 : i32
      %dma_wait3A_199 = tpu.memref_slice %arg8[%dma_wait3A_198] : memref<100352xf32, #tpu.memory_space<vmem_shared>> -> memref<100352xf32, #tpu.memory_space<vmem_shared>>
      tpu.wait_indirect_dma semaphore(%arg10 : memref<!tpu.dma_semaphore, #tpu.memory_space<semaphore_mem>>) src(%dma_wait3A_194 : memref<128xf32, #tpu.memory_space<vmem>>) dst(%dma_wait3A_199 : memref<100352xf32, #tpu.memory_space<vmem_shared>>)
    }
    %while3A_18 = arith.constant 1 : i32
    scf.for %while3A_20 = %while3A_16 to %while3A_12 step %while3A_18  : i32 {
      %add3A_21 = arith.addi %add3A_6, %while3A_20 : i32
      %mul3A_22 = arith.constant 8 : i32
      %mul3A_23 = arith.muli %add3A_21, %mul3A_22 : i32
      %dma_start3A = arith.constant 0 : i32
      %dma_start3A_24 = tpu.memref_slice %arg2[%mul3A_23, %dma_start3A] : memref<50000x128xi32, #tpu.memory_space<hbm>> -> memref<8x128xi32, #tpu.memory_space<hbm>>
      %dma_start3A_25 = arith.constant 0 : i32
      %dma_start3A_26 = tpu.memref_slice %arg2[%mul3A_23, %dma_start3A_25] : memref<50000x128xi32, #tpu.memory_space<hbm>> -> memref<8x128xi32, #tpu.memory_space<hbm>>
      tpu.enqueue_dma source(%dma_start3A_26 : memref<8x128xi32, #tpu.memory_space<hbm>>) target(%arg6 : memref<8x128xi32, #tpu.memory_space<vmem>>) target_semaphore(%arg9 : memref<!tpu.dma_semaphore, #tpu.memory_space<semaphore_mem>>)
      %mul3A_27 = arith.constant 8 : i32
      %mul3A_28 = arith.muli %add3A_21, %mul3A_27 : i32
      %dma_start3A_29 = arith.constant 0 : i32
      %dma_start3A_30 = tpu.memref_slice %arg3[%mul3A_28, %dma_start3A_29] : memref<50000x128xf32, #tpu.memory_space<hbm>> -> memref<8x128xf32, #tpu.memory_space<hbm>>
      %dma_start3A_31 = arith.constant 0 : i32
      %dma_start3A_32 = tpu.memref_slice %arg3[%mul3A_28, %dma_start3A_31] : memref<50000x128xf32, #tpu.memory_space<hbm>> -> memref<8x128xf32, #tpu.memory_space<hbm>>
      tpu.enqueue_dma source(%dma_start3A_32 : memref<8x128xf32, #tpu.memory_space<hbm>>) target(%arg7 : memref<8x128xf32, #tpu.memory_space<vmem>>) target_semaphore(%arg9 : memref<!tpu.dma_semaphore, #tpu.memory_space<semaphore_mem>>)
      %dma_wait3A = arith.constant 0 : i32
      %dma_wait3A_33 = tpu.memref_slice %arg2[%mul3A_23, %dma_wait3A] : memref<50000x128xi32, #tpu.memory_space<hbm>> -> memref<8x128xi32, #tpu.memory_space<hbm>>
      %dma_wait3A_34 = arith.constant 0 : i32
      %dma_wait3A_35 = tpu.memref_slice %arg2[%mul3A_23, %dma_wait3A_34] : memref<50000x128xi32, #tpu.memory_space<hbm>> -> memref<8x128xi32, #tpu.memory_space<hbm>>
      tpu.wait_dma2 semaphore(%arg9 : memref<!tpu.dma_semaphore, #tpu.memory_space<semaphore_mem>>) src(%dma_wait3A_35 : memref<8x128xi32, #tpu.memory_space<hbm>>) dst(%arg6 : memref<8x128xi32, #tpu.memory_space<vmem>>)
      %dma_wait3A_36 = arith.constant 0 : i32
      %dma_wait3A_37 = tpu.memref_slice %arg3[%mul3A_28, %dma_wait3A_36] : memref<50000x128xf32, #tpu.memory_space<hbm>> -> memref<8x128xf32, #tpu.memory_space<hbm>>
      %dma_wait3A_38 = arith.constant 0 : i32
      %dma_wait3A_39 = tpu.memref_slice %arg3[%mul3A_28, %dma_wait3A_38] : memref<50000x128xf32, #tpu.memory_space<hbm>> -> memref<8x128xf32, #tpu.memory_space<hbm>>
      tpu.wait_dma2 semaphore(%arg9 : memref<!tpu.dma_semaphore, #tpu.memory_space<semaphore_mem>>) src(%dma_wait3A_39 : memref<8x128xf32, #tpu.memory_space<hbm>>) dst(%arg7 : memref<8x128xf32, #tpu.memory_space<vmem>>)
      %dma_start3A_40 = arith.constant 0 : i32
      %dma_start3A_41 = arith.constant 0 : i32
      %dma_start3A_42 = arith.constant 0 : i32
      %dma_start3A_43 = tpu.memref_slice %arg7[%dma_start3A_40, %dma_start3A_42] : memref<8x128xf32, #tpu.memory_space<vmem>> -> memref<1x128xf32, #tpu.memory_space<vmem>>
      %dma_start3A_44 = tpu.memref_squeeze %dma_start3A_43 : memref<1x128xf32, #tpu.memory_space<vmem>> -> memref<128xf32, #tpu.memory_space<vmem>>
      %dma_start3A_45 = arith.constant 0 : i32
      %dma_start3A_46 = tpu.memref_slice %arg6[%dma_start3A_41, %dma_start3A_45] : memref<8x128xi32, #tpu.memory_space<vmem>> -> memref<1x128xi32, #tpu.memory_space<vmem>>
      %dma_start3A_47 = tpu.memref_squeeze %dma_start3A_46 : memref<1x128xi32, #tpu.memory_space<vmem>> -> memref<128xi32, #tpu.memory_space<vmem>>
      %dma_start3A_48 = arith.constant 0 : i32
      %dma_start3A_49 = tpu.memref_slice %arg8[%dma_start3A_48] : memref<100352xf32, #tpu.memory_space<vmem_shared>> -> memref<100352xf32, #tpu.memory_space<vmem_shared>>
      tpu.enqueue_indirect_dma source(%dma_start3A_44 : memref<128xf32, #tpu.memory_space<vmem>>) target(%dma_start3A_49 : memref<100352xf32, #tpu.memory_space<vmem_shared>>) offsets(%dma_start3A_47 : memref<128xi32, #tpu.memory_space<vmem>>) semaphore(%arg10 : memref<!tpu.dma_semaphore, #tpu.memory_space<semaphore_mem>>) {add = true}
      %dma_start3A_50 = arith.constant 1 : i32
      %dma_start3A_51 = arith.constant 1 : i32
      %dma_start3A_52 = arith.constant 0 : i32
      %dma_start3A_53 = tpu.memref_slice %arg7[%dma_start3A_50, %dma_start3A_52] : memref<8x128xf32, #tpu.memory_space<vmem>> -> memref<1x128xf32, #tpu.memory_space<vmem>>
      %dma_start3A_54 = tpu.memref_squeeze %dma_start3A_53 : memref<1x128xf32, #tpu.memory_space<vmem>> -> memref<128xf32, #tpu.memory_space<vmem>>
      %dma_start3A_55 = arith.constant 0 : i32
      %dma_start3A_56 = tpu.memref_slice %arg6[%dma_start3A_51, %dma_start3A_55] : memref<8x128xi32, #tpu.memory_space<vmem>> -> memref<1x128xi32, #tpu.memory_space<vmem>>
      %dma_start3A_57 = tpu.memref_squeeze %dma_start3A_56 : memref<1x128xi32, #tpu.memory_space<vmem>> -> memref<128xi32, #tpu.memory_space<vmem>>
      %dma_start3A_58 = arith.constant 0 : i32
      %dma_start3A_59 = tpu.memref_slice %arg8[%dma_start3A_58] : memref<100352xf32, #tpu.memory_space<vmem_shared>> -> memref<100352xf32, #tpu.memory_space<vmem_shared>>
      tpu.enqueue_indirect_dma source(%dma_start3A_54 : memref<128xf32, #tpu.memory_space<vmem>>) target(%dma_start3A_59 : memref<100352xf32, #tpu.memory_space<vmem_shared>>) offsets(%dma_start3A_57 : memref<128xi32, #tpu.memory_space<vmem>>) semaphore(%arg10 : memref<!tpu.dma_semaphore, #tpu.memory_space<semaphore_mem>>) {add = true}
      %dma_start3A_60 = arith.constant 2 : i32
      %dma_start3A_61 = arith.constant 2 : i32
      %dma_start3A_62 = arith.constant 0 : i32
      %dma_start3A_63 = tpu.memref_slice %arg7[%dma_start3A_60, %dma_start3A_62] : memref<8x128xf32, #tpu.memory_space<vmem>> -> memref<1x128xf32, #tpu.memory_space<vmem>>
      %dma_start3A_64 = tpu.memref_squeeze %dma_start3A_63 : memref<1x128xf32, #tpu.memory_space<vmem>> -> memref<128xf32, #tpu.memory_space<vmem>>
      %dma_start3A_65 = arith.constant 0 : i32
      %dma_start3A_66 = tpu.memref_slice %arg6[%dma_start3A_61, %dma_start3A_65] : memref<8x128xi32, #tpu.memory_space<vmem>> -> memref<1x128xi32, #tpu.memory_space<vmem>>
      %dma_start3A_67 = tpu.memref_squeeze %dma_start3A_66 : memref<1x128xi32, #tpu.memory_space<vmem>> -> memref<128xi32, #tpu.memory_space<vmem>>
      %dma_start3A_68 = arith.constant 0 : i32
      %dma_start3A_69 = tpu.memref_slice %arg8[%dma_start3A_68] : memref<100352xf32, #tpu.memory_space<vmem_shared>> -> memref<100352xf32, #tpu.memory_space<vmem_shared>>
      tpu.enqueue_indirect_dma source(%dma_start3A_64 : memref<128xf32, #tpu.memory_space<vmem>>) target(%dma_start3A_69 : memref<100352xf32, #tpu.memory_space<vmem_shared>>) offsets(%dma_start3A_67 : memref<128xi32, #tpu.memory_space<vmem>>) semaphore(%arg10 : memref<!tpu.dma_semaphore, #tpu.memory_space<semaphore_mem>>) {add = true}
      %dma_start3A_70 = arith.constant 3 : i32
      %dma_start3A_71 = arith.constant 3 : i32
      %dma_start3A_72 = arith.constant 0 : i32
      %dma_start3A_73 = tpu.memref_slice %arg7[%dma_start3A_70, %dma_start3A_72] : memref<8x128xf32, #tpu.memory_space<vmem>> -> memref<1x128xf32, #tpu.memory_space<vmem>>
      %dma_start3A_74 = tpu.memref_squeeze %dma_start3A_73 : memref<1x128xf32, #tpu.memory_space<vmem>> -> memref<128xf32, #tpu.memory_space<vmem>>
      %dma_start3A_75 = arith.constant 0 : i32
      %dma_start3A_76 = tpu.memref_slice %arg6[%dma_start3A_71, %dma_start3A_75] : memref<8x128xi32, #tpu.memory_space<vmem>> -> memref<1x128xi32, #tpu.memory_space<vmem>>
      %dma_start3A_77 = tpu.memref_squeeze %dma_start3A_76 : memref<1x128xi32, #tpu.memory_space<vmem>> -> memref<128xi32, #tpu.memory_space<vmem>>
      %dma_start3A_78 = arith.constant 0 : i32
      %dma_start3A_79 = tpu.memref_slice %arg8[%dma_start3A_78] : memref<100352xf32, #tpu.memory_space<vmem_shared>> -> memref<100352xf32, #tpu.memory_space<vmem_shared>>
      tpu.enqueue_indirect_dma source(%dma_start3A_74 : memref<128xf32, #tpu.memory_space<vmem>>) target(%dma_start3A_79 : memref<100352xf32, #tpu.memory_space<vmem_shared>>) offsets(%dma_start3A_77 : memref<128xi32, #tpu.memory_space<vmem>>) semaphore(%arg10 : memref<!tpu.dma_semaphore, #tpu.memory_space<semaphore_mem>>) {add = true}
      %dma_start3A_80 = arith.constant 4 : i32
      %dma_start3A_81 = arith.constant 4 : i32
      %dma_start3A_82 = arith.constant 0 : i32
      %dma_start3A_83 = tpu.memref_slice %arg7[%dma_start3A_80, %dma_start3A_82] : memref<8x128xf32, #tpu.memory_space<vmem>> -> memref<1x128xf32, #tpu.memory_space<vmem>>
      %dma_start3A_84 = tpu.memref_squeeze %dma_start3A_83 : memref<1x128xf32, #tpu.memory_space<vmem>> -> memref<128xf32, #tpu.memory_space<vmem>>
      %dma_start3A_85 = arith.constant 0 : i32
      %dma_start3A_86 = tpu.memref_slice %arg6[%dma_start3A_81, %dma_start3A_85] : memref<8x128xi32, #tpu.memory_space<vmem>> -> memref<1x128xi32, #tpu.memory_space<vmem>>
      %dma_start3A_87 = tpu.memref_squeeze %dma_start3A_86 : memref<1x128xi32, #tpu.memory_space<vmem>> -> memref<128xi32, #tpu.memory_space<vmem>>
      %dma_start3A_88 = arith.constant 0 : i32
      %dma_start3A_89 = tpu.memref_slice %arg8[%dma_start3A_88] : memref<100352xf32, #tpu.memory_space<vmem_shared>> -> memref<100352xf32, #tpu.memory_space<vmem_shared>>
      tpu.enqueue_indirect_dma source(%dma_start3A_84 : memref<128xf32, #tpu.memory_space<vmem>>) target(%dma_start3A_89 : memref<100352xf32, #tpu.memory_space<vmem_shared>>) offsets(%dma_start3A_87 : memref<128xi32, #tpu.memory_space<vmem>>) semaphore(%arg10 : memref<!tpu.dma_semaphore, #tpu.memory_space<semaphore_mem>>) {add = true}
      %dma_start3A_90 = arith.constant 5 : i32
      %dma_start3A_91 = arith.constant 5 : i32
      %dma_start3A_92 = arith.constant 0 : i32
      %dma_start3A_93 = tpu.memref_slice %arg7[%dma_start3A_90, %dma_start3A_92] : memref<8x128xf32, #tpu.memory_space<vmem>> -> memref<1x128xf32, #tpu.memory_space<vmem>>
      %dma_start3A_94 = tpu.memref_squeeze %dma_start3A_93 : memref<1x128xf32, #tpu.memory_space<vmem>> -> memref<128xf32, #tpu.memory_space<vmem>>
      %dma_start3A_95 = arith.constant 0 : i32
      %dma_start3A_96 = tpu.memref_slice %arg6[%dma_start3A_91, %dma_start3A_95] : memref<8x128xi32, #tpu.memory_space<vmem>> -> memref<1x128xi32, #tpu.memory_space<vmem>>
      %dma_start3A_97 = tpu.memref_squeeze %dma_start3A_96 : memref<1x128xi32, #tpu.memory_space<vmem>> -> memref<128xi32, #tpu.memory_space<vmem>>
      %dma_start3A_98 = arith.constant 0 : i32
      %dma_start3A_99 = tpu.memref_slice %arg8[%dma_start3A_98] : memref<100352xf32, #tpu.memory_space<vmem_shared>> -> memref<100352xf32, #tpu.memory_space<vmem_shared>>
      tpu.enqueue_indirect_dma source(%dma_start3A_94 : memref<128xf32, #tpu.memory_space<vmem>>) target(%dma_start3A_99 : memref<100352xf32, #tpu.memory_space<vmem_shared>>) offsets(%dma_start3A_97 : memref<128xi32, #tpu.memory_space<vmem>>) semaphore(%arg10 : memref<!tpu.dma_semaphore, #tpu.memory_space<semaphore_mem>>) {add = true}
      %dma_start3A_100 = arith.constant 6 : i32
      %dma_start3A_101 = arith.constant 6 : i32
      %dma_start3A_102 = arith.constant 0 : i32
      %dma_start3A_103 = tpu.memref_slice %arg7[%dma_start3A_100, %dma_start3A_102] : memref<8x128xf32, #tpu.memory_space<vmem>> -> memref<1x128xf32, #tpu.memory_space<vmem>>
      %dma_start3A_104 = tpu.memref_squeeze %dma_start3A_103 : memref<1x128xf32, #tpu.memory_space<vmem>> -> memref<128xf32, #tpu.memory_space<vmem>>
      %dma_start3A_105 = arith.constant 0 : i32
      %dma_start3A_106 = tpu.memref_slice %arg6[%dma_start3A_101, %dma_start3A_105] : memref<8x128xi32, #tpu.memory_space<vmem>> -> memref<1x128xi32, #tpu.memory_space<vmem>>
      %dma_start3A_107 = tpu.memref_squeeze %dma_start3A_106 : memref<1x128xi32, #tpu.memory_space<vmem>> -> memref<128xi32, #tpu.memory_space<vmem>>
      %dma_start3A_108 = arith.constant 0 : i32
      %dma_start3A_109 = tpu.memref_slice %arg8[%dma_start3A_108] : memref<100352xf32, #tpu.memory_space<vmem_shared>> -> memref<100352xf32, #tpu.memory_space<vmem_shared>>
      tpu.enqueue_indirect_dma source(%dma_start3A_104 : memref<128xf32, #tpu.memory_space<vmem>>) target(%dma_start3A_109 : memref<100352xf32, #tpu.memory_space<vmem_shared>>) offsets(%dma_start3A_107 : memref<128xi32, #tpu.memory_space<vmem>>) semaphore(%arg10 : memref<!tpu.dma_semaphore, #tpu.memory_space<semaphore_mem>>) {add = true}
      %dma_start3A_110 = arith.constant 7 : i32
      %dma_start3A_111 = arith.constant 7 : i32
      %dma_start3A_112 = arith.constant 0 : i32
      %dma_start3A_113 = tpu.memref_slice %arg7[%dma_start3A_110, %dma_start3A_112] : memref<8x128xf32, #tpu.memory_space<vmem>> -> memref<1x128xf32, #tpu.memory_space<vmem>>
      %dma_start3A_114 = tpu.memref_squeeze %dma_start3A_113 : memref<1x128xf32, #tpu.memory_space<vmem>> -> memref<128xf32, #tpu.memory_space<vmem>>
      %dma_start3A_115 = arith.constant 0 : i32
      %dma_start3A_116 = tpu.memref_slice %arg6[%dma_start3A_111, %dma_start3A_115] : memref<8x128xi32, #tpu.memory_space<vmem>> -> memref<1x128xi32, #tpu.memory_space<vmem>>
      %dma_start3A_117 = tpu.memref_squeeze %dma_start3A_116 : memref<1x128xi32, #tpu.memory_space<vmem>> -> memref<128xi32, #tpu.memory_space<vmem>>
      %dma_start3A_118 = arith.constant 0 : i32
      %dma_start3A_119 = tpu.memref_slice %arg8[%dma_start3A_118] : memref<100352xf32, #tpu.memory_space<vmem_shared>> -> memref<100352xf32, #tpu.memory_space<vmem_shared>>
      tpu.enqueue_indirect_dma source(%dma_start3A_114 : memref<128xf32, #tpu.memory_space<vmem>>) target(%dma_start3A_119 : memref<100352xf32, #tpu.memory_space<vmem_shared>>) offsets(%dma_start3A_117 : memref<128xi32, #tpu.memory_space<vmem>>) semaphore(%arg10 : memref<!tpu.dma_semaphore, #tpu.memory_space<semaphore_mem>>) {add = true}
      %dma_wait3A_120 = arith.constant 0 : i32
      %dma_wait3A_121 = arith.constant 0 : i32
      %dma_wait3A_122 = arith.constant 0 : i32
      %dma_wait3A_123 = tpu.memref_slice %arg7[%dma_wait3A_120, %dma_wait3A_122] : memref<8x128xf32, #tpu.memory_space<vmem>> -> memref<1x128xf32, #tpu.memory_space<vmem>>
      %dma_wait3A_124 = tpu.memref_squeeze %dma_wait3A_123 : memref<1x128xf32, #tpu.memory_space<vmem>> -> memref<128xf32, #tpu.memory_space<vmem>>
      %dma_wait3A_125 = arith.constant 0 : i32
      %dma_wait3A_126 = tpu.memref_slice %arg6[%dma_wait3A_121, %dma_wait3A_125] : memref<8x128xi32, #tpu.memory_space<vmem>> -> memref<1x128xi32, #tpu.memory_space<vmem>>
      %dma_wait3A_127 = tpu.memref_squeeze %dma_wait3A_126 : memref<1x128xi32, #tpu.memory_space<vmem>> -> memref<128xi32, #tpu.memory_space<vmem>>
      %dma_wait3A_128 = arith.constant 0 : i32
      %dma_wait3A_129 = tpu.memref_slice %arg8[%dma_wait3A_128] : memref<100352xf32, #tpu.memory_space<vmem_shared>> -> memref<100352xf32, #tpu.memory_space<vmem_shared>>
      tpu.wait_indirect_dma semaphore(%arg10 : memref<!tpu.dma_semaphore, #tpu.memory_space<semaphore_mem>>) src(%dma_wait3A_124 : memref<128xf32, #tpu.memory_space<vmem>>) dst(%dma_wait3A_129 : memref<100352xf32, #tpu.memory_space<vmem_shared>>)
      %dma_wait3A_130 = arith.constant 1 : i32
      %dma_wait3A_131 = arith.constant 1 : i32
      %dma_wait3A_132 = arith.constant 0 : i32
      %dma_wait3A_133 = tpu.memref_slice %arg7[%dma_wait3A_130, %dma_wait3A_132] : memref<8x128xf32, #tpu.memory_space<vmem>> -> memref<1x128xf32, #tpu.memory_space<vmem>>
      %dma_wait3A_134 = tpu.memref_squeeze %dma_wait3A_133 : memref<1x128xf32, #tpu.memory_space<vmem>> -> memref<128xf32, #tpu.memory_space<vmem>>
      %dma_wait3A_135 = arith.constant 0 : i32
      %dma_wait3A_136 = tpu.memref_slice %arg6[%dma_wait3A_131, %dma_wait3A_135] : memref<8x128xi32, #tpu.memory_space<vmem>> -> memref<1x128xi32, #tpu.memory_space<vmem>>
      %dma_wait3A_137 = tpu.memref_squeeze %dma_wait3A_136 : memref<1x128xi32, #tpu.memory_space<vmem>> -> memref<128xi32, #tpu.memory_space<vmem>>
      %dma_wait3A_138 = arith.constant 0 : i32
      %dma_wait3A_139 = tpu.memref_slice %arg8[%dma_wait3A_138] : memref<100352xf32, #tpu.memory_space<vmem_shared>> -> memref<100352xf32, #tpu.memory_space<vmem_shared>>
      tpu.wait_indirect_dma semaphore(%arg10 : memref<!tpu.dma_semaphore, #tpu.memory_space<semaphore_mem>>) src(%dma_wait3A_134 : memref<128xf32, #tpu.memory_space<vmem>>) dst(%dma_wait3A_139 : memref<100352xf32, #tpu.memory_space<vmem_shared>>)
      %dma_wait3A_140 = arith.constant 2 : i32
      %dma_wait3A_141 = arith.constant 2 : i32
      %dma_wait3A_142 = arith.constant 0 : i32
      %dma_wait3A_143 = tpu.memref_slice %arg7[%dma_wait3A_140, %dma_wait3A_142] : memref<8x128xf32, #tpu.memory_space<vmem>> -> memref<1x128xf32, #tpu.memory_space<vmem>>
      %dma_wait3A_144 = tpu.memref_squeeze %dma_wait3A_143 : memref<1x128xf32, #tpu.memory_space<vmem>> -> memref<128xf32, #tpu.memory_space<vmem>>
      %dma_wait3A_145 = arith.constant 0 : i32
      %dma_wait3A_146 = tpu.memref_slice %arg6[%dma_wait3A_141, %dma_wait3A_145] : memref<8x128xi32, #tpu.memory_space<vmem>> -> memref<1x128xi32, #tpu.memory_space<vmem>>
      %dma_wait3A_147 = tpu.memref_squeeze %dma_wait3A_146 : memref<1x128xi32, #tpu.memory_space<vmem>> -> memref<128xi32, #tpu.memory_space<vmem>>
      %dma_wait3A_148 = arith.constant 0 : i32
      %dma_wait3A_149 = tpu.memref_slice %arg8[%dma_wait3A_148] : memref<100352xf32, #tpu.memory_space<vmem_shared>> -> memref<100352xf32, #tpu.memory_space<vmem_shared>>
      tpu.wait_indirect_dma semaphore(%arg10 : memref<!tpu.dma_semaphore, #tpu.memory_space<semaphore_mem>>) src(%dma_wait3A_144 : memref<128xf32, #tpu.memory_space<vmem>>) dst(%dma_wait3A_149 : memref<100352xf32, #tpu.memory_space<vmem_shared>>)
      %dma_wait3A_150 = arith.constant 3 : i32
      %dma_wait3A_151 = arith.constant 3 : i32
      %dma_wait3A_152 = arith.constant 0 : i32
      %dma_wait3A_153 = tpu.memref_slice %arg7[%dma_wait3A_150, %dma_wait3A_152] : memref<8x128xf32, #tpu.memory_space<vmem>> -> memref<1x128xf32, #tpu.memory_space<vmem>>
      %dma_wait3A_154 = tpu.memref_squeeze %dma_wait3A_153 : memref<1x128xf32, #tpu.memory_space<vmem>> -> memref<128xf32, #tpu.memory_space<vmem>>
      %dma_wait3A_155 = arith.constant 0 : i32
      %dma_wait3A_156 = tpu.memref_slice %arg6[%dma_wait3A_151, %dma_wait3A_155] : memref<8x128xi32, #tpu.memory_space<vmem>> -> memref<1x128xi32, #tpu.memory_space<vmem>>
      %dma_wait3A_157 = tpu.memref_squeeze %dma_wait3A_156 : memref<1x128xi32, #tpu.memory_space<vmem>> -> memref<128xi32, #tpu.memory_space<vmem>>
      %dma_wait3A_158 = arith.constant 0 : i32
      %dma_wait3A_159 = tpu.memref_slice %arg8[%dma_wait3A_158] : memref<100352xf32, #tpu.memory_space<vmem_shared>> -> memref<100352xf32, #tpu.memory_space<vmem_shared>>
      tpu.wait_indirect_dma semaphore(%arg10 : memref<!tpu.dma_semaphore, #tpu.memory_space<semaphore_mem>>) src(%dma_wait3A_154 : memref<128xf32, #tpu.memory_space<vmem>>) dst(%dma_wait3A_159 : memref<100352xf32, #tpu.memory_space<vmem_shared>>)
      %dma_wait3A_160 = arith.constant 4 : i32
      %dma_wait3A_161 = arith.constant 4 : i32
      %dma_wait3A_162 = arith.constant 0 : i32
      %dma_wait3A_163 = tpu.memref_slice %arg7[%dma_wait3A_160, %dma_wait3A_162] : memref<8x128xf32, #tpu.memory_space<vmem>> -> memref<1x128xf32, #tpu.memory_space<vmem>>
      %dma_wait3A_164 = tpu.memref_squeeze %dma_wait3A_163 : memref<1x128xf32, #tpu.memory_space<vmem>> -> memref<128xf32, #tpu.memory_space<vmem>>
      %dma_wait3A_165 = arith.constant 0 : i32
      %dma_wait3A_166 = tpu.memref_slice %arg6[%dma_wait3A_161, %dma_wait3A_165] : memref<8x128xi32, #tpu.memory_space<vmem>> -> memref<1x128xi32, #tpu.memory_space<vmem>>
      %dma_wait3A_167 = tpu.memref_squeeze %dma_wait3A_166 : memref<1x128xi32, #tpu.memory_space<vmem>> -> memref<128xi32, #tpu.memory_space<vmem>>
      %dma_wait3A_168 = arith.constant 0 : i32
      %dma_wait3A_169 = tpu.memref_slice %arg8[%dma_wait3A_168] : memref<100352xf32, #tpu.memory_space<vmem_shared>> -> memref<100352xf32, #tpu.memory_space<vmem_shared>>
      tpu.wait_indirect_dma semaphore(%arg10 : memref<!tpu.dma_semaphore, #tpu.memory_space<semaphore_mem>>) src(%dma_wait3A_164 : memref<128xf32, #tpu.memory_space<vmem>>) dst(%dma_wait3A_169 : memref<100352xf32, #tpu.memory_space<vmem_shared>>)
      %dma_wait3A_170 = arith.constant 5 : i32
      %dma_wait3A_171 = arith.constant 5 : i32
      %dma_wait3A_172 = arith.constant 0 : i32
      %dma_wait3A_173 = tpu.memref_slice %arg7[%dma_wait3A_170, %dma_wait3A_172] : memref<8x128xf32, #tpu.memory_space<vmem>> -> memref<1x128xf32, #tpu.memory_space<vmem>>
      %dma_wait3A_174 = tpu.memref_squeeze %dma_wait3A_173 : memref<1x128xf32, #tpu.memory_space<vmem>> -> memref<128xf32, #tpu.memory_space<vmem>>
      %dma_wait3A_175 = arith.constant 0 : i32
      %dma_wait3A_176 = tpu.memref_slice %arg6[%dma_wait3A_171, %dma_wait3A_175] : memref<8x128xi32, #tpu.memory_space<vmem>> -> memref<1x128xi32, #tpu.memory_space<vmem>>
      %dma_wait3A_177 = tpu.memref_squeeze %dma_wait3A_176 : memref<1x128xi32, #tpu.memory_space<vmem>> -> memref<128xi32, #tpu.memory_space<vmem>>
      %dma_wait3A_178 = arith.constant 0 : i32
      %dma_wait3A_179 = tpu.memref_slice %arg8[%dma_wait3A_178] : memref<100352xf32, #tpu.memory_space<vmem_shared>> -> memref<100352xf32, #tpu.memory_space<vmem_shared>>
      tpu.wait_indirect_dma semaphore(%arg10 : memref<!tpu.dma_semaphore, #tpu.memory_space<semaphore_mem>>) src(%dma_wait3A_174 : memref<128xf32, #tpu.memory_space<vmem>>) dst(%dma_wait3A_179 : memref<100352xf32, #tpu.memory_space<vmem_shared>>)
      %dma_wait3A_180 = arith.constant 6 : i32
      %dma_wait3A_181 = arith.constant 6 : i32
      %dma_wait3A_182 = arith.constant 0 : i32
      %dma_wait3A_183 = tpu.memref_slice %arg7[%dma_wait3A_180, %dma_wait3A_182] : memref<8x128xf32, #tpu.memory_space<vmem>> -> memref<1x128xf32, #tpu.memory_space<vmem>>
      %dma_wait3A_184 = tpu.memref_squeeze %dma_wait3A_183 : memref<1x128xf32, #tpu.memory_space<vmem>> -> memref<128xf32, #tpu.memory_space<vmem>>
      %dma_wait3A_185 = arith.constant 0 : i32
      %dma_wait3A_186 = tpu.memref_slice %arg6[%dma_wait3A_181, %dma_wait3A_185] : memref<8x128xi32, #tpu.memory_space<vmem>> -> memref<1x128xi32, #tpu.memory_space<vmem>>
      %dma_wait3A_187 = tpu.memref_squeeze %dma_wait3A_186 : memref<1x128xi32, #tpu.memory_space<vmem>> -> memref<128xi32, #tpu.memory_space<vmem>>
      %dma_wait3A_188 = arith.constant 0 : i32
      %dma_wait3A_189 = tpu.memref_slice %arg8[%dma_wait3A_188] : memref<100352xf32, #tpu.memory_space<vmem_shared>> -> memref<100352xf32, #tpu.memory_space<vmem_shared>>
      tpu.wait_indirect_dma semaphore(%arg10 : memref<!tpu.dma_semaphore, #tpu.memory_space<semaphore_mem>>) src(%dma_wait3A_184 : memref<128xf32, #tpu.memory_space<vmem>>) dst(%dma_wait3A_189 : memref<100352xf32, #tpu.memory_space<vmem_shared>>)
      %dma_wait3A_190 = arith.constant 7 : i32
      %dma_wait3A_191 = arith.constant 7 : i32
      %dma_wait3A_192 = arith.constant 0 : i32
      %dma_wait3A_193 = tpu.memref_slice %arg7[%dma_wait3A_190, %dma_wait3A_192] : memref<8x128xf32, #tpu.memory_space<vmem>> -> memref<1x128xf32, #tpu.memory_space<vmem>>
      %dma_wait3A_194 = tpu.memref_squeeze %dma_wait3A_193 : memref<1x128xf32, #tpu.memory_space<vmem>> -> memref<128xf32, #tpu.memory_space<vmem>>
      %dma_wait3A_195 = arith.constant 0 : i32
      %dma_wait3A_196 = tpu.memref_slice %arg6[%dma_wait3A_191, %dma_wait3A_195] : memref<8x128xi32, #tpu.memory_space<vmem>> -> memref<1x128xi32, #tpu.memory_space<vmem>>
      %dma_wait3A_197 = tpu.memref_squeeze %dma_wait3A_196 : memref<1x128xi32, #tpu.memory_space<vmem>> -> memref<128xi32, #tpu.memory_space<vmem>>
      %dma_wait3A_198 = arith.constant 0 : i32
      %dma_wait3A_199 = tpu.memref_slice %arg8[%dma_wait3A_198] : memref<100352xf32, #tpu.memory_space<vmem_shared>> -> memref<100352xf32, #tpu.memory_space<vmem_shared>>
      tpu.wait_indirect_dma semaphore(%arg10 : memref<!tpu.dma_semaphore, #tpu.memory_space<semaphore_mem>>) src(%dma_wait3A_194 : memref<128xf32, #tpu.memory_space<vmem>>) dst(%dma_wait3A_199 : memref<100352xf32, #tpu.memory_space<vmem_shared>>)
    }
    %barrier3A_19 = arith.constant 0 : index
    tpu.barrier barrier_id(%barrier3A_19)
    "tpu.region"() ({
      %run_scoped3A = tpu.sem_alloc : memref<!tpu.dma_semaphore, #tpu.memory_space<semaphore_mem>>
      %dma_start3A = tpu.memref_slice %arg5[%arg0, %mul3A_0] : memref<2x100352xf32, #tpu.memory_space<hbm>> -> memref<1x6272xf32, #tpu.memory_space<hbm>>
      %dma_start3A_20 = tpu.memref_squeeze %dma_start3A : memref<1x6272xf32, #tpu.memory_space<hbm>> -> memref<6272xf32, #tpu.memory_space<hbm>>
      %dma_start3A_21 = tpu.memref_slice %arg8[%mul3A_0] : memref<100352xf32, #tpu.memory_space<vmem_shared>> -> memref<6272xf32, #tpu.memory_space<vmem_shared>>
      tpu.enqueue_dma source(%dma_start3A_21 : memref<6272xf32, #tpu.memory_space<vmem_shared>>) target(%dma_start3A_20 : memref<6272xf32, #tpu.memory_space<hbm>>) target_semaphore(%run_scoped3A : memref<!tpu.dma_semaphore, #tpu.memory_space<semaphore_mem>>)
      %dma_wait3A = tpu.memref_slice %arg5[%arg0, %mul3A_0] : memref<2x100352xf32, #tpu.memory_space<hbm>> -> memref<1x6272xf32, #tpu.memory_space<hbm>>
      %dma_wait3A_22 = tpu.memref_squeeze %dma_wait3A : memref<1x6272xf32, #tpu.memory_space<hbm>> -> memref<6272xf32, #tpu.memory_space<hbm>>
      %dma_wait3A_23 = tpu.memref_slice %arg8[%mul3A_0] : memref<100352xf32, #tpu.memory_space<vmem_shared>> -> memref<6272xf32, #tpu.memory_space<vmem_shared>>
      tpu.wait_dma2 semaphore(%run_scoped3A : memref<!tpu.dma_semaphore, #tpu.memory_space<semaphore_mem>>) src(%dma_wait3A_23 : memref<6272xf32, #tpu.memory_space<vmem_shared>>) dst(%dma_wait3A_22 : memref<6272xf32, #tpu.memory_space<hbm>>)
      tpu.yield
    }) : () -> ()
    return
  }
}

module attributes {stable_mosaic.version = 14 : i64} {
  func.func @_prescale_body(%arg0: i32, %arg1: memref<2x6272xf32, #tpu.memory_space<vmem>>, %arg2: memref<6272x2xf32, #tpu.memory_space<vmem>>, %arg3: memref<4x2xf32, #tpu.memory_space<vmem>>, %arg4: memref<4x6272xf32, #tpu.memory_space<vmem>>) attributes {dimension_semantics = [#tpu.dimension_semantics<arbitrary>], iteration_bounds = array<i64: 16>, scalar_prefetch = 0 : i64, scratch_operands = 0 : i64, tpu.core_type = #tpu.core_type<tc>, window_params = [{transform_indices = @transform_0, window_bounds = array<i64: 2, 6272>}, {transform_indices = @transform_1, window_bounds = array<i64: 6272, 2>}, {pipeline_mode = #tpu.pipeline_mode<synchronous>, transform_indices = @transform_2, window_bounds = array<i64: 4, 2>}, {transform_indices = @transform_3, window_bounds = array<i64: 4, 6272>}]} {
    %get3A = arith.constant 0 : index
    %get3A_0 = arith.constant 0 : index
    %get3A_1 = vector.load %arg1[%get3A, %get3A_0] : memref<2x6272xf32, #tpu.memory_space<vmem>>, vector<1x6272xf32>
    %get3A_2 = vector.shape_cast %get3A_1 : vector<1x6272xf32> to vector<6272xf32>
    %get3A_3 = arith.constant 1 : index
    %get3A_4 = arith.constant 0 : index
    %get3A_5 = vector.load %arg1[%get3A_3, %get3A_4] : memref<2x6272xf32, #tpu.memory_space<vmem>>, vector<1x6272xf32>
    %get3A_6 = vector.shape_cast %get3A_5 : vector<1x6272xf32> to vector<6272xf32>
    %add3A = arith.addf %get3A_2, %get3A_6 : vector<6272xf32>
    %add3A_7 = arith.constant 1.000000e+00 : f32
    %add3A_8 = vector.broadcast %add3A_7 : f32 to vector<6272xf32>
    %add3A_9 = arith.addf %add3A, %add3A_8 : vector<6272xf32>
    %rsqrt3A = math.rsqrt %add3A_9 : vector<6272xf32>
    %get3A_10 = arith.constant 0 : index
    %get3A_11 = arith.constant 0 : index
    %get3A_12 = vector.load %arg3[%get3A_10, %get3A_11] : memref<4x2xf32, #tpu.memory_space<vmem>>, vector<4x1xf32>
    %get3A_13 = vector.shape_cast %get3A_12 : vector<4x1xf32> to vector<4xf32>
    %broadcast_in_dim3A = vector.shape_cast %get3A_13 : vector<4xf32> to vector<4x1xf32>
    %get3A_14 = arith.constant 0 : index
    %get3A_15 = arith.constant 0 : index
    %get3A_16 = vector.load %arg2[%get3A_14, %get3A_15] : memref<6272x2xf32, #tpu.memory_space<vmem>>, vector<6272x1xf32>
    %get3A_17 = vector.shape_cast %get3A_16 : vector<6272x1xf32> to vector<6272xf32>
    %broadcast_in_dim3A_18 = vector.shape_cast %get3A_17 : vector<6272xf32> to vector<1x6272xf32>
    %mul3A = vector.broadcast %broadcast_in_dim3A : vector<4x1xf32> to vector<4x6272xf32>
    %mul3A_19 = vector.broadcast %broadcast_in_dim3A_18 : vector<1x6272xf32> to vector<4x6272xf32>
    %mul3A_20 = arith.mulf %mul3A, %mul3A_19 : vector<4x6272xf32>
    %get3A_21 = arith.constant 0 : index
    %get3A_22 = arith.constant 1 : index
    %get3A_23 = vector.load %arg3[%get3A_21, %get3A_22] : memref<4x2xf32, #tpu.memory_space<vmem>>, vector<4x1xf32>
    %get3A_24 = vector.shape_cast %get3A_23 : vector<4x1xf32> to vector<4xf32>
    %broadcast_in_dim3A_25 = vector.shape_cast %get3A_24 : vector<4xf32> to vector<4x1xf32>
    %get3A_26 = arith.constant 0 : index
    %get3A_27 = arith.constant 1 : index
    %get3A_28 = vector.load %arg2[%get3A_26, %get3A_27] : memref<6272x2xf32, #tpu.memory_space<vmem>>, vector<6272x1xf32>
    %get3A_29 = vector.shape_cast %get3A_28 : vector<6272x1xf32> to vector<6272xf32>
    %broadcast_in_dim3A_30 = vector.shape_cast %get3A_29 : vector<6272xf32> to vector<1x6272xf32>
    %mul3A_31 = vector.broadcast %broadcast_in_dim3A_25 : vector<4x1xf32> to vector<4x6272xf32>
    %mul3A_32 = vector.broadcast %broadcast_in_dim3A_30 : vector<1x6272xf32> to vector<4x6272xf32>
    %mul3A_33 = arith.mulf %mul3A_31, %mul3A_32 : vector<4x6272xf32>
    %add3A_34 = arith.addf %mul3A_20, %mul3A_33 : vector<4x6272xf32>
    %broadcast_in_dim3A_35 = vector.shape_cast %rsqrt3A : vector<6272xf32> to vector<1x6272xf32>
    %mul3A_36 = vector.broadcast %broadcast_in_dim3A_35 : vector<1x6272xf32> to vector<4x6272xf32>
    %mul3A_37 = arith.mulf %mul3A_36, %add3A_34 : vector<4x6272xf32>
    %swap3A = arith.constant 0 : index
    %swap3A_38 = arith.constant 0 : index
    %swap3A_39 = vector.load %arg4[%swap3A, %swap3A_38] : memref<4x6272xf32, #tpu.memory_space<vmem>>, vector<4x6272xf32>
    tpu.vector_store %arg4[%swap3A, %swap3A_38], %mul3A_37 {strides = array<i32>} : memref<4x6272xf32, #tpu.memory_space<vmem>>, vector<4x6272xf32>,
    return
  }
  func.func @transform_0(%arg0: i32) -> (i32, i32) {
    %c0_i32 = arith.constant 0 : i32
    %c0_i32_0 = arith.constant 0 : i32
    return %c0_i32, %arg0 : i32, i32
  }
  func.func @transform_1(%arg0: i32) -> (i32, i32) {
    %c0_i32 = arith.constant 0 : i32
    %c0_i32_0 = arith.constant 0 : i32
    return %arg0, %c0_i32 : i32, i32
  }
  func.func @transform_2(%arg0: i32) -> (i32, i32) {
    %c0_i32 = arith.constant 0 : i32
    %c0_i32_0 = arith.constant 0 : i32
    %c0_i32_1 = arith.constant 0 : i32
    return %c0_i32, %c0_i32_0 : i32, i32
  }
  func.func @transform_3(%arg0: i32) -> (i32, i32) {
    %c0_i32 = arith.constant 0 : i32
    %c0_i32_0 = arith.constant 0 : i32
    return %c0_i32, %arg0 : i32, i32
  }
}

module attributes {stable_mosaic.version = 14 : i64} {
  func.func @_final_body(%arg0: i32, %arg1: memref<2x4x6272xf32, #tpu.memory_space<vmem>>, %arg2: memref<2x6272xf32, #tpu.memory_space<vmem>>, %arg3: memref<6272x2xf32, #tpu.memory_space<vmem>>, %arg4: memref<1x1x6272xi32, #tpu.memory_space<vmem>>, %arg5: memref<4x2xf32, #tpu.memory_space<vmem>>, %arg6: memref<1x4xf32, #tpu.memory_space<vmem>>, %arg7: memref<1x4xf32, #tpu.memory_space<vmem>>, %arg8: memref<1x1xf32, #tpu.memory_space<vmem>>, %arg9: memref<64x1xf32, #tpu.memory_space<vmem>>) attributes {dimension_semantics = [#tpu.dimension_semantics<arbitrary>], iteration_bounds = array<i64: 16>, scalar_prefetch = 0 : i64, scratch_operands = 0 : i64, tpu.core_type = #tpu.core_type<tc>, window_params = [{transform_indices = @transform_0, window_bounds = array<i64: 2, 4, 6272>}, {transform_indices = @transform_1, window_bounds = array<i64: 2, 6272>}, {transform_indices = @transform_2, window_bounds = array<i64: 6272, 2>}, {transform_indices = @transform_3, window_bounds = array<i64: 1, 1, 6272>}, {pipeline_mode = #tpu.pipeline_mode<synchronous>, transform_indices = @transform_4, window_bounds = array<i64: 4, 2>}, {pipeline_mode = #tpu.pipeline_mode<synchronous>, transform_indices = @transform_5, window_bounds = array<i64: 1, 4>}, {pipeline_mode = #tpu.pipeline_mode<synchronous>, transform_indices = @transform_6, window_bounds = array<i64: 1, 4>}, {pipeline_mode = #tpu.pipeline_mode<synchronous>, transform_indices = @transform_7, window_bounds = array<i64: 1, 1>}, {pipeline_mode = #tpu.pipeline_mode<synchronous>, transform_indices = @transform_8, window_bounds = array<i64: 64, 1>}]} {
    %get3A = arith.constant 0 : index
    %get3A_0 = arith.constant 0 : index
    %get3A_1 = arith.constant 0 : index
    %get3A_2 = vector.load %arg1[%get3A, %get3A_0, %get3A_1] : memref<2x4x6272xf32, #tpu.memory_space<vmem>>, vector<1x4x6272xf32>
    %get3A_3 = vector.shape_cast %get3A_2 : vector<1x4x6272xf32> to vector<4x6272xf32>
    %get3A_4 = arith.constant 1 : index
    %get3A_5 = arith.constant 0 : index
    %get3A_6 = arith.constant 0 : index
    %get3A_7 = vector.load %arg1[%get3A_4, %get3A_5, %get3A_6] : memref<2x4x6272xf32, #tpu.memory_space<vmem>>, vector<1x4x6272xf32>
    %get3A_8 = vector.shape_cast %get3A_7 : vector<1x4x6272xf32> to vector<4x6272xf32>
    %add3A = arith.addf %get3A_3, %get3A_8 : vector<4x6272xf32>
    %get3A_9 = arith.constant 0 : index
    %get3A_10 = arith.constant 0 : index
    %get3A_11 = vector.load %arg2[%get3A_9, %get3A_10] : memref<2x6272xf32, #tpu.memory_space<vmem>>, vector<1x6272xf32>
    %get3A_12 = vector.shape_cast %get3A_11 : vector<1x6272xf32> to vector<6272xf32>
    %get3A_13 = arith.constant 1 : index
    %get3A_14 = arith.constant 0 : index
    %get3A_15 = vector.load %arg2[%get3A_13, %get3A_14] : memref<2x6272xf32, #tpu.memory_space<vmem>>, vector<1x6272xf32>
    %get3A_16 = vector.shape_cast %get3A_15 : vector<1x6272xf32> to vector<6272xf32>
    %add3A_17 = arith.addf %get3A_12, %get3A_16 : vector<6272xf32>
    %add3A_18 = arith.constant 1.000000e+00 : f32
    %add3A_19 = vector.broadcast %add3A_18 : f32 to vector<6272xf32>
    %add3A_20 = arith.addf %add3A_17, %add3A_19 : vector<6272xf32>
    %rsqrt3A = math.rsqrt %add3A_20 : vector<6272xf32>
    %get3A_21 = arith.constant 0 : index
    %get3A_22 = arith.constant 0 : index
    %get3A_23 = vector.load %arg5[%get3A_21, %get3A_22] : memref<4x2xf32, #tpu.memory_space<vmem>>, vector<4x1xf32>
    %get3A_24 = vector.shape_cast %get3A_23 : vector<4x1xf32> to vector<4xf32>
    %broadcast_in_dim3A = vector.shape_cast %get3A_24 : vector<4xf32> to vector<4x1xf32>
    %get3A_25 = arith.constant 0 : index
    %get3A_26 = arith.constant 0 : index
    %get3A_27 = vector.load %arg3[%get3A_25, %get3A_26] : memref<6272x2xf32, #tpu.memory_space<vmem>>, vector<6272x1xf32>
    %get3A_28 = vector.shape_cast %get3A_27 : vector<6272x1xf32> to vector<6272xf32>
    %broadcast_in_dim3A_29 = vector.shape_cast %get3A_28 : vector<6272xf32> to vector<1x6272xf32>
    %mul3A = vector.broadcast %broadcast_in_dim3A : vector<4x1xf32> to vector<4x6272xf32>
    %mul3A_30 = vector.broadcast %broadcast_in_dim3A_29 : vector<1x6272xf32> to vector<4x6272xf32>
    %mul3A_31 = arith.mulf %mul3A, %mul3A_30 : vector<4x6272xf32>
    %get3A_32 = arith.constant 0 : index
    %get3A_33 = arith.constant 1 : index
    %get3A_34 = vector.load %arg5[%get3A_32, %get3A_33] : memref<4x2xf32, #tpu.memory_space<vmem>>, vector<4x1xf32>
    %get3A_35 = vector.shape_cast %get3A_34 : vector<4x1xf32> to vector<4xf32>
    %broadcast_in_dim3A_36 = vector.shape_cast %get3A_35 : vector<4xf32> to vector<4x1xf32>
    %get3A_37 = arith.constant 0 : index
    %get3A_38 = arith.constant 1 : index
    %get3A_39 = vector.load %arg3[%get3A_37, %get3A_38] : memref<6272x2xf32, #tpu.memory_space<vmem>>, vector<6272x1xf32>
    %get3A_40 = vector.shape_cast %get3A_39 : vector<6272x1xf32> to vector<6272xf32>
    %broadcast_in_dim3A_41 = vector.shape_cast %get3A_40 : vector<6272xf32> to vector<1x6272xf32>
    %mul3A_42 = vector.broadcast %broadcast_in_dim3A_36 : vector<4x1xf32> to vector<4x6272xf32>
    %mul3A_43 = vector.broadcast %broadcast_in_dim3A_41 : vector<1x6272xf32> to vector<4x6272xf32>
    %mul3A_44 = arith.mulf %mul3A_42, %mul3A_43 : vector<4x6272xf32>
    %add3A_45 = arith.addf %mul3A_31, %mul3A_44 : vector<4x6272xf32>
    %broadcast_in_dim3A_46 = vector.shape_cast %rsqrt3A : vector<6272xf32> to vector<1x6272xf32>
    %broadcast_in_dim3A_47 = vector.shape_cast %rsqrt3A : vector<6272xf32> to vector<1x6272xf32>
    %mul3A_48 = vector.broadcast %broadcast_in_dim3A_47 : vector<1x6272xf32> to vector<4x6272xf32>
    %mul3A_49 = arith.mulf %mul3A_48, %add3A_45 : vector<4x6272xf32>
    %add3A_50 = arith.addf %add3A, %mul3A_49 : vector<4x6272xf32>
    %mul3A_51 = vector.broadcast %broadcast_in_dim3A_46 : vector<1x6272xf32> to vector<4x6272xf32>
    %mul3A_52 = arith.mulf %mul3A_51, %add3A_50 : vector<4x6272xf32>
    %get3A_53 = arith.constant 0 : index
    %get3A_54 = arith.constant 0 : index
    %get3A_55 = vector.load %arg6[%get3A_53, %get3A_54] : memref<1x4xf32, #tpu.memory_space<vmem>>, vector<1x4xf32>
    %get3A_56 = vector.shape_cast %get3A_55 : vector<1x4xf32> to vector<4xf32>
    %broadcast_in_dim3A_57 = vector.shape_cast %get3A_56 : vector<4xf32> to vector<4x1xf32>
    %add3A_58 = vector.broadcast %broadcast_in_dim3A_57 : vector<4x1xf32> to vector<4x6272xf32>
    %add3A_59 = arith.addf %mul3A_52, %add3A_58 : vector<4x6272xf32>
    %max3A = arith.constant 0.000000e+00 : f32
    %max3A_60 = vector.broadcast %max3A : f32 to vector<4x6272xf32>
    %max3A_61 = arith.maximumf %add3A_59, %max3A_60 : vector<4x6272xf32>
    %get3A_62 = arith.constant 0 : index
    %get3A_63 = arith.constant 0 : index
    %get3A_64 = vector.load %arg7[%get3A_62, %get3A_63] : memref<1x4xf32, #tpu.memory_space<vmem>>, vector<1x4xf32>
    %get3A_65 = vector.shape_cast %get3A_64 : vector<1x4xf32> to vector<4xf32>
    %broadcast_in_dim3A_66 = vector.shape_cast %get3A_65 : vector<4xf32> to vector<4x1xf32>
    %mul3A_67 = vector.broadcast %broadcast_in_dim3A_66 : vector<4x1xf32> to vector<4x6272xf32>
    %mul3A_68 = arith.mulf %max3A_61, %mul3A_67 : vector<4x6272xf32>
    %reduce_sum3A = arith.constant dense<0.000000e+00> : vector<6272xf32>
    %reduce_sum3A_69 = vector.multi_reduction <add>, %mul3A_68, %reduce_sum3A [0] : vector<4x6272xf32> to vector<6272xf32>
    %get3A_70 = arith.constant 0 : index
    %get3A_71 = arith.constant 0 : index
    %get3A_72 = vector.load %arg8[%get3A_70, %get3A_71] : memref<1x1xf32, #tpu.memory_space<vmem>>, vector<1x1xf32>
    %get3A_73 = vector.extract %get3A_72[0, 0] : f32 from vector<1x1xf32>
    %add3A_74 = vector.broadcast %get3A_73 : f32 to vector<6272xf32>
    %add3A_75 = arith.addf %reduce_sum3A_69, %add3A_74 : vector<6272xf32>
    %iota3A = tpu.iota {dimensions = array<i32: 1>} : vector<1x6272xi32>
    %iota3A_76 = vector.shape_cast %iota3A : vector<1x6272xi32> to vector<6272xi32>
    %mul3A_77 = arith.constant 6272 : i32
    %mul3A_78 = arith.muli %arg0, %mul3A_77 : i32
    %add3A_79 = vector.broadcast %mul3A_78 : i32 to vector<6272xi32>
    %add3A_80 = arith.addi %iota3A_76, %add3A_79 : vector<6272xi32>
    %lt3A = arith.constant 100000 : i32
    %lt3A_81 = vector.broadcast %lt3A : i32 to vector<6272xi32>
    %lt3A_82 = arith.cmpi slt, %add3A_80, %lt3A_81 : vector<6272xi32>
    %jit3A = arith.constant 0.000000e+00 : f32
    %broadcast_in_dim3A_83 = vector.broadcast %jit3A : f32 to vector<6272xf32>
    %select_n3A = arith.select %lt3A_82, %add3A_75, %broadcast_in_dim3A_83 : vector<6272xi1>, vector<6272xf32>
    %get3A_84 = arith.constant 0 : index
    %get3A_85 = arith.constant 0 : index
    %get3A_86 = arith.constant 0 : index
    %get3A_87 = vector.load %arg4[%get3A_84, %get3A_85, %get3A_86] : memref<1x1x6272xi32, #tpu.memory_space<vmem>>, vector<1x1x6272xi32>
    %get3A_88 = vector.shape_cast %get3A_87 : vector<1x1x6272xi32> to vector<6272xi32>
    %iota3A_89 = tpu.iota {dimensions = array<i32: 0>} : vector<64x6272xi32>
    %broadcast_in_dim3A_90 = vector.shape_cast %get3A_88 : vector<6272xi32> to vector<1x6272xi32>
    %eq3A = vector.broadcast %broadcast_in_dim3A_90 : vector<1x6272xi32> to vector<64x6272xi32>
    %eq3A_91 = arith.cmpi eq, %iota3A_89, %eq3A : vector<64x6272xi32>
    %convert_element_type3A = arith.extui %eq3A_91 : vector<64x6272xi1> to vector<64x6272xi32>
    %convert_element_type3A_92 = arith.sitofp %convert_element_type3A : vector<64x6272xi32> to vector<64x6272xf32>
    %broadcast_in_dim3A_93 = vector.shape_cast %select_n3A : vector<6272xf32> to vector<1x6272xf32>
    %mul3A_94 = vector.broadcast %broadcast_in_dim3A_93 : vector<1x6272xf32> to vector<64x6272xf32>
    %mul3A_95 = arith.mulf %convert_element_type3A_92, %mul3A_94 : vector<64x6272xf32>
    %reduce_sum3A_96 = arith.constant dense<0.000000e+00> : vector<64xf32>
    %reduce_sum3A_97 = vector.multi_reduction <add>, %mul3A_95, %reduce_sum3A_96 [1] : vector<64x6272xf32> to vector<64xf32>
    %eq3A_98 = arith.constant 0 : i32
    %eq3A_99 = arith.cmpi eq, %arg0, %eq3A_98 : i32
    %convert_element_type3A_100 = arith.extui %eq3A_99 : i1 to i32
    %cond3A = arith.constant 0 : i32
    %cond3A_101 = arith.cmpi ne, %convert_element_type3A_100, %cond3A : i32
    scf.if %cond3A_101 {
      %broadcast_in_dim3A_109 = arith.constant 0.000000e+00 : f32
      %broadcast_in_dim3A_110 = vector.broadcast %broadcast_in_dim3A_109 : f32 to vector<64x1xf32>
      %swap3A_111 = arith.constant 0 : index
      %swap3A_112 = arith.constant 0 : index
      %swap3A_113 = vector.load %arg9[%swap3A_111, %swap3A_112] : memref<64x1xf32, #tpu.memory_space<vmem>>, vector<64x1xf32>
      tpu.vector_store %arg9[%swap3A_111, %swap3A_112], %broadcast_in_dim3A_110 {strides = array<i32>} : memref<64x1xf32, #tpu.memory_space<vmem>>, vector<64x1xf32>,
    } else {
    }
    %get3A_102 = arith.constant 0 : index
    %get3A_103 = arith.constant 0 : index
    %get3A_104 = vector.load %arg9[%get3A_102, %get3A_103] : memref<64x1xf32, #tpu.memory_space<vmem>>, vector<64x1xf32>
    %broadcast_in_dim3A_105 = vector.shape_cast %reduce_sum3A_97 : vector<64xf32> to vector<64x1xf32>
    %add3A_106 = arith.addf %get3A_104, %broadcast_in_dim3A_105 : vector<64x1xf32>
    %swap3A = arith.constant 0 : index
    %swap3A_107 = arith.constant 0 : index
    %swap3A_108 = vector.load %arg9[%swap3A, %swap3A_107] : memref<64x1xf32, #tpu.memory_space<vmem>>, vector<64x1xf32>
    tpu.vector_store %arg9[%swap3A, %swap3A_107], %add3A_106 {strides = array<i32>} : memref<64x1xf32, #tpu.memory_space<vmem>>, vector<64x1xf32>,
    return
  }
  func.func @transform_0(%arg0: i32) -> (i32, i32, i32) {
    %c0_i32 = arith.constant 0 : i32
    %c0_i32_0 = arith.constant 0 : i32
    %c0_i32_1 = arith.constant 0 : i32
    return %c0_i32, %c0_i32_0, %arg0 : i32, i32, i32
  }
  func.func @transform_1(%arg0: i32) -> (i32, i32) {
    %c0_i32 = arith.constant 0 : i32
    %c0_i32_0 = arith.constant 0 : i32
    return %c0_i32, %arg0 : i32, i32
  }
  func.func @transform_2(%arg0: i32) -> (i32, i32) {
    %c0_i32 = arith.constant 0 : i32
    %c0_i32_0 = arith.constant 0 : i32
    return %arg0, %c0_i32 : i32, i32
  }
  func.func @transform_3(%arg0: i32) -> (i32, i32, i32) {
    %c0_i32 = arith.constant 0 : i32
    %c0_i32_0 = arith.constant 0 : i32
    %c0_i32_1 = arith.constant 0 : i32
    return %arg0, %c0_i32, %c0_i32_0 : i32, i32, i32
  }
  func.func @transform_4(%arg0: i32) -> (i32, i32) {
    %c0_i32 = arith.constant 0 : i32
    %c0_i32_0 = arith.constant 0 : i32
    %c0_i32_1 = arith.constant 0 : i32
    return %c0_i32, %c0_i32_0 : i32, i32
  }
  func.func @transform_5(%arg0: i32) -> (i32, i32) {
    %c0_i32 = arith.constant 0 : i32
    %c0_i32_0 = arith.constant 0 : i32
    %c0_i32_1 = arith.constant 0 : i32
    return %c0_i32, %c0_i32_0 : i32, i32
  }
  func.func @transform_6(%arg0: i32) -> (i32, i32) {
    %c0_i32 = arith.constant 0 : i32
    %c0_i32_0 = arith.constant 0 : i32
    %c0_i32_1 = arith.constant 0 : i32
    return %c0_i32, %c0_i32_0 : i32, i32
  }
  func.func @transform_7(%arg0: i32) -> (i32, i32) {
    %c0_i32 = arith.constant 0 : i32
    %c0_i32_0 = arith.constant 0 : i32
    %c0_i32_1 = arith.constant 0 : i32
    return %c0_i32, %c0_i32_0 : i32, i32
  }
  func.func @transform_8(%arg0: i32) -> (i32, i32) {
    %c0_i32 = arith.constant 0 : i32
    %c0_i32_0 = arith.constant 0 : i32
    %c0_i32_1 = arith.constant 0 : i32
    return %c0_i32, %c0_i32_0 : i32, i32
  }
}

</mosaic_0001>

<sc_bundles>
// kernel: kernel.6.cloned.1.call-start
scs
__scs_entry_jumppad:
0x0: {  	(pc) =	sbr.rel $0x88, $3  }
0x1: {  	(tag) =	ssettag $0x0;
	lr =	simm.s32 $0x1  }
0x2: {  	[smem:$0x3F99] =	sst lr;
	_ =	strace $0xD0000000  }
0x3: {  	_ = 	snop  }
0x4: {  	_ = 	snop  }
0x5: {  	_ = 	snop  }
0x6: {  	_ = 	snop  }
0x7: {  	_ = 	snop  }
__scs_overlays_trampoline_lowered:
0x8: {  	[smem:$0x3FA8] =	sst s0  }
0x9: {  	[smem:$0x3FA9] =	sst s1  }
0xa: {  	[smem:$0x3FAA] =	sst s2  }
0xb: {  	[smem:$0x3FAB] =	sst s3  }
0xc: {  	[smem:$0x3FAC] =	sst s4  }
0xd: {  	[smem:$0x3FAD] =	sst s5  }
0xe: {  	[smem:$0x3FAE] =	sst s6  }
0xf: {  	[smem:$0x3FAF] =	sst s7  }
0x10: {  	[smem:$0x3FB0] =	sst s8  }
0x11: {  	[smem:$0x3FB1] =	sst s9;
	s0 =	simm.s32 @!p0 $0x0  }
0x12: {  	s1 =	sld [smem:$0x3F97];
	s0 =	simm.s32 @p0 $0x1  }
0x13: {  	[smem:$0x3FB2] =	sst s0;
	s0 =	simm.s32 @!p1 $0x0  }
0x14: {  	s2 =	sld [smem:$0x3F96];
	s0 =	simm.s32 @p1 $0x1  }
0x15: {  	[smem:$0x3FB3] =	sst s0;
	s0 =	simm.s32 @!p2 $0x0  }
0x16: {  	s3 =	sld [smem:$0x3FDB];
	s0 =	simm.s32 @p2 $0x1  }
0x17: {  	s4 =	simm.s32 $0x1BF5;
	[smem:$0x3FB5] =	sst s0  }
0x18: {  	s0 =	sld [smem:$0x3F98];
	_ =	swait.ge [sflag:s4], $0x0  }
0x19: {  	s7 =	sld [smem:$0x3F99]  }
0x1a: {  	s8 =	sadd.s32 $0xFFFFE003, lr  }
0x1b: {  	s9 =	sadd.s32 $0xFFFFFEF7, lr;
	s5 =	simm.s32 $0xFFFFFFFF;
	p2 =	slt.u32 s8, $0xFFFFF086  }
0x1c: {  	p1 =	slt.u32 s9, $0xF7A;
	s5 =	simm.s32 @!p2 $0x0  }
0x1d: {  	s5 =	simm.s32 @p1 $0x1;
	p0 =	seq.s32 s7, s2  }
0x1e: {  	s7 =	smul.u32 @!p0 $0xF7A, s2;
	p2 =	seq.s32 @!p0 s5, $0x0  }
0x1f: {  	s9 =	smul.u32 $0xF7A, s1;
	s8 =	simm.s32 @!p0 $0x1BF5;
	p2 =	por !p2, p0  }
0x20: {  	[sflag:s8] =	ssyncset.s32 @!p0 $0xFFFFF086;
	s6 =	sadd.s32 @!p0 s3, s7;
	s7 =	simm.s32 @!p0 $0x108  }
0x21: {  	s3 =	sadd.s32 s3, s9;
	s6 =	sadd.s32 @!p0 $0x88, s6;
	s7 =	simm.s32 @p2 $0x1082  }
0x22: {  	[simem:s7], [sflag:s8] =	dma.local @!p0 [hbm:s6], $0xF7A  }
0x23: {  	s9 =	sor.u32 $0xD0000000, s2;
	s6 =	simm.s32 $0x108;
	_ =	swait.ge @!p0 [sflag:s8], $0x0  }
0x24: {  	s3 =	sadd.s32 $0x88, s3;
	s6 =	simm.s32 @!p1 $0x1082;
	[sflag:s4] =	ssyncset.s32 $0xFFFFF086  }
0x25: {  	[simem:s6], [sflag:s4] =	dma.local [hbm:s3], $0xF7A  }
0x26: {  	[smem:$0x3F99] =	sst s1;
	(tag) =	ssettag s2;
	_ =	strace s9  }
0x27: {  	s1 =	sld [smem:$0x3FA9]  }
0x28: {  	s2 =	sld [smem:$0x3FAA]  }
0x29: {  	s4 =	sld [smem:$0x3FAC]  }
0x2a: {  	p0 =	seq.s32 s5, $0x0;
	s5 =	sld [smem:$0x3FAD]  }
0x2b: {  	s6 =	sld [smem:$0x3FAE]  }
0x2c: {  	s7 =	sld [smem:$0x3FAF]  }
0x2d: {  	s3 =	simm.s32 $0x108;
	s8 =	sld [smem:$0x3FB0]  }
0x2e: {  	s3 =	simm.s32 @!p0 $0x1082;
	s9 =	sld [smem:$0x3FB1]  }
0x2f: {  	lr =	sadd.s32 s0, s3;
	s0 =	sld [smem:$0x3FA8]  }
0x30: {  	s3 =	sld [smem:$0x3FAB]  }
0x31: {  	[smem:$0x3FB4] =	sst s10  }
0x32: {  	s10 =	sld [smem:$0x3FB2];
	_ =	sdelay $0x3  }
0x33: {  	p0 =	seq.s32 s10, $0x1;
	s10 =	sld [smem:$0x3FB4];
	_ =	sdelay $0x3  }
0x34: {  	[smem:$0x3FB4] =	sst s10  }
0x35: {  	s10 =	sld [smem:$0x3FB3];
	_ =	sdelay $0x3  }
0x36: {  	p1 =	seq.s32 s10, $0x1;
	s10 =	sld [smem:$0x3FB4];
	_ =	sdelay $0x3  }
0x37: {  	[smem:$0x3FB4] =	sst s10  }
0x38: {  	s10 =	sld [smem:$0x3FB5]  }
0x39: {  	_ = 	snop;
	(pc) =	sbr.ind lr, $3  }
0x3a: {  	_ = 	snop  }
0x3b: {  	_ = 	snop  }
0x3c: {  	p2 =	seq.s32 s10, $0x1;
	s10 =	sld [smem:$0x3FB4]  }
0x3d: {  	_ =	shalt  }
0x3e: {  	_ =	shalt  }
0x3f: {  	_ =	shalt  }
0x40: {  	_ =	shalt  }
0x41: {  	_ =	shalt  }
0x42: {  	_ =	shalt  }
0x43: {  	_ =	shalt  }
0x44: {  	_ =	shalt  }
0x45: {  	_ =	shalt  }
0x46: {  	_ =	shalt  }
0x47: {  	_ =	shalt  }
0x48: {  	_ =	shalt  }
0x49: {  	_ =	shalt  }
0x4a: {  	_ =	shalt  }
0x4b: {  	_ =	shalt  }
0x4c: {  	_ =	shalt  }
0x4d: {  	_ =	shalt  }
0x4e: {  	_ =	shalt  }
0x4f: {  	_ =	shalt  }
0x50: {  	_ =	shalt  }
0x51: {  	_ =	shalt  }
0x52: {  	_ =	shalt  }
0x53: {  	_ =	shalt  }
0x54: {  	_ =	shalt  }
0x55: {  	_ =	shalt  }
0x56: {  	_ =	shalt  }
0x57: {  	_ =	shalt  }
0x58: {  	_ =	shalt  }
0x59: {  	_ =	shalt  }
0x5a: {  	_ =	shalt  }
0x5b: {  	_ =	shalt  }
0x5c: {  	_ =	shalt  }
0x5d: {  	_ =	shalt  }
0x5e: {  	_ =	shalt  }
0x5f: {  	_ =	shalt  }
0x60: {  	_ =	shalt  }
0x61: {  	_ =	shalt  }
0x62: {  	_ =	shalt  }
0x63: {  	_ =	shalt  }
0x64: {  	_ =	shalt  }
0x65: {  	_ =	shalt  }
0x66: {  	_ =	shalt  }
0x67: {  	_ =	shalt  }
0x68: {  	_ =	shalt  }
0x69: {  	_ =	shalt  }
0x6a: {  	_ =	shalt  }
0x6b: {  	_ =	shalt  }
0x6c: {  	_ =	shalt  }
0x6d: {  	_ =	shalt  }
0x6e: {  	_ =	shalt  }
0x6f: {  	_ =	shalt  }
0x70: {  	_ =	shalt  }
0x71: {  	_ =	shalt  }
0x72: {  	_ =	shalt  }
0x73: {  	_ =	shalt  }
0x74: {  	_ =	shalt  }
0x75: {  	_ =	shalt  }
0x76: {  	_ =	shalt  }
0x77: {  	_ =	shalt  }
0x78: {  	_ =	shalt  }
0x79: {  	_ =	shalt  }
0x7a: {  	_ =	shalt  }
0x7b: {  	_ =	shalt  }
0x7c: {  	_ =	shalt  }
0x7d: {  	_ =	shalt  }
0x7e: {  	_ =	shalt  }
0x7f: {  	_ =	shalt  }
0x80: {  	_ =	shalt  }
0x81: {  	_ =	shalt  }
0x82: {  	_ =	shalt  }
0x83: {  	_ =	shalt  }
0x84: {  	_ =	shalt  }
0x85: {  	_ =	shalt  }
0x86: {  	_ =	shalt  }
0x87: {  	_ =	shalt  }
.Lfunc_end0:
.L_simem_size_0:
called_computation_lowered:
.L_overlay_start_0:
0x88: {  	s2 =	sld [smem:$0x3FD9]  }
0x89: {  	s3 =	sld [smem:$0x3FFE];
	_ =	sdelay $0x1  }
0x8a: {  	s1 =	srdreg.scid  }
0x8b: {  	s0 =	sand.u32 $0x1, s1  }
0x8c: {  	s17 =	sshll.u32 s0, $0xA;
	s2 =	sadd.s32 s3, s2  }
0x8d: {  	s2 =	sadd.s32 s2, s17  }
0x8e: {  	[smem:$0x3FC0] =	sst s2  }
0x8f: {  	_ = 	snop  }
0x90: {  	s2 =	sld [smem:$0x3FC7];
	(tm) =	ssettm $0x1  }
0x91: {  	s18 =	sld [smem:$0x3FFB];
	_ =	sdelay $0x3  }
0x92: {  	_ =	strace s18  }
0x93: {  	s3 =	sld [smem:$0x3FFC];
	_ =	sdelay $0x3  }
0x94: {  	_ =	strace s3  }
0x95: {  	s3 =	sld [smem:$0x3FFD];
	_ =	sdelay $0x3  }
0x96: {  	_ =	strace s3  }
0x97: {  	_ =	strace $0x8FFFFFFF  }
0x98: {  	s19 =	sld [smem:$0x3FDB];
	_ =	sdelay $0x1  }
0x99: {  	s4 =	simm.s32 $_scs_section_size  }
0x9a: {  	s5 =	simm.s32 $_size__tile_overlayer_lowered;
	s6 =	simm.s32 $_tile_overlayer_lowered  }
0x9b: {  	s22 =	simm.s32 $0x1BFF;
	s21 =	sshll.u32 s6, $0x1;
	s3 =	sadd.s32 s4, s19  }
0x9c: {  	s7 =	simm.s32 $0x0;
	s20 =	sshll.u32 s5, $0x1;
	s5 =	sadd.s32 s21, s3  }
0x9d: {  	[timem:s7], [sflag:s22] =	dma.local [hbm:s5], s20  }
0x9e: {  	_ =	swait.ge [sflag:s22], s20  }
0x9f: {  	s4 =	ssub.s32 $0x0, s20;
	[sflag:s22] =	ssyncset.done $0x0  }
0xa0: {  	[sflag:s22] =	ssyncadd.s32 s4;
	_ =	sdelay $0x1  }
0xa1: {  	s23 =	simm.s32 $0x1B8B  }
0xa2: {  	_ =	swait.ge [sflag:s23], $0x1  }
0xa3: {  	[sflag:s23] =	ssyncset.done $0x0  }
0xa4: {  	s25 =	simm.s32 $0x1B8E;
	s24 =	sld [smem:$0x3FFE];
	[sflag:s23] =	ssyncadd.s32 $0xFFFFFFFF  }
0xa5: {  	s26 =	simm.s32 $execute0_lowered;
	[smem:$0x3FD2] =	sst s25  }
0xa6: {  	s5 =	sshll.u32 s26, $0x1;
	_ =	strace $0x80000046;
	[dreg:$0x1] =	wrdreg $0xFFFFFFFF  }
0xa7: {  	s28 =	simm.s32 $_size_execute0_lowered;
	s3 =	sadd.s32 s3, s5;
	[dreg:$0x0] =	wrdreg $0x0  }
0xa8: {  	s5 =	sshll.u32 s28, $0x1;
	[dreg:$0x2] =	wrdreg s3  }
0xa9: {  	[dreg:$0x3] =	wrdreg s5  }
0xaa: {  	[dreg:$0x4] =	wrdreg $0xC0  }
0xab: {  	_ =	task [dreg:s7], $0x5FFFF  }
0xac: {  	[dreg:$0x1] =	wrdreg $0xFFFFFFFF  }
0xad: {  	[dreg:$0x0] =	wrdreg $0x60  }
0xae: {  	[dreg:$0x2] =	wrdreg s24  }
0xaf: {  	[dreg:$0x3] =	wrdreg s2  }
0xb0: {  	[dreg:$0x4] =	wrdreg $0x8000  }
0xb1: {  	[dreg:$0x5] =	wrdreg $0x9  }
0xb2: {  	_ =	task.clear_ibuf [dreg:s7], $0x6FFFF;
	_ =	strace $0x90000046  }
0xb3: {  	s29 =	simm.s32 $0x9;
	_ =	strace $0x80000048  }
0xb4: {  	_ =	swait.ge [sflag:s29], $0x1  }
0xb5: {  	[sflag:s29] =	ssyncadd.s32 $0xFFFFFFFF  }
0xb6: {  	_ =	strace $0x90000048  }
0xb7: {  	_ =	sfence  }
0xb8: {  	s30 =	sld [smem:$0x0];
	_ =	sdelay $0x2  }
0xb9: {  	s31 =	sshll.u32 s1, $0xD;
	s1 =	sshrl.u32 s1, $0x2  }
0xba: {  	s3 =	sand.u32 $0x4000, s31;
	s1 =	sadd.s32 s1, s30  }
0xbb: {  	s0 =	sor.u32 s3, s0;
	s1 =	sshll.u32 s1, $0x11  }
0xbc: {  	s0 =	sor.u32 s1, s0  }
0xbd: {  	s0 =	sadd.s32 $0x8F2B, s0  }
0xbe: {  	[sflag:s0] =	ssyncadd.remote.s32 $0x1  }
0xbf: {  	_ =	sfence.sel $0xFFFF  }
0xc0: {  	[dreg:$0x0] =	wrdreg $0xFFFFFFFF;
	(pc) =	sbr.abs _section_cstart, $3  }
0xc1: {  	[dreg:$0x1] =	wrdreg $0xFFFFFFFF  }
0xc2: {  	_ =	task.clear_ibuf [dreg:s7], $0x2FFFF;
	_ =	strace $0x9FFFFFFF  }
0xc3: {  	(tm) =	ssettm $0x7FFFFFFF  }
tec
execute0_lowered:
.L_overlay_start_1:
0x0: {  	(tag) =	ssettag $0x1  }
0x1: {  	s0 =	rddreg [dreg:$0x0]  }
0x2: {  	s4 =	rddreg [dreg:$0x1]  }
0x3: {  	s2 =	rddreg [dreg:$0x2];
	s1 =	srdreg.scid  }
0x4: {  	s11 =	stileid.u32;
	s3 =	simm.s32 $0x0;
	s13 =	simm.s32 $0x400  }
0x5: {  	s14 =	simm.s32 $0x1;
	s15 =	simm.s32 $0x80;
	s16 =	simm.s32 $0x480  }
0x6: {  	s17 =	simm.s32 $0x100;
	s18 =	simm.s32 $0x500;
	s19 =	simm.s32 $0x180  }
0x7: {  	s20 =	simm.s32 $0x580;
	s28 =	simm.s32 $0x380;
	s29 =	simm.s32 $0x780  }
0x8: {  	s30 =	simm.s32 $0x2;
	s31 =	simm.s32 $0x0;
	s7 =	smul.u32 $0xC3, s11  }
0x9: {  	s1 =	sand.u32 $0x1, s1;
	[smem:$0x7FF] =	sst s3;
	s8 =	smul.u32 $0x1880, s11  }
0xa: {  	s12 =	sadd.s32 $0x188000, s0;
	s25 =	sshll.u32 s11, $0x6;
	s5 =	smul.u32 $0xC30, s1  }
0xb: {  	s6 =	sshll.u32 s1, $0x4;
	s9 =	smul.u32 $0x18800, s1;
	_ =	strace $0x80000047  }
0xc: {  	s1 =	ssub.s32 $0x2, s1;
	[dreg:$0x4] =	wrdreg s12;
	s12 =	simm.s32 $0x3  }
0xd: {  	s6 =	sor.u32 s11, s6;
	s24 =	sshrl.u32 s1, $0x1;
	s26 =	sadd.s32 s8, s2  }
0xe: {  	s5 =	sadd.s32 s7, s5;
	s21 =	smin.u32 s6, $0xA;
	s22 =	sadd.s32 s8, s9  }
0xf: {  	s1 =	ssub.s32 s1, s24;
	p0 =	slt.u32 s6, $0xA;
	s6 =	sor.u32 $0x1C03, s25  }
0x10: {  	s11 =	sshrl.u32 s26, $0x3;
	s24 =	simm.s32 $0x680;
	s25 =	simm.s32 $0x300  }
0x11: {  	s26 =	simm.s32 $0x700;
	s5 =	sadd.s32 s21, s5;
	s8 =	smax.u32 s1, $0x1  }
0x12: {  	s21 =	simm.s32 $0x200;
	s10 =	sshll.u32 s5, $0x7;
	s5 =	sshrl.u32 s22, $0x3  }
0x13: {  	s23 =	sadd.s32 s10, s0;
	s0 =	sadd.s32 s5, s0;
	s5 =	simm.s32 $0xC4  }
0x14: {  	s22 =	simm.s32 $0x600;
	s4 =	sadd.s32 s10, s4;
	s5 =	simm.s32 @!p0 $0xC3  }
0x15: {  	s7 =	sadd.s32 $0x188400, s0;
	s1 =	sadd.s32 $0x1400, s23;
	s23 =	simm.s32 $0x280  }
.LBB2_1:
0x16: {  	s0 =	rddreg [dreg:$0x4]  }
0x17: {  	[spmem:s11], [sflag:s6] =	dma.local [hbm:s0], $0x310  }
0x18: {  	_ =	swait.ge [sflag:s12], $0x310  }
0x19: {  	[sflag:s12] =	ssyncset.done $0x0  }
0x1a: {  	[sflag:s12] =	ssyncadd.s32 $0xFFFFFCF0  }
0x1b: {  	[bflag:$0x0] =	sbarrier.arrive $0xFFFF  }
0x1c: {  	[tilespmem:s3], [sflag:$0x1] =	stream.linear.gather [hbm4b:s1+s3], $0x400, $0x38;
	[tilespmem:$0x2080] =	vst v63  }
0x1d: {  	_ = 	snop  }
0x1e: {  	[tilespmem:s13], [sflag:$0x1] =	stream.linear.gather [hbm4b:s4+s3], $0x400, $0x38;
	[tilespmem:$0x2080] =	vst v63  }
0x1f: {  	_ =	swait.ge [sflag:s14], $0x400  }
0x20: {  	[sflag:s14] =	ssyncset.done $0x0  }
0x21: {  	[sflag:s14] =	ssyncadd.s32 $0xFFFFFC00  }
0x22: {  	_ =	swait.ge [sflag:s14], $0x400  }
0x23: {  	[sflag:s14] =	ssyncset.done $0x0  }
0x24: {  	[sflag:s14] =	ssyncadd.s32 $0xFFFFFC00  }
0x25: {  	[spmem:s2] =	stream.indirect.scatter.add.f32 [tilespmem:s13], [sflag:$0x2], $0x1, s3, s15, $0xb8;
	[tilespmem:$0x2080] =	vst v63  }
0x26: {  	_ = 	snop  }
0x27: {  	[spmem:s2] =	stream.indirect.scatter.add.f32 [tilespmem:s16], [sflag:$0x2], $0x1, s15, s15, $0xb8;
	[tilespmem:$0x2080] =	vst v63  }
0x28: {  	_ = 	snop  }
0x29: {  	[spmem:s2] =	stream.indirect.scatter.add.f32 [tilespmem:s18], [sflag:$0x2], $0x1, s17, s15, $0xb8;
	[tilespmem:$0x2080] =	vst v63  }
0x2a: {  	_ = 	snop  }
0x2b: {  	[spmem:s2] =	stream.indirect.scatter.add.f32 [tilespmem:s20], [sflag:$0x2], $0x1, s19, s15, $0xb8;
	[tilespmem:$0x2080] =	vst v63  }
0x2c: {  	_ = 	snop  }
0x2d: {  	[spmem:s2] =	stream.indirect.scatter.add.f32 [tilespmem:s22], [sflag:$0x2], $0x1, s21, s15, $0xb8;
	[tilespmem:$0x2080] =	vst v63  }
0x2e: {  	_ = 	snop  }
0x2f: {  	[spmem:s2] =	stream.indirect.scatter.add.f32 [tilespmem:s24], [sflag:$0x2], $0x1, s23, s15, $0xb8;
	[tilespmem:$0x2080] =	vst v63  }
0x30: {  	_ = 	snop  }
0x31: {  	[spmem:s2] =	stream.indirect.scatter.add.f32 [tilespmem:s26], [sflag:$0x2], $0x1, s25, s15, $0xb8;
	[tilespmem:$0x2080] =	vst v63  }
0x32: {  	_ = 	snop  }
0x33: {  	[spmem:s2] =	stream.indirect.scatter.add.f32 [tilespmem:s29], [sflag:$0x2], $0x1, s28, s15, $0xb8;
	[tilespmem:$0x2080] =	vst v63  }
0x34: {  	_ =	swait.ge [sflag:s30], $0x80  }
0x35: {  	[sflag:s30] =	ssyncset.done $0x0  }
0x36: {  	[sflag:s30] =	ssyncadd.s32 $0xFFFFFF80  }
0x37: {  	_ =	swait.ge [sflag:s30], $0x80  }
0x38: {  	[sflag:s30] =	ssyncset.done $0x0  }
0x39: {  	[sflag:s30] =	ssyncadd.s32 $0xFFFFFF80  }
0x3a: {  	_ =	swait.ge [sflag:s30], $0x80  }
0x3b: {  	[sflag:s30] =	ssyncset.done $0x0  }
0x3c: {  	[sflag:s30] =	ssyncadd.s32 $0xFFFFFF80  }
0x3d: {  	_ =	swait.ge [sflag:s30], $0x80  }
0x3e: {  	[sflag:s30] =	ssyncset.done $0x0  }
0x3f: {  	[sflag:s30] =	ssyncadd.s32 $0xFFFFFF80  }
0x40: {  	_ =	swait.ge [sflag:s30], $0x80  }
0x41: {  	[sflag:s30] =	ssyncset.done $0x0  }
0x42: {  	[sflag:s30] =	ssyncadd.s32 $0xFFFFFF80  }
0x43: {  	_ =	swait.ge [sflag:s30], $0x80  }
0x44: {  	[sflag:s30] =	ssyncset.done $0x0  }
0x45: {  	p0 =	sne.s32 s5, $0x1;
	[sflag:s30] =	ssyncadd.s32 $0xFFFFFF80  }
.Ltmp0:
0x46: {  	_ =	swait.ge [sflag:s30], $0x80;
	(pc) =	sbr.rel @!p0 .LBB2_3-.Ltmp0, $4  }
0x47: {  	[sflag:s30] =	ssyncset.done $0x0  }
0x48: {  	[sflag:s30] =	ssyncadd.s32 $0xFFFFFF80  }
0x49: {  	s9 =	smov.u32 s1;
	_ =	swait.ge [sflag:s30], $0x80  }
0x4a: {  	s10 =	smov.u32 s4;
	s0 =	sadd.s32 $0xFFFFFFFF, s5;
	[sflag:s30] =	ssyncset.done $0x0  }
.LBB2_2:
0x4b: {  	[sflag:s30] =	ssyncadd.s32 $0xFFFFFF80;
	s9 =	sadd.s32 $0x80, s9;
	s10 =	sadd.s32 $0x80, s10  }
0x4c: {  	[tilespmem:s3], [sflag:$0x1] =	stream.linear.gather [hbm4b:s9+s3], $0x400, $0x38;
	[tilespmem:$0x2080] =	vst v63  }
0x4d: {  	p0 =	sne.s32 s0, $0x1;
	s0 =	sadd.s32 $0xFFFFFFFF, s0  }
0x4e: {  	[tilespmem:s13], [sflag:$0x1] =	stream.linear.gather [hbm4b:s10+s3], $0x400, $0x38;
	[tilespmem:$0x2080] =	vst v63  }
0x4f: {  	_ =	swait.ge [sflag:s14], $0x400  }
0x50: {  	[sflag:s14] =	ssyncset.done $0x0  }
0x51: {  	[sflag:s14] =	ssyncadd.s32 $0xFFFFFC00  }
0x52: {  	_ =	swait.ge [sflag:s14], $0x400  }
0x53: {  	[sflag:s14] =	ssyncset.done $0x0  }
0x54: {  	[sflag:s14] =	ssyncadd.s32 $0xFFFFFC00  }
0x55: {  	[spmem:s2] =	stream.indirect.scatter.add.f32 [tilespmem:s13], [sflag:$0x2], $0x1, s3, s15, $0xb8;
	[tilespmem:$0x2080] =	vst v63  }
0x56: {  	_ = 	snop  }
0x57: {  	[spmem:s2] =	stream.indirect.scatter.add.f32 [tilespmem:s16], [sflag:$0x2], $0x1, s15, s15, $0xb8;
	[tilespmem:$0x2080] =	vst v63  }
0x58: {  	_ = 	snop  }
0x59: {  	[spmem:s2] =	stream.indirect.scatter.add.f32 [tilespmem:s18], [sflag:$0x2], $0x1, s17, s15, $0xb8;
	[tilespmem:$0x2080] =	vst v63  }
0x5a: {  	_ = 	snop  }
0x5b: {  	[spmem:s2] =	stream.indirect.scatter.add.f32 [tilespmem:s20], [sflag:$0x2], $0x1, s19, s15, $0xb8;
	[tilespmem:$0x2080] =	vst v63  }
0x5c: {  	_ = 	snop  }
0x5d: {  	[spmem:s2] =	stream.indirect.scatter.add.f32 [tilespmem:s22], [sflag:$0x2], $0x1, s21, s15, $0xb8;
	[tilespmem:$0x2080] =	vst v63  }
0x5e: {  	_ = 	snop  }
0x5f: {  	[spmem:s2] =	stream.indirect.scatter.add.f32 [tilespmem:s24], [sflag:$0x2], $0x1, s23, s15, $0xb8;
	[tilespmem:$0x2080] =	vst v63  }
0x60: {  	_ = 	snop  }
0x61: {  	[spmem:s2] =	stream.indirect.scatter.add.f32 [tilespmem:s26], [sflag:$0x2], $0x1, s25, s15, $0xb8;
	[tilespmem:$0x2080] =	vst v63  }
0x62: {  	_ = 	snop  }
0x63: {  	[spmem:s2] =	stream.indirect.scatter.add.f32 [tilespmem:s29], [sflag:$0x2], $0x1, s28, s15, $0xb8;
	[tilespmem:$0x2080] =	vst v63  }
0x64: {  	_ =	swait.ge [sflag:s30], $0x80  }
0x65: {  	[sflag:s30] =	ssyncset.done $0x0  }
0x66: {  	[sflag:s30] =	ssyncadd.s32 $0xFFFFFF80  }
0x67: {  	_ =	swait.ge [sflag:s30], $0x80  }
0x68: {  	[sflag:s30] =	ssyncset.done $0x0  }
0x69: {  	[sflag:s30] =	ssyncadd.s32 $0xFFFFFF80  }
0x6a: {  	_ =	swait.ge [sflag:s30], $0x80  }
0x6b: {  	[sflag:s30] =	ssyncset.done $0x0  }
0x6c: {  	[sflag:s30] =	ssyncadd.s32 $0xFFFFFF80  }
0x6d: {  	_ =	swait.ge [sflag:s30], $0x80  }
0x6e: {  	[sflag:s30] =	ssyncset.done $0x0  }
0x6f: {  	[sflag:s30] =	ssyncadd.s32 $0xFFFFFF80  }
0x70: {  	_ =	swait.ge [sflag:s30], $0x80  }
0x71: {  	[sflag:s30] =	ssyncset.done $0x0  }
0x72: {  	[sflag:s30] =	ssyncadd.s32 $0xFFFFFF80  }
0x73: {  	_ =	swait.ge [sflag:s30], $0x80  }
0x74: {  	[sflag:s30] =	ssyncset.done $0x0  }
0x75: {  	[sflag:s30] =	ssyncadd.s32 $0xFFFFFF80  }
.Ltmp1:
0x76: {  	_ =	swait.ge [sflag:s30], $0x80;
	(pc) =	sbr.rel @p0 .LBB2_2-.Ltmp1, $4  }
0x77: {  	[sflag:s30] =	ssyncset.done $0x0  }
0x78: {  	[sflag:s30] =	ssyncadd.s32 $0xFFFFFF80  }
0x79: {  	_ =	swait.ge [sflag:s30], $0x80  }
0x7a: {  	[sflag:s30] =	ssyncset.done $0x0  }
.LBB2_3:
0x7b: {  	s31 =	sadd.s32 $0x1, s31  }
0x7c: {  	[sflag:s30] =	ssyncadd.s32 $0xFFFFFF80;
	p0 =	sne.s32 s31, s8  }
.Ltmp2:
0x7d: {  	[bflag:$0x0] =	sbarrier.arrive $0xFFFF;
	(pc) =	sbr.rel @p0 .LBB2_1-.Ltmp2, $4  }
0x7e: {  	[hbm:s7], [sflag:s6] =	dma.local [spmem:s11], $0x310  }
0x7f: {  	_ =	swait.ge [sflag:s12], $0x310  }
0x80: {  	[sflag:s12] =	ssyncset.done $0x0  }
0x81: {  	[sflag:s12] =	ssyncadd.s32 $0xFFFFFCF0  }
0x82: {  	_ =	sfence.sel $0x180000  }
0x83: {  	[bflag:$0x0] =	sbarrier.arrive $0xFFFF  }
0x84: {  	_ =	strace $0x90000047  }
0x85: {  	s0 =	stileid.u32;
	[bflag:$0x2] =	sbarrier.arrive $0xFFFF  }
0x86: {  	p0 =	sne.s32 s0, $0x0;
	s0 =	rddreg [dreg:$0x3]  }
0x87: {  	s0 =	sadd.s32 @!p0 $0x100000, s0  }
0x88: {  	[sflag:s0] =	ssyncadd.tile.s32 @!p0 $0x1;
	_ =	shalt  }
.Lfunc_end2:
_tile_overlayer_lowered:
.L_overlay_start_2:
0x89: {  	(tag) =	ssettag $0x2  }
0x8a: {  	s0 =	rddreg [dreg:$0x0];
	s2 =	stileid.u32  }
0x8b: {  	s1 =	rddreg [dreg:$0x1];
	p0 =	sne.s32 s2, $0x0  }
0x8c: {  	s3 =	rddreg [dreg:$0x2];
	[bflag:$0x3] =	sbarrier.arrive $0xFFFF;
	s2 =	simm.s32 @!p0 $0x1C03  }
0x8d: {  	[timem:s3], [sflag:s2] =	dma.local @!p0 [hbm:s0], s1  }
0x8e: {  	s0 =	simm.s32 @!p0 $0x3  }
0x8f: {  	_ =	swait.ge @!p0 [sflag:s0], s1  }
0x90: {  	s1 =	ssub.s32 @!p0 $0x0, s1;
	[sflag:s0] =	ssyncset.done @!p0 $0x0  }
0x91: {  	[sflag:s0] =	ssyncadd.s32 @!p0 s1  }
0x92: {  	[bflag:$0x3] =	sbarrier.arrive $0xFFFF  }
0x93: {  	_ =	shalt  }

// kernel: kernel.9.cloned.1.call-start
scs
__scs_entry_jumppad:
0x0: {  	(pc) =	sbr.rel $0x88, $3  }
0x1: {  	(tag) =	ssettag $0x0;
	lr =	simm.s32 $0x1  }
0x2: {  	[smem:$0x3F99] =	sst lr;
	_ =	strace $0xD0000000  }
0x3: {  	_ = 	snop  }
0x4: {  	_ = 	snop  }
0x5: {  	_ = 	snop  }
0x6: {  	_ = 	snop  }
0x7: {  	_ = 	snop  }
__scs_overlays_trampoline_lowered:
0x8: {  	[smem:$0x3FA8] =	sst s0  }
0x9: {  	[smem:$0x3FA9] =	sst s1  }
0xa: {  	[smem:$0x3FAA] =	sst s2  }
0xb: {  	[smem:$0x3FAB] =	sst s3  }
0xc: {  	[smem:$0x3FAC] =	sst s4  }
0xd: {  	[smem:$0x3FAD] =	sst s5  }
0xe: {  	[smem:$0x3FAE] =	sst s6  }
0xf: {  	[smem:$0x3FAF] =	sst s7  }
0x10: {  	[smem:$0x3FB0] =	sst s8  }
0x11: {  	[smem:$0x3FB1] =	sst s9;
	s0 =	simm.s32 @!p0 $0x0  }
0x12: {  	s1 =	sld [smem:$0x3F97];
	s0 =	simm.s32 @p0 $0x1  }
0x13: {  	[smem:$0x3FB2] =	sst s0;
	s0 =	simm.s32 @!p1 $0x0  }
0x14: {  	s2 =	sld [smem:$0x3F96];
	s0 =	simm.s32 @p1 $0x1  }
0x15: {  	[smem:$0x3FB3] =	sst s0;
	s0 =	simm.s32 @!p2 $0x0  }
0x16: {  	s3 =	sld [smem:$0x3FDB];
	s0 =	simm.s32 @p2 $0x1  }
0x17: {  	s4 =	simm.s32 $0x1BF5;
	[smem:$0x3FB5] =	sst s0  }
0x18: {  	s0 =	sld [smem:$0x3F98];
	_ =	swait.ge [sflag:s4], $0x0  }
0x19: {  	s7 =	sld [smem:$0x3F99]  }
0x1a: {  	s8 =	sadd.s32 $0xFFFFE003, lr  }
0x1b: {  	s9 =	sadd.s32 $0xFFFFFEF7, lr;
	s5 =	simm.s32 $0xFFFFFFFF;
	p2 =	slt.u32 s8, $0xFFFFF086  }
0x1c: {  	p1 =	slt.u32 s9, $0xF7A;
	s5 =	simm.s32 @!p2 $0x0  }
0x1d: {  	s5 =	simm.s32 @p1 $0x1;
	p0 =	seq.s32 s7, s2  }
0x1e: {  	s7 =	smul.u32 @!p0 $0xF7A, s2;
	p2 =	seq.s32 @!p0 s5, $0x0  }
0x1f: {  	s9 =	smul.u32 $0xF7A, s1;
	s8 =	simm.s32 @!p0 $0x1BF5;
	p2 =	por !p2, p0  }
0x20: {  	[sflag:s8] =	ssyncset.s32 @!p0 $0xFFFFF086;
	s6 =	sadd.s32 @!p0 s3, s7;
	s7 =	simm.s32 @!p0 $0x108  }
0x21: {  	s3 =	sadd.s32 s3, s9;
	s6 =	sadd.s32 @!p0 $0x88, s6;
	s7 =	simm.s32 @p2 $0x1082  }
0x22: {  	[simem:s7], [sflag:s8] =	dma.local @!p0 [hbm:s6], $0xF7A  }
0x23: {  	s9 =	sor.u32 $0xD0000000, s2;
	s6 =	simm.s32 $0x108;
	_ =	swait.ge @!p0 [sflag:s8], $0x0  }
0x24: {  	s3 =	sadd.s32 $0x88, s3;
	s6 =	simm.s32 @!p1 $0x1082;
	[sflag:s4] =	ssyncset.s32 $0xFFFFF086  }
0x25: {  	[simem:s6], [sflag:s4] =	dma.local [hbm:s3], $0xF7A  }
0x26: {  	[smem:$0x3F99] =	sst s1;
	(tag) =	ssettag s2;
	_ =	strace s9  }
0x27: {  	s1 =	sld [smem:$0x3FA9]  }
0x28: {  	s2 =	sld [smem:$0x3FAA]  }
0x29: {  	s4 =	sld [smem:$0x3FAC]  }
0x2a: {  	p0 =	seq.s32 s5, $0x0;
	s5 =	sld [smem:$0x3FAD]  }
0x2b: {  	s6 =	sld [smem:$0x3FAE]  }
0x2c: {  	s7 =	sld [smem:$0x3FAF]  }
0x2d: {  	s3 =	simm.s32 $0x108;
	s8 =	sld [smem:$0x3FB0]  }
0x2e: {  	s3 =	simm.s32 @!p0 $0x1082;
	s9 =	sld [smem:$0x3FB1]  }
0x2f: {  	lr =	sadd.s32 s0, s3;
	s0 =	sld [smem:$0x3FA8]  }
0x30: {  	s3 =	sld [smem:$0x3FAB]  }
0x31: {  	[smem:$0x3FB4] =	sst s10  }
0x32: {  	s10 =	sld [smem:$0x3FB2];
	_ =	sdelay $0x3  }
0x33: {  	p0 =	seq.s32 s10, $0x1;
	s10 =	sld [smem:$0x3FB4];
	_ =	sdelay $0x3  }
0x34: {  	[smem:$0x3FB4] =	sst s10  }
0x35: {  	s10 =	sld [smem:$0x3FB3];
	_ =	sdelay $0x3  }
0x36: {  	p1 =	seq.s32 s10, $0x1;
	s10 =	sld [smem:$0x3FB4];
	_ =	sdelay $0x3  }
0x37: {  	[smem:$0x3FB4] =	sst s10  }
0x38: {  	s10 =	sld [smem:$0x3FB5]  }
0x39: {  	_ = 	snop;
	(pc) =	sbr.ind lr, $3  }
0x3a: {  	_ = 	snop  }
0x3b: {  	_ = 	snop  }
0x3c: {  	p2 =	seq.s32 s10, $0x1;
	s10 =	sld [smem:$0x3FB4]  }
0x3d: {  	_ =	shalt  }
0x3e: {  	_ =	shalt  }
0x3f: {  	_ =	shalt  }
0x40: {  	_ =	shalt  }
0x41: {  	_ =	shalt  }
0x42: {  	_ =	shalt  }
0x43: {  	_ =	shalt  }
0x44: {  	_ =	shalt  }
0x45: {  	_ =	shalt  }
0x46: {  	_ =	shalt  }
0x47: {  	_ =	shalt  }
0x48: {  	_ =	shalt  }
0x49: {  	_ =	shalt  }
0x4a: {  	_ =	shalt  }
0x4b: {  	_ =	shalt  }
0x4c: {  	_ =	shalt  }
0x4d: {  	_ =	shalt  }
0x4e: {  	_ =	shalt  }
0x4f: {  	_ =	shalt  }
0x50: {  	_ =	shalt  }
0x51: {  	_ =	shalt  }
0x52: {  	_ =	shalt  }
0x53: {  	_ =	shalt  }
0x54: {  	_ =	shalt  }
0x55: {  	_ =	shalt  }
0x56: {  	_ =	shalt  }
0x57: {  	_ =	shalt  }
0x58: {  	_ =	shalt  }
0x59: {  	_ =	shalt  }
0x5a: {  	_ =	shalt  }
0x5b: {  	_ =	shalt  }
0x5c: {  	_ =	shalt  }
0x5d: {  	_ =	shalt  }
0x5e: {  	_ =	shalt  }
0x5f: {  	_ =	shalt  }
0x60: {  	_ =	shalt  }
0x61: {  	_ =	shalt  }
0x62: {  	_ =	shalt  }
0x63: {  	_ =	shalt  }
0x64: {  	_ =	shalt  }
0x65: {  	_ =	shalt  }
0x66: {  	_ =	shalt  }
0x67: {  	_ =	shalt  }
0x68: {  	_ =	shalt  }
0x69: {  	_ =	shalt  }
0x6a: {  	_ =	shalt  }
0x6b: {  	_ =	shalt  }
0x6c: {  	_ =	shalt  }
0x6d: {  	_ =	shalt  }
0x6e: {  	_ =	shalt  }
0x6f: {  	_ =	shalt  }
0x70: {  	_ =	shalt  }
0x71: {  	_ =	shalt  }
0x72: {  	_ =	shalt  }
0x73: {  	_ =	shalt  }
0x74: {  	_ =	shalt  }
0x75: {  	_ =	shalt  }
0x76: {  	_ =	shalt  }
0x77: {  	_ =	shalt  }
0x78: {  	_ =	shalt  }
0x79: {  	_ =	shalt  }
0x7a: {  	_ =	shalt  }
0x7b: {  	_ =	shalt  }
0x7c: {  	_ =	shalt  }
0x7d: {  	_ =	shalt  }
0x7e: {  	_ =	shalt  }
0x7f: {  	_ =	shalt  }
0x80: {  	_ =	shalt  }
0x81: {  	_ =	shalt  }
0x82: {  	_ =	shalt  }
0x83: {  	_ =	shalt  }
0x84: {  	_ =	shalt  }
0x85: {  	_ =	shalt  }
0x86: {  	_ =	shalt  }
0x87: {  	_ =	shalt  }
.Lfunc_end0:
.L_simem_size_0:
called_computation.1_lowered:
.L_overlay_start_0:
0x88: {  	s2 =	sld [smem:$0x3FD9]  }
0x89: {  	s3 =	sld [smem:$0x3FFE];
	_ =	sdelay $0x1  }
0x8a: {  	s1 =	srdreg.scid  }
0x8b: {  	s0 =	sand.u32 $0x1, s1  }
0x8c: {  	s17 =	sshll.u32 s0, $0xA;
	s2 =	sadd.s32 s3, s2  }
0x8d: {  	s2 =	sadd.s32 s2, s17  }
0x8e: {  	[smem:$0x3FC0] =	sst s2  }
0x8f: {  	_ = 	snop  }
0x90: {  	s2 =	sld [smem:$0x3FC7];
	(tm) =	ssettm $0x1  }
0x91: {  	s18 =	sld [smem:$0x3FFB];
	_ =	sdelay $0x3  }
0x92: {  	_ =	strace s18  }
0x93: {  	s3 =	sld [smem:$0x3FFC];
	_ =	sdelay $0x3  }
0x94: {  	_ =	strace s3  }
0x95: {  	s3 =	sld [smem:$0x3FFD];
	_ =	sdelay $0x3  }
0x96: {  	_ =	strace s3  }
0x97: {  	_ =	strace $0x8FFFFFFF  }
0x98: {  	s19 =	sld [smem:$0x3FDB];
	_ =	sdelay $0x1  }
0x99: {  	s4 =	simm.s32 $_scs_section_size  }
0x9a: {  	s5 =	simm.s32 $_size__tile_overlayer_lowered;
	s6 =	simm.s32 $_tile_overlayer_lowered  }
0x9b: {  	s22 =	simm.s32 $0x1BFF;
	s21 =	sshll.u32 s6, $0x1;
	s3 =	sadd.s32 s4, s19  }
0x9c: {  	s7 =	simm.s32 $0x0;
	s20 =	sshll.u32 s5, $0x1;
	s5 =	sadd.s32 s21, s3  }
0x9d: {  	[timem:s7], [sflag:s22] =	dma.local [hbm:s5], s20  }
0x9e: {  	_ =	swait.ge [sflag:s22], s20  }
0x9f: {  	s4 =	ssub.s32 $0x0, s20;
	[sflag:s22] =	ssyncset.done $0x0  }
0xa0: {  	[sflag:s22] =	ssyncadd.s32 s4;
	_ =	sdelay $0x1  }
0xa1: {  	s23 =	simm.s32 $0x1B8B  }
0xa2: {  	_ =	swait.ge [sflag:s23], $0x1  }
0xa3: {  	[sflag:s23] =	ssyncset.done $0x0  }
0xa4: {  	s25 =	simm.s32 $0x1B8E;
	s24 =	sld [smem:$0x3FFE];
	[sflag:s23] =	ssyncadd.s32 $0xFFFFFFFF  }
0xa5: {  	s26 =	simm.s32 $execute0_lowered;
	[smem:$0x3FD2] =	sst s25  }
0xa6: {  	s5 =	sshll.u32 s26, $0x1;
	_ =	strace $0x80000049;
	[dreg:$0x1] =	wrdreg $0xFFFFFFFF  }
0xa7: {  	s28 =	simm.s32 $_size_execute0_lowered;
	s3 =	sadd.s32 s3, s5;
	[dreg:$0x0] =	wrdreg $0x0  }
0xa8: {  	s5 =	sshll.u32 s28, $0x1;
	[dreg:$0x2] =	wrdreg s3  }
0xa9: {  	[dreg:$0x3] =	wrdreg s5  }
0xaa: {  	[dreg:$0x4] =	wrdreg $0xC0  }
0xab: {  	_ =	task [dreg:s7], $0x5FFFF  }
0xac: {  	[dreg:$0x1] =	wrdreg $0xFFFFFFFF  }
0xad: {  	[dreg:$0x0] =	wrdreg $0x60  }
0xae: {  	[dreg:$0x2] =	wrdreg s24  }
0xaf: {  	[dreg:$0x3] =	wrdreg s2  }
0xb0: {  	[dreg:$0x4] =	wrdreg $0x72000  }
0xb1: {  	[dreg:$0x5] =	wrdreg $0x10000  }
0xb2: {  	[dreg:$0x6] =	wrdreg $0x9  }
0xb3: {  	_ =	task.clear_ibuf [dreg:s7], $0x7FFFF;
	_ =	strace $0x90000049  }
0xb4: {  	s29 =	simm.s32 $0x9;
	_ =	strace $0x8000004B  }
0xb5: {  	_ =	swait.ge [sflag:s29], $0x1  }
0xb6: {  	[sflag:s29] =	ssyncadd.s32 $0xFFFFFFFF  }
0xb7: {  	_ =	strace $0x9000004B  }
0xb8: {  	_ =	sfence  }
0xb9: {  	s30 =	sld [smem:$0x0];
	_ =	sdelay $0x2  }
0xba: {  	s31 =	sshll.u32 s1, $0xD;
	s1 =	sshrl.u32 s1, $0x2  }
0xbb: {  	s3 =	sand.u32 $0x4000, s31;
	s1 =	sadd.s32 s1, s30  }
0xbc: {  	s0 =	sor.u32 s3, s0;
	s1 =	sshll.u32 s1, $0x11  }
0xbd: {  	s0 =	sor.u32 s1, s0  }
0xbe: {  	s0 =	sadd.s32 $0x8F2B, s0  }
0xbf: {  	[sflag:s0] =	ssyncadd.remote.s32 $0x1  }
0xc0: {  	_ =	sfence.sel $0xFFFF  }
0xc1: {  	[dreg:$0x0] =	wrdreg $0xFFFFFFFF;
	(pc) =	sbr.abs _section_cstart, $3  }
0xc2: {  	[dreg:$0x1] =	wrdreg $0xFFFFFFFF  }
0xc3: {  	_ =	task.clear_ibuf [dreg:s7], $0x2FFFF;
	_ =	strace $0x9FFFFFFF  }
0xc4: {  	(tm) =	ssettm $0x7FFFFFFF  }
0xc5: {  	_ =	shalt  }
tec
execute0_lowered:
.L_overlay_start_1:
0x0: {  	(tag) =	ssettag $0x1  }
0x1: {  	s0 =	rddreg [dreg:$0x0]  }
0x2: {  	s3 =	rddreg [dreg:$0x2]  }
0x3: {  	s4 =	rddreg [dreg:$0x3]  }
0x4: {  	s2 =	srdreg.scid;
	s1 =	stileid.u32;
	s7 =	simm.s32 $0x0  }
0x5: {  	s6 =	simm.s32 $0x0;
	s28 =	simm.s32 $0xF80;
	s29 =	simm.s32 $0x3  }
0x6: {  	s2 =	sand.u32 $0x1, s2;
	s5 =	smul.u32 $0x1880, s1;
	[dreg:$0x5] =	wrdreg s6  }
0x7: {  	[smem:$0x7FF] =	sst s7;
	s6 =	sadd.s32 $0xC4A00, s0;
	s7 =	sadd.s32 $0x1400, s0  }
0x8: {  	s9 =	sadd.s32 $0x194800, s0;
	s11 =	sadd.s32 $0x188000, s0;
	s20 =	sshll.u32 s1, $0x6  }
0x9: {  	s30 =	sadd.s32 $0x18800, s4;
	s31 =	sadd.s32 $0x31000, s4;
	s8 =	smul.u32 $0x62000, s2  }
0xa: {  	_ =	strace $0x8000004A;
	s10 =	ssub.s32 $0x2, s2;
	[dreg:$0x6] =	wrdreg s11  }
0xb: {  	s16 =	sor.u32 $0x1C04, s20;
	s2 =	sshll.u32 s2, $0x4;
	s18 =	sshrl.u32 s10, $0x1  }
0xc: {  	s19 =	sadd.s32 s5, s3;
	s21 =	sshrl.u32 s5, $0x3;
	s22 =	sadd.s32 $0x18800, s5  }
0xd: {  	s12 =	sadd.s32 s5, s4;
	s13 =	sadd.s32 $0x31000, s5;
	s2 =	sor.u32 s1, s2  }
0xe: {  	s8 =	sadd.s32 s5, s8;
	[dreg:$0x7] =	wrdreg s19;
	s23 =	sadd.s32 s22, s3  }
0xf: {  	s11 =	sshrl.u32 s22, $0x3;
	s24 =	sadd.s32 s13, s3;
	s25 =	sadd.s32 s13, s4  }
0x10: {  	s5 =	sadd.s32 $0x49800, s5;
	s13 =	sshrl.u32 s13, $0x3;
	s15 =	smul.u32 $0xC3, s2  }
0x11: {  	p0 =	slt.u32 s2, $0xA;
	s19 =	simm.s32 $0xC4;
	[dreg:$0xa] =	wrdreg s23  }
0x12: {  	s8 =	sshrl.u32 s8, $0x3;
	s11 =	sadd.s32 s9, s11;
	[dreg:$0xc] =	wrdreg s24  }
0x13: {  	s14 =	sshrl.u32 s5, $0x3;
	s26 =	sadd.s32 s9, s13;
	s19 =	simm.s32 @!p0 $0xC3  }
0x14: {  	s23 =	sshrl.u32 s12, $0x3;
	s25 =	sshrl.u32 s25, $0x3;
	[dreg:$0xb] =	wrdreg s11  }
0x15: {  	s12 =	simm.s32 $0x4;
	s0 =	sadd.s32 s8, s0;
	[dreg:$0xd] =	wrdreg s26  }
0x16: {  	s8 =	ssub.s32 s10, s18;
	s10 =	sadd.s32 s9, s21;
	[dreg:$0x15] =	wrdreg s23  }
0x17: {  	s13 =	sadd.s32 s9, s14;
	s14 =	smin.u32 s2, $0xA;
	[dreg:$0x17] =	wrdreg s25  }
0x18: {  	s2 =	sadd.s32 $0x18800, s3;
	s9 =	sadd.s32 $0x31000, s3;
	[dreg:$0x9] =	wrdreg s10  }
0x19: {  	[dreg:$0xe] =	wrdreg s13;
	s17 =	sadd.s32 s14, s15;
	s15 =	sadd.s32 s5, s3  }
0x1a: {  	s11 =	sadd.s32 $0x49800, s3;
	s18 =	sadd.s32 $0x1A0C00, s0;
	[dreg:$0xf] =	wrdreg s15  }
0x1b: {  	s23 =	simm.s32 $0x2;
	s20 =	sadd.s32 $0x1A3D00, s0;
	[dreg:$0x10] =	wrdreg s18  }
0x1c: {  	s25 =	simm.s32 $0xE80;
	s21 =	sadd.s32 $0x1A6E00, s0;
	[dreg:$0x11] =	wrdreg s20  }
0x1d: {  	s10 =	sadd.s32 s22, s4;
	s0 =	sadd.s32 $0x1A9F00, s0;
	[dreg:$0x12] =	wrdreg s21  }
0x1e: {  	s5 =	sadd.s32 s5, s4;
	s22 =	smax.u32 s8, $0x1;
	[dreg:$0x13] =	wrdreg s0  }
0x1f: {  	s13 =	simm.s32 $0x400;
	s14 =	simm.s32 $0x800;
	[dreg:$0x14] =	wrdreg s22  }
0x20: {  	s24 =	sshrl.u32 s10, $0x3;
	s26 =	sshrl.u32 s5, $0x3;
	s5 =	smov.u32 s16  }
0x21: {  	s0 =	sadd.s32 $0x49800, s4;
	s15 =	simm.s32 $0x1;
	s16 =	simm.s32 $0x80  }
0x22: {  	s18 =	simm.s32 $0xC00;
	s20 =	simm.s32 $0xC80;
	[dreg:$0x16] =	wrdreg s24  }
0x23: {  	s21 =	simm.s32 $0xD00;
	s22 =	simm.s32 $0xD80;
	[dreg:$0x18] =	wrdreg s26  }
0x24: {  	s24 =	simm.s32 $0xE00;
	s26 =	simm.s32 $0xF00;
	[dreg:$0x8] =	wrdreg s5  }
.LBB2_1:
0x25: {  	s1 =	rddreg [dreg:$0x7]  }
0x26: {  	s8 =	sshrl.u32 s1, $0x3;
	s1 =	rddreg [dreg:$0x6]  }
0x27: {  	[dreg:$0x19] =	wrdreg s8  }
0x28: {  	[spmem:s8], [sflag:s5] =	dma.local [hbm:s1], $0x310  }
0x29: {  	_ =	swait.ge [sflag:s12], $0x310  }
0x2a: {  	[sflag:s12] =	ssyncset.done $0x0;
	s8 =	rddreg [dreg:$0x9]  }
0x2b: {  	s10 =	rddreg [dreg:$0x15];
	[sflag:s12] =	ssyncadd.s32 $0xFFFFFCF0  }
0x2c: {  	[spmem:s10], [sflag:s5] =	dma.local [hbm:s8], $0x310  }
0x2d: {  	_ =	swait.ge [sflag:s12], $0x310  }
0x2e: {  	s10 =	rddreg [dreg:$0xa]  }
0x2f: {  	[sflag:s12] =	ssyncset.done $0x0;
	s8 =	sshrl.u32 s10, $0x3  }
0x30: {  	[sflag:s12] =	ssyncadd.s32 $0xFFFFFCF0;
	[dreg:$0x1a] =	wrdreg s8  }
0x31: {  	[spmem:s8], [sflag:s5] =	dma.local [hbm:s1], $0x310  }
0x32: {  	_ =	swait.ge [sflag:s12], $0x310  }
0x33: {  	[sflag:s12] =	ssyncset.done $0x0;
	s8 =	rddreg [dreg:$0xb]  }
0x34: {  	s10 =	rddreg [dreg:$0x16];
	[sflag:s12] =	ssyncadd.s32 $0xFFFFFCF0  }
0x35: {  	[spmem:s10], [sflag:s5] =	dma.local [hbm:s8], $0x310  }
0x36: {  	_ =	swait.ge [sflag:s12], $0x310  }
0x37: {  	s10 =	rddreg [dreg:$0xc]  }
0x38: {  	[sflag:s12] =	ssyncset.done $0x0;
	s8 =	sshrl.u32 s10, $0x3  }
0x39: {  	[sflag:s12] =	ssyncadd.s32 $0xFFFFFCF0;
	[dreg:$0x1b] =	wrdreg s8  }
0x3a: {  	[spmem:s8], [sflag:s5] =	dma.local [hbm:s1], $0x310  }
0x3b: {  	_ =	swait.ge [sflag:s12], $0x310  }
0x3c: {  	[sflag:s12] =	ssyncset.done $0x0;
	s8 =	rddreg [dreg:$0xd]  }
0x3d: {  	s10 =	rddreg [dreg:$0x17];
	[sflag:s12] =	ssyncadd.s32 $0xFFFFFCF0  }
0x3e: {  	[spmem:s10], [sflag:s5] =	dma.local [hbm:s8], $0x310  }
0x3f: {  	_ =	swait.ge [sflag:s12], $0x310  }
0x40: {  	s10 =	rddreg [dreg:$0xf]  }
0x41: {  	[sflag:s12] =	ssyncset.done $0x0;
	s8 =	sshrl.u32 s10, $0x3  }
0x42: {  	[sflag:s12] =	ssyncadd.s32 $0xFFFFFCF0;
	[dreg:$0x1c] =	wrdreg s8  }
0x43: {  	[spmem:s8], [sflag:s5] =	dma.local [hbm:s1], $0x310  }
0x44: {  	_ =	swait.ge [sflag:s12], $0x310  }
0x45: {  	[sflag:s12] =	ssyncset.done $0x0;
	s8 =	rddreg [dreg:$0xe]  }
0x46: {  	s10 =	rddreg [dreg:$0x18];
	[sflag:s12] =	ssyncadd.s32 $0xFFFFFCF0  }
0x47: {  	[spmem:s10], [sflag:s5] =	dma.local [hbm:s8], $0x310  }
0x48: {  	_ =	swait.ge [sflag:s12], $0x310  }
0x49: {  	[sflag:s12] =	ssyncset.done $0x0  }
0x4a: {  	[sflag:s12] =	ssyncadd.s32 $0xFFFFFCF0  }
0x4b: {  	s8 =	simm.s32 $0x0;
	[bflag:$0x0] =	sbarrier.arrive $0xFFFF  }
.LBB2_2:
0x4c: {  	s5 =	sadd.s32 s8, s17  }
0x4d: {  	s5 =	sshll.u32 s5, $0x7  }
0x4e: {  	s5 =	sand.u32 $0x1FFFFF80, s5  }
0x4f: {  	s1 =	simm.s32 $0x0;
	s10 =	sadd.s32 s6, s5  }
0x50: {  	[tilespmem:s1], [sflag:$0x1] =	stream.linear.gather [hbm4b:s10+s1], $0x400, $0x38;
	[tilespmem:$0xD400] =	vst v63  }
0x51: {  	s10 =	sadd.s32 s7, s5  }
0x52: {  	[tilespmem:s13], [sflag:$0x1] =	stream.linear.gather [hbm4b:s10+s1], $0x400, $0x38;
	[tilespmem:$0xD400] =	vst v63  }
0x53: {  	s10 =	rddreg [dreg:$0x1]  }
0x54: {  	s5 =	sadd.s32 s10, s5  }
0x55: {  	[tilespmem:s14], [sflag:$0x1] =	stream.linear.gather [hbm4b:s5+s1], $0x400, $0x38;
	[tilespmem:$0xD400] =	vst v63  }
0x56: {  	_ =	swait.ge [sflag:s15], $0x400  }
0x57: {  	[sflag:s15] =	ssyncset.done $0x0  }
0x58: {  	[sflag:s15] =	ssyncadd.s32 $0xFFFFFC00  }
0x59: {  	_ =	swait.ge [sflag:s15], $0x400  }
0x5a: {  	[sflag:s15] =	ssyncset.done $0x0  }
0x5b: {  	[sflag:s15] =	ssyncadd.s32 $0xFFFFFC00  }
0x5c: {  	_ =	swait.ge [sflag:s15], $0x400  }
0x5d: {  	[sflag:s15] =	ssyncset.done $0x0  }
0x5e: {  	s5 =	simm.s32 $0x0;
	[sflag:s15] =	ssyncadd.s32 $0xFFFFFC00  }
0x5f: {  	[tilespmem:s18], [sflag:$0x2] =	stream.indirect.gather [spmem:s4], $0x1, s5, s16, $0xb8;
	[tilespmem:$0xD400] =	vst v63  }
0x60: {  	_ = 	snop  }
0x61: {  	[tilespmem:s20], [sflag:$0x2] =	stream.indirect.gather [spmem:s30], $0x1, s5, s16, $0xb8;
	[tilespmem:$0xD400] =	vst v63  }
0x62: {  	_ = 	snop  }
0x63: {  	[tilespmem:s21], [sflag:$0x2] =	stream.indirect.gather [spmem:s31], $0x1, s5, s16, $0xb8;
	[tilespmem:$0xD400] =	vst v63  }
0x64: {  	_ = 	snop  }
0x65: {  	[tilespmem:s22], [sflag:$0x2] =	stream.indirect.gather [spmem:s0], $0x1, s5, s16, $0xb8;
	[tilespmem:$0xD400] =	vst v63  }
0x66: {  	_ =	swait.ge [sflag:s23], $0x80  }
0x67: {  	[sflag:s23] =	ssyncset.done $0x0  }
0x68: {  	[sflag:s23] =	ssyncadd.s32 $0xFFFFFF80  }
0x69: {  	_ =	swait.ge [sflag:s23], $0x80  }
0x6a: {  	[sflag:s23] =	ssyncset.done $0x0  }
0x6b: {  	[sflag:s23] =	ssyncadd.s32 $0xFFFFFF80  }
0x6c: {  	_ =	swait.ge [sflag:s23], $0x80  }
0x6d: {  	[sflag:s23] =	ssyncset.done $0x0  }
0x6e: {  	[sflag:s23] =	ssyncadd.s32 $0xFFFFFF80  }
0x6f: {  	_ =	swait.ge [sflag:s23], $0x80  }
0x70: {  	[sflag:s23] =	ssyncset.done $0x0  }
0x71: {  	[sflag:s23] =	ssyncadd.s32 $0xFFFFFF80  }
0x72: {  	v0 =	vld [tilespmem:$0xC80]  }
0x73: {  	v1 =	vld [tilespmem:s5+$0x800]  }
0x74: {  	v2 =	vld [tilespmem:$0xD80]  }
0x75: {  	v3 =	vld [tilespmem:$0xC00]  }
0x76: {  	v4 =	vld [tilespmem:$0xD00];
	_ =	sdelay $0x1  }
0x77: {  	v0 =	vmul.f32 v0, v1  }
0x78: {  	v2 =	vmul.f32 v2, v1  }
0x79: {  	v3 =	vmul.f32 v3, v1;
	[tilespmem:$0xE80] =	vst v0  }
0x7a: {  	v0 =	vmul.f32 v4, v1;
	[tilespmem:$0xF80] =	vst v2  }
0x7b: {  	[tilespmem:$0xE00] =	vst v3  }
0x7c: {  	[tilespmem:$0xF00] =	vst v0;
	v0 =	vld [tilespmem:$0xC10]  }
0x7d: {  	v1 =	vld [tilespmem:s5+$0x810]  }
0x7e: {  	v2 =	vld [tilespmem:$0xC90]  }
0x7f: {  	v3 =	vld [tilespmem:$0xD10]  }
0x80: {  	v4 =	vld [tilespmem:$0xD90];
	_ =	sdelay $0x1  }
0x81: {  	v0 =	vmul.f32 v0, v1  }
0x82: {  	v2 =	vmul.f32 v2, v1  }
0x83: {  	v3 =	vmul.f32 v3, v1;
	[tilespmem:$0xE10] =	vst v0  }
0x84: {  	v0 =	vmul.f32 v4, v1;
	[tilespmem:$0xE90] =	vst v2  }
0x85: {  	[tilespmem:$0xF10] =	vst v3  }
0x86: {  	[tilespmem:$0xF90] =	vst v0;
	v0 =	vld [tilespmem:$0xC20]  }
0x87: {  	v1 =	vld [tilespmem:s5+$0x820]  }
0x88: {  	v2 =	vld [tilespmem:$0xD20]  }
0x89: {  	v3 =	vld [tilespmem:$0xCA0]  }
0x8a: {  	v4 =	vld [tilespmem:$0xDA0];
	_ =	sdelay $0x1  }
0x8b: {  	v0 =	vmul.f32 v0, v1  }
0x8c: {  	v2 =	vmul.f32 v2, v1  }
0x8d: {  	v3 =	vmul.f32 v3, v1;
	[tilespmem:$0xE20] =	vst v0  }
0x8e: {  	v0 =	vmul.f32 v4, v1;
	[tilespmem:$0xF20] =	vst v2  }
0x8f: {  	[tilespmem:$0xEA0] =	vst v3  }
0x90: {  	[tilespmem:$0xFA0] =	vst v0;
	v0 =	vld [tilespmem:$0xC30]  }
0x91: {  	v1 =	vld [tilespmem:s5+$0x830]  }
0x92: {  	v2 =	vld [tilespmem:$0xDB0]  }
0x93: {  	v3 =	vld [tilespmem:$0xCB0]  }
0x94: {  	v4 =	vld [tilespmem:$0xD30];
	_ =	sdelay $0x1  }
0x95: {  	v0 =	vmul.f32 v0, v1  }
0x96: {  	v2 =	vmul.f32 v2, v1  }
0x97: {  	v3 =	vmul.f32 v3, v1;
	[tilespmem:$0xE30] =	vst v0  }
0x98: {  	v0 =	vmul.f32 v4, v1;
	[tilespmem:$0xFB0] =	vst v2  }
0x99: {  	[tilespmem:$0xEB0] =	vst v3  }
0x9a: {  	[tilespmem:$0xF30] =	vst v0;
	v0 =	vld [tilespmem:$0xC40]  }
0x9b: {  	v1 =	vld [tilespmem:s5+$0x840]  }
0x9c: {  	v2 =	vld [tilespmem:$0xCC0]  }
0x9d: {  	v3 =	vld [tilespmem:$0xDC0]  }
0x9e: {  	v4 =	vld [tilespmem:$0xD40];
	_ =	sdelay $0x1  }
0x9f: {  	v0 =	vmul.f32 v0, v1  }
0xa0: {  	v2 =	vmul.f32 v2, v1  }
0xa1: {  	v3 =	vmul.f32 v3, v1;
	[tilespmem:$0xE40] =	vst v0  }
0xa2: {  	v0 =	vmul.f32 v4, v1;
	[tilespmem:$0xEC0] =	vst v2  }
0xa3: {  	[tilespmem:$0xFC0] =	vst v3  }
0xa4: {  	[tilespmem:$0xF40] =	vst v0;
	v0 =	vld [tilespmem:$0xC50]  }
0xa5: {  	v1 =	vld [tilespmem:s5+$0x850]  }
0xa6: {  	v2 =	vld [tilespmem:$0xDD0]  }
0xa7: {  	v3 =	vld [tilespmem:$0xCD0]  }
0xa8: {  	v4 =	vld [tilespmem:$0xD50];
	_ =	sdelay $0x1  }
0xa9: {  	v0 =	vmul.f32 v0, v1  }
0xaa: {  	v2 =	vmul.f32 v2, v1  }
0xab: {  	v3 =	vmul.f32 v3, v1;
	[tilespmem:$0xE50] =	vst v0  }
0xac: {  	v0 =	vmul.f32 v4, v1;
	[tilespmem:$0xFD0] =	vst v2  }
0xad: {  	[tilespmem:$0xED0] =	vst v3  }
0xae: {  	[tilespmem:$0xF50] =	vst v0;
	v0 =	vld [tilespmem:$0xC60]  }
0xaf: {  	v1 =	vld [tilespmem:s5+$0x860]  }
0xb0: {  	v2 =	vld [tilespmem:$0xCE0]  }
0xb1: {  	v3 =	vld [tilespmem:$0xDE0]  }
0xb2: {  	v4 =	vld [tilespmem:$0xD60];
	_ =	sdelay $0x1  }
0xb3: {  	v0 =	vmul.f32 v0, v1  }
0xb4: {  	v2 =	vmul.f32 v2, v1  }
0xb5: {  	v3 =	vmul.f32 v3, v1;
	[tilespmem:$0xE60] =	vst v0  }
0xb6: {  	v4 =	vmul.f32 v4, v1;
	v1 =	vld [tilespmem:$0xCF0];
	[tilespmem:$0xEE0] =	vst v2  }
0xb7: {  	v0 =	vld [tilespmem:$0xDF0];
	[tilespmem:$0xFE0] =	vst v3  }
0xb8: {  	[tilespmem:$0xF60] =	vst v4;
	v3 =	vld [tilespmem:$0xC70]  }
0xb9: {  	v2 =	vld [tilespmem:s5+$0x870]  }
0xba: {  	s10 =	simm.s32 $0x200;
	v4 =	vld [tilespmem:$0xD70]  }
.LBB2_3:
0xbb: {  	p0 =	sne.s32 s10, $0xE00;
	s1 =	smov.u32 s10;
	s10 =	sadd.s32 $0x200, s10  }
0xbc: {  	_ =	sdelay $0x1  }
0xbd: {  	v3 =	vmul.f32 v3, v2;
	v1 =	vmul.f32 v1, v2  }
0xbe: {  	v0 =	vmul.f32 v0, v2;
	v4 =	vmul.f32 v4, v2  }
0xbf: {  	[tilespmem:$0xE70] =	vst v3  }
0xc0: {  	[tilespmem:$0xEF0] =	vst v1  }
0xc1: {  	s5 =	sadd.s32 $0x400, s5;
	[tilespmem:$0xFF0] =	vst v0  }
0xc2: {  	[tilespmem:$0xF70] =	vst v4  }
0xc3: {  	[spmem:s3] =	stream.indirect.scatter.add.f32 [tilespmem:s24], [sflag:$0x3], $0x1, s5, s16, $0xb8;
	[tilespmem:$0xD400] =	vst v63  }
0xc4: {  	_ = 	snop  }
0xc5: {  	[spmem:s2] =	stream.indirect.scatter.add.f32 [tilespmem:s25], [sflag:$0x3], $0x1, s5, s16, $0xb8;
	[tilespmem:$0xD400] =	vst v63  }
0xc6: {  	_ = 	snop  }
0xc7: {  	[spmem:s9] =	stream.indirect.scatter.add.f32 [tilespmem:s26], [sflag:$0x3], $0x1, s5, s16, $0xb8;
	[tilespmem:$0xD400] =	vst v63  }
0xc8: {  	_ = 	snop  }
0xc9: {  	[spmem:s11] =	stream.indirect.scatter.add.f32 [tilespmem:s28], [sflag:$0x3], $0x1, s5, s16, $0xb8;
	[tilespmem:$0xD400] =	vst v63  }
0xca: {  	_ =	swait.ge [sflag:s29], $0x80  }
0xcb: {  	[sflag:s29] =	ssyncset.done $0x0  }
0xcc: {  	[sflag:s29] =	ssyncadd.s32 $0xFFFFFF80  }
0xcd: {  	_ =	swait.ge [sflag:s29], $0x80  }
0xce: {  	[sflag:s29] =	ssyncset.done $0x0  }
0xcf: {  	[sflag:s29] =	ssyncadd.s32 $0xFFFFFF80  }
0xd0: {  	_ =	swait.ge [sflag:s29], $0x80  }
0xd1: {  	[sflag:s29] =	ssyncset.done $0x0  }
0xd2: {  	[sflag:s29] =	ssyncadd.s32 $0xFFFFFF80  }
0xd3: {  	_ =	swait.ge [sflag:s29], $0x80  }
0xd4: {  	[sflag:s29] =	ssyncset.done $0x0  }
0xd5: {  	s5 =	sshra.s32 s1, $0x2;
	[sflag:s29] =	ssyncadd.s32 $0xFFFFFF80  }
0xd6: {  	[tilespmem:s18], [sflag:$0x2] =	stream.indirect.gather [spmem:s4], $0x1, s5, s16, $0xb8;
	[tilespmem:$0xD400] =	vst v63  }
0xd7: {  	_ = 	snop  }
0xd8: {  	[tilespmem:s20], [sflag:$0x2] =	stream.indirect.gather [spmem:s30], $0x1, s5, s16, $0xb8;
	[tilespmem:$0xD400] =	vst v63  }
0xd9: {  	_ = 	snop  }
0xda: {  	[tilespmem:s21], [sflag:$0x2] =	stream.indirect.gather [spmem:s31], $0x1, s5, s16, $0xb8;
	[tilespmem:$0xD400] =	vst v63  }
0xdb: {  	_ = 	snop  }
0xdc: {  	[tilespmem:s22], [sflag:$0x2] =	stream.indirect.gather [spmem:s0], $0x1, s5, s16, $0xb8;
	[tilespmem:$0xD400] =	vst v63  }
0xdd: {  	_ =	swait.ge [sflag:s23], $0x80  }
0xde: {  	[sflag:s23] =	ssyncset.done $0x0  }
0xdf: {  	[sflag:s23] =	ssyncadd.s32 $0xFFFFFF80  }
0xe0: {  	_ =	swait.ge [sflag:s23], $0x80  }
0xe1: {  	[sflag:s23] =	ssyncset.done $0x0  }
0xe2: {  	[sflag:s23] =	ssyncadd.s32 $0xFFFFFF80  }
0xe3: {  	_ =	swait.ge [sflag:s23], $0x80  }
0xe4: {  	[sflag:s23] =	ssyncset.done $0x0  }
0xe5: {  	[sflag:s23] =	ssyncadd.s32 $0xFFFFFF80  }
0xe6: {  	_ =	swait.ge [sflag:s23], $0x80  }
0xe7: {  	[sflag:s23] =	ssyncset.done $0x0  }
0xe8: {  	[sflag:s23] =	ssyncadd.s32 $0xFFFFFF80  }
0xe9: {  	v0 =	vld [tilespmem:$0xD80]  }
0xea: {  	v1 =	vld [tilespmem:$0xD00]  }
0xeb: {  	v2 =	vld [tilespmem:$0xC80]  }
0xec: {  	v3 =	vld [tilespmem:s5+$0x800]  }
0xed: {  	v4 =	vld [tilespmem:$0xC00];
	_ =	sdelay $0x3  }
0xee: {  	v2 =	vmul.f32 v2, v3  }
0xef: {  	v1 =	vmul.f32 v1, v3;
	v0 =	vmul.f32 v0, v3  }
0xf0: {  	v3 =	vmul.f32 v4, v3;
	[tilespmem:$0xE80] =	vst v2  }
0xf1: {  	[tilespmem:$0xF80] =	vst v0;
	v0 =	vld [tilespmem:$0xD90]  }
0xf2: {  	[tilespmem:$0xE00] =	vst v3;
	v2 =	vld [tilespmem:$0xC90]  }
0xf3: {  	[tilespmem:$0xF00] =	vst v1;
	v1 =	vld [tilespmem:$0xC10]  }
0xf4: {  	v3 =	vld [tilespmem:s5+$0x810]  }
0xf5: {  	v4 =	vld [tilespmem:$0xD10];
	_ =	sdelay $0x3  }
0xf6: {  	v1 =	vmul.f32 v1, v3;
	v2 =	vmul.f32 v2, v3  }
0xf7: {  	v0 =	vmul.f32 v0, v3;
	v4 =	vmul.f32 v4, v3  }
0xf8: {  	[tilespmem:$0xE10] =	vst v1  }
0xf9: {  	[tilespmem:$0xE90] =	vst v2;
	v1 =	vld [tilespmem:$0xDA0]  }
0xfa: {  	[tilespmem:$0xF10] =	vst v4;
	v2 =	vld [tilespmem:$0xCA0]  }
0xfb: {  	[tilespmem:$0xF90] =	vst v0;
	v0 =	vld [tilespmem:$0xC20]  }
0xfc: {  	v3 =	vld [tilespmem:s5+$0x820]  }
0xfd: {  	v4 =	vld [tilespmem:$0xD20];
	_ =	sdelay $0x3  }
0xfe: {  	v0 =	vmul.f32 v0, v3;
	v2 =	vmul.f32 v2, v3  }
0xff: {  	v1 =	vmul.f32 v1, v3;
	v4 =	vmul.f32 v4, v3  }
0x100: {  	[tilespmem:$0xE20] =	vst v0  }
0x101: {  	[tilespmem:$0xF20] =	vst v4;
	v0 =	vld [tilespmem:$0xDB0]  }
0x102: {  	[tilespmem:$0xEA0] =	vst v2;
	v2 =	vld [tilespmem:$0xCB0]  }
0x103: {  	[tilespmem:$0xFA0] =	vst v1;
	v1 =	vld [tilespmem:$0xC30]  }
0x104: {  	v3 =	vld [tilespmem:s5+$0x830]  }
0x105: {  	v4 =	vld [tilespmem:$0xD30];
	_ =	sdelay $0x3  }
0x106: {  	v1 =	vmul.f32 v1, v3;
	v2 =	vmul.f32 v2, v3  }
0x107: {  	v0 =	vmul.f32 v0, v3;
	v4 =	vmul.f32 v4, v3  }
0x108: {  	[tilespmem:$0xE30] =	vst v1  }
0x109: {  	[tilespmem:$0xFB0] =	vst v0;
	v0 =	vld [tilespmem:$0xDC0]  }
0x10a: {  	[tilespmem:$0xEB0] =	vst v2;
	v1 =	vld [tilespmem:$0xCC0]  }
0x10b: {  	[tilespmem:$0xF30] =	vst v4;
	v2 =	vld [tilespmem:$0xC40]  }
0x10c: {  	v3 =	vld [tilespmem:s5+$0x840]  }
0x10d: {  	v4 =	vld [tilespmem:$0xD40];
	_ =	sdelay $0x3  }
0x10e: {  	v2 =	vmul.f32 v2, v3;
	v1 =	vmul.f32 v1, v3  }
0x10f: {  	v0 =	vmul.f32 v0, v3;
	v4 =	vmul.f32 v4, v3  }
0x110: {  	[tilespmem:$0xE40] =	vst v2  }
0x111: {  	[tilespmem:$0xEC0] =	vst v1;
	v1 =	vld [tilespmem:$0xDD0]  }
0x112: {  	[tilespmem:$0xFC0] =	vst v0;
	v0 =	vld [tilespmem:$0xCD0]  }
0x113: {  	[tilespmem:$0xF40] =	vst v4;
	v2 =	vld [tilespmem:$0xC50]  }
0x114: {  	v3 =	vld [tilespmem:s5+$0x850]  }
0x115: {  	v4 =	vld [tilespmem:$0xD50];
	_ =	sdelay $0x3  }
0x116: {  	v2 =	vmul.f32 v2, v3;
	v0 =	vmul.f32 v0, v3  }
0x117: {  	v1 =	vmul.f32 v1, v3;
	v4 =	vmul.f32 v4, v3  }
0x118: {  	[tilespmem:$0xE50] =	vst v2  }
0x119: {  	[tilespmem:$0xFD0] =	vst v1;
	v1 =	vld [tilespmem:$0xDE0]  }
0x11a: {  	[tilespmem:$0xED0] =	vst v0;
	v0 =	vld [tilespmem:$0xCE0]  }
0x11b: {  	[tilespmem:$0xF50] =	vst v4;
	v2 =	vld [tilespmem:$0xC60]  }
0x11c: {  	v3 =	vld [tilespmem:s5+$0x860]  }
0x11d: {  	v4 =	vld [tilespmem:$0xD60];
	_ =	sdelay $0x3  }
0x11e: {  	v2 =	vmul.f32 v2, v3;
	v0 =	vmul.f32 v0, v3  }
0x11f: {  	v1 =	vmul.f32 v1, v3;
	v4 =	vmul.f32 v4, v3  }
0x120: {  	[tilespmem:$0xE60] =	vst v2  }
.Ltmp0:
0x121: {  	[tilespmem:$0xEE0] =	vst v0;
	v0 =	vld [tilespmem:$0xDF0];
	(pc) =	sbr.rel @p0 .LBB2_3-.Ltmp0, $4  }
0x122: {  	[tilespmem:$0xFE0] =	vst v1;
	v1 =	vld [tilespmem:$0xCF0]  }
0x123: {  	[tilespmem:$0xF60] =	vst v4;
	v3 =	vld [tilespmem:$0xC70]  }
0x124: {  	v2 =	vld [tilespmem:s5+$0x870]  }
0x125: {  	v4 =	vld [tilespmem:$0xD70]  }
0x126: {  	_ =	sdelay $0x2  }
0x127: {  	v3 =	vmul.f32 v3, v2  }
0x128: {  	v1 =	vmul.f32 v1, v2  }
0x129: {  	v0 =	vmul.f32 v0, v2;
	[tilespmem:$0xE70] =	vst v3  }
0x12a: {  	v63 =	vmul.f32 v4, v2;
	[tilespmem:$0xEF0] =	vst v1  }
0x12b: {  	[tilespmem:$0xFF0] =	vst v0  }
0x12c: {  	s1 =	sadd.s32 $0x400, s5;
	[tilespmem:$0xF70] =	vst v63  }
0x12d: {  	[spmem:s3] =	stream.indirect.scatter.add.f32 [tilespmem:s24], [sflag:$0x3], $0x1, s1, s16, $0xb8;
	[tilespmem:$0xD400] =	vst v63  }
0x12e: {  	_ = 	snop  }
0x12f: {  	[spmem:s2] =	stream.indirect.scatter.add.f32 [tilespmem:s25], [sflag:$0x3], $0x1, s1, s16, $0xb8;
	[tilespmem:$0xD400] =	vst v63  }
0x130: {  	_ = 	snop  }
0x131: {  	[spmem:s9] =	stream.indirect.scatter.add.f32 [tilespmem:s26], [sflag:$0x3], $0x1, s1, s16, $0xb8;
	[tilespmem:$0xD400] =	vst v63  }
0x132: {  	_ = 	snop  }
0x133: {  	[spmem:s11] =	stream.indirect.scatter.add.f32 [tilespmem:s28], [sflag:$0x3], $0x1, s1, s16, $0xb8;
	[tilespmem:$0xD400] =	vst v63  }
0x134: {  	_ =	swait.ge [sflag:s29], $0x80  }
0x135: {  	[sflag:s29] =	ssyncset.done $0x0  }
0x136: {  	[sflag:s29] =	ssyncadd.s32 $0xFFFFFF80  }
0x137: {  	_ =	swait.ge [sflag:s29], $0x80  }
0x138: {  	[sflag:s29] =	ssyncset.done $0x0  }
0x139: {  	s8 =	sadd.s32 $0x1, s8;
	[sflag:s29] =	ssyncadd.s32 $0xFFFFFF80  }
0x13a: {  	p0 =	sne.s32 s8, s19;
	_ =	swait.ge [sflag:s29], $0x80  }
.Ltmp1:
0x13b: {  	[sflag:s29] =	ssyncset.done $0x0;
	(pc) =	sbr.rel @p0 .LBB2_2-.Ltmp1, $4  }
0x13c: {  	[sflag:s29] =	ssyncadd.s32 $0xFFFFFF80  }
0x13d: {  	_ =	swait.ge [sflag:s29], $0x80  }
0x13e: {  	[sflag:s29] =	ssyncset.done $0x0  }
0x13f: {  	[sflag:s29] =	ssyncadd.s32 $0xFFFFFF80  }
0x140: {  	[bflag:$0x0] =	sbarrier.arrive $0xFFFF  }
0x141: {  	s5 =	rddreg [dreg:$0x8]  }
0x142: {  	s1 =	rddreg [dreg:$0x10]  }
0x143: {  	s8 =	rddreg [dreg:$0x19]  }
0x144: {  	[hbm:s1], [sflag:s5] =	dma.local [spmem:s8], $0x310  }
0x145: {  	_ =	swait.ge [sflag:s12], $0x310  }
0x146: {  	[sflag:s12] =	ssyncset.done $0x0;
	s8 =	rddreg [dreg:$0x11]  }
0x147: {  	s10 =	rddreg [dreg:$0x1a];
	[sflag:s12] =	ssyncadd.s32 $0xFFFFFCF0  }
0x148: {  	[hbm:s8], [sflag:s5] =	dma.local [spmem:s10], $0x310  }
0x149: {  	_ =	swait.ge [sflag:s12], $0x310  }
0x14a: {  	[sflag:s12] =	ssyncset.done $0x0;
	s8 =	rddreg [dreg:$0x12]  }
0x14b: {  	s10 =	rddreg [dreg:$0x1b];
	[sflag:s12] =	ssyncadd.s32 $0xFFFFFCF0  }
0x14c: {  	[hbm:s8], [sflag:s5] =	dma.local [spmem:s10], $0x310  }
0x14d: {  	_ =	swait.ge [sflag:s12], $0x310  }
0x14e: {  	[sflag:s12] =	ssyncset.done $0x0;
	s8 =	rddreg [dreg:$0x13]  }
0x14f: {  	s10 =	rddreg [dreg:$0x1c];
	[sflag:s12] =	ssyncadd.s32 $0xFFFFFCF0  }
0x150: {  	[hbm:s8], [sflag:s5] =	dma.local [spmem:s10], $0x310  }
0x151: {  	_ =	swait.ge [sflag:s12], $0x310  }
0x152: {  	s8 =	rddreg [dreg:$0x5]  }
0x153: {  	s10 =	rddreg [dreg:$0x14];
	s1 =	sadd.s32 $0x1, s8  }
0x154: {  	p0 =	sne.s32 s1, s10  }
.Ltmp2:
0x155: {  	_ = 	snop;
	(pc) =	sbr.rel @p0 .LBB2_1-.Ltmp2, $3  }
0x156: {  	_ =	sdelay $0x1  }
0x157: {  	[sflag:s12] =	ssyncset.done $0x0  }
0x158: {  	[sflag:s12] =	ssyncadd.s32 $0xFFFFFCF0;
	[dreg:$0x5] =	wrdreg s1  }
0x159: {  	_ =	sfence.sel $0x180000  }
0x15a: {  	[bflag:$0x0] =	sbarrier.arrive $0xFFFF  }
0x15b: {  	_ =	strace $0x9000004A  }
0x15c: {  	s0 =	stileid.u32;
	[bflag:$0x2] =	sbarrier.arrive $0xFFFF  }
0x15d: {  	p0 =	sne.s32 s0, $0x0;
	s0 =	rddreg [dreg:$0x4]  }
0x15e: {  	s0 =	sadd.s32 @!p0 $0x100000, s0  }
0x15f: {  	[sflag:s0] =	ssyncadd.tile.s32 @!p0 $0x1;
	_ =	shalt  }
.Lfunc_end2:
_tile_overlayer_lowered:
.L_overlay_start_2:
0x160: {  	(tag) =	ssettag $0x2  }
0x161: {  	s0 =	rddreg [dreg:$0x0];
	s2 =	stileid.u32  }
0x162: {  	s1 =	rddreg [dreg:$0x1];
	p0 =	sne.s32 s2, $0x0  }
0x163: {  	s3 =	rddreg [dreg:$0x2];
	[bflag:$0x3] =	sbarrier.arrive $0xFFFF;
	s2 =	simm.s32 @!p0 $0x1C04  }
0x164: {  	[timem:s3], [sflag:s2] =	dma.local @!p0 [hbm:s0], s1  }
0x165: {  	s0 =	simm.s32 @!p0 $0x4  }
0x166: {  	_ =	swait.ge @!p0 [sflag:s0], s1  }
0x167: {  	s1 =	ssub.s32 @!p0 $0x0, s1;
	[sflag:s0] =	ssyncset.done @!p0 $0x0  }
0x168: {  	[sflag:s0] =	ssyncadd.s32 @!p0 s1  }
0x169: {  	[bflag:$0x3] =	sbarrier.arrive $0xFFFF  }
0x16a: {  	_ =	shalt  }

</sc_bundles>
